<compile_context>
chip_gen: v7x
topology: tpu7x:2x2x1
jax: 0.10.2.dev20260603
libtpu: 0.0.44.dev20260713+nightly
codegen_flags: <defaults>
</compile_context>

<pallas_src>
import functools

import jax
import jax.numpy as jnp
from jax import lax
from jax.experimental import pallas as pl
from jax.experimental.pallas import tpu as pltpu
from jax.experimental.pallas import tpu_sc as plsc

N_NODES = 10000
N_EDGES = 320000
IN_FEATS = 128
HIDDEN = 256
NUM_CLASSES = 16

NC = 2
NS = 16
NW = NC * NS
EPW = N_EDGES // NW
K = 80
NCHUNK = EPW // K
NPAD = 10240
STRIPE = NPAD // NS

@functools.cache
def _mesh():
    return plsc.VectorSubcoreMesh(core_axis_name="c", subcore_axis_name="s")



@functools.cache
def _make_sc_degrees():

    @functools.partial(
        pl.kernel,
        mesh=_mesh(),
        out_type=jax.ShapeDtypeStruct((NC, 2, NPAD), jnp.float32),
        scratch_types=[
            pltpu.VMEM((NCHUNK, K), jnp.int32),
            pltpu.VMEM((NCHUNK, K), jnp.int32),
            pltpu.VMEM((K,), jnp.float32),
            pltpu.VMEM((STRIPE,), jnp.float32),
            pltpu.VMEM_SHARED((NPAD,), jnp.float32),
            pltpu.VMEM_SHARED((NPAD,), jnp.float32),
            pltpu.SemaphoreType.DMA,
        ],
    )
    def k(src_hbm, dst_hbm, out_hbm, idxs_v, idxd_v, ones_v, zline_v,
          dego_sh, degi_sh, sem):
        cid = lax.axis_index("c")
        sid = lax.axis_index("s")
        wid = sid * NC + cid

        def fill_ones(i, carry):
            ones_v[pl.ds(i * 16, 16)] = jnp.ones((16,), jnp.float32)
            return carry

        lax.fori_loop(0, K // 16, fill_ones, 0)

        def fill_zero(i, carry):
            zline_v[pl.ds(i * 16, 16)] = jnp.zeros((16,), jnp.float32)
            return carry

        lax.fori_loop(0, STRIPE // 16, fill_zero, 0)
        pltpu.sync_copy(src_hbm.at[wid], idxs_v)
        pltpu.sync_copy(dst_hbm.at[wid], idxd_v)
        pltpu.sync_copy(zline_v, dego_sh.at[pl.ds(sid * STRIPE, STRIPE)])
        pltpu.sync_copy(zline_v, degi_sh.at[pl.ds(sid * STRIPE, STRIPE)])
        plsc.subcore_barrier()

        def fire(j, carry):
            pltpu.async_copy(ones_v, dego_sh.at[idxs_v.at[j]], sem, add=True)
            pltpu.async_copy(ones_v, degi_sh.at[idxd_v.at[j]], sem, add=True)
            return carry

        lax.fori_loop(0, NCHUNK, fire, 0)

        def drain(j, carry):
            pltpu.make_async_copy(ones_v, dego_sh.at[idxs_v.at[j]], sem).wait()
            pltpu.make_async_copy(ones_v, degi_sh.at[idxd_v.at[j]], sem).wait()
            return carry

        lax.fori_loop(0, NCHUNK, drain, 0)
        plsc.subcore_barrier()
        pltpu.sync_copy(dego_sh.at[pl.ds(sid * STRIPE, STRIPE)],
                        out_hbm.at[cid, 0, pl.ds(sid * STRIPE, STRIPE)])
        pltpu.sync_copy(degi_sh.at[pl.ds(sid * STRIPE, STRIPE)],
                        out_hbm.at[cid, 1, pl.ds(sid * STRIPE, STRIPE)])

    return k


@functools.cache
def _make_sc_agg(d):
    nbuf = 2 if d == 128 else 4
    cp = (None if d == 128
          else pltpu.CompilerParams(use_tc_tiling_on_sc=False))

    @functools.partial(
        pl.kernel,
        mesh=_mesh(),
        out_type=jax.ShapeDtypeStruct((NC, NPAD, d), jnp.float32),
        compiler_params=cp,
        scratch_types=[
            pltpu.VMEM((EPW,), jnp.int32),
            pltpu.VMEM((NCHUNK, K), jnp.int32),
            [pltpu.VMEM((K, d), jnp.float32)] * nbuf,
            [pltpu.SemaphoreType.DMA] * nbuf,
            [pltpu.SemaphoreType.DMA] * nbuf,
            pltpu.VMEM_SHARED((NPAD, d), jnp.float32),
        ],
    )
    def k(tab_hbm, src_flat_hbm, dst_hbm, out_hbm, idxs_v, idxd_v, rows,
          gsems, ssems, agg_sh):
        cid = lax.axis_index("c")
        sid = lax.axis_index("s")
        wid = sid * NC + cid
        r0 = rows[0]

        def fill_zero(i, carry):
            def inner(j, c2):
                r0[i, pl.ds(j * 16, 16)] = jnp.zeros((16,), jnp.float32)
                return c2
            return lax.fori_loop(0, d // 16, inner, carry)

        lax.fori_loop(0, K, fill_zero, 0)
        pltpu.sync_copy(src_flat_hbm.at[pl.ds(wid * EPW, EPW)], idxs_v)
        pltpu.sync_copy(dst_hbm.at[wid], idxd_v)
        for b in range(STRIPE // K):
            pltpu.sync_copy(r0, agg_sh.at[pl.ds(sid * STRIPE + b * K, K)])
        plsc.subcore_barrier()

        def gather(c, b):
            return pltpu.async_copy(
                tab_hbm.at[idxs_v.at[pl.ds(c * K, K)]], rows[b], gsems[b])

        def gather_wait(c, b):
            pltpu.make_async_copy(
                tab_hbm.at[idxs_v.at[pl.ds(c * K, K)]], rows[b],
                gsems[b]).wait()

        def scatter(c, b):
            return pltpu.async_copy(
                rows[b], agg_sh.at[idxd_v.at[c]], ssems[b], add=True)

        def scatter_wait(c, b):
            pltpu.make_async_copy(
                rows[b], agg_sh.at[idxd_v.at[c]], ssems[b]).wait()

        pltpu.sync_copy(tab_hbm.at[idxs_v.at[pl.ds((NCHUNK - 1) * K, K)]], r0)
        pltpu.sync_copy(r0, agg_sh.at[idxd_v.at[NCHUNK - 1]], add=True)

        niter = (NCHUNK - 1) // nbuf - 1
        for b in range(nbuf):
            gather(b, b)

        def body(i, carry):
            base = i * nbuf
            for b in range(nbuf):
                gather_wait(base + b, b)
                scatter(base + b, b)
            for b in range(nbuf):
                scatter_wait(base + b, b)
                gather(base + b + nbuf, b)
            return carry

        lax.fori_loop(0, niter, body, 0)
        for b in range(nbuf):
            c = niter * nbuf + b
            gather_wait(c, b)
            scatter(c, b)
        for b in range(nbuf):
            scatter_wait(niter * nbuf + b, b)
        plsc.subcore_barrier()
        pltpu.sync_copy(agg_sh.at[pl.ds(sid * STRIPE, STRIPE)],
                        out_hbm.at[cid, pl.ds(sid * STRIPE, STRIPE)])

    return k



_BLK = 1024
_GRID = NPAD // _BLK


def _norms_body(deg_ref, x_ref, xs_ref, ns_ref, nd_ref):
    dp = deg_ref[...]
    dego = dp[0, 0] + dp[1, 0]
    degi = dp[0, 1] + dp[1, 1]
    ns = lax.rsqrt(jnp.maximum(dego, 1.0))
    nd = lax.rsqrt(jnp.maximum(degi, 1.0))
    xs_ref[...] = x_ref[...] * ns
    ns_ref[...] = ns
    nd_ref[...] = nd


def _tc_norms(degp, x_pad):
    degp4 = degp.reshape(NC, 2, NPAD, 1)
    return pl.pallas_call(
        _norms_body,
        grid=(_GRID,),
        in_specs=[
            pl.BlockSpec((NC, 2, _BLK, 1), lambda i: (0, 0, i, 0)),
            pl.BlockSpec((_BLK, IN_FEATS), lambda i: (i, 0)),
        ],
        out_specs=[
            pl.BlockSpec((_BLK, IN_FEATS), lambda i: (i, 0)),
            pl.BlockSpec((_BLK, 1), lambda i: (i, 0)),
            pl.BlockSpec((_BLK, 1), lambda i: (i, 0)),
        ],
        out_shape=[
            jax.ShapeDtypeStruct((NPAD, IN_FEATS), jnp.float32),
            jax.ShapeDtypeStruct((NPAD, 1), jnp.float32),
            jax.ShapeDtypeStruct((NPAD, 1), jnp.float32),
        ],
    )(degp4, x_pad)


def _dense_body(p_ref, nd_ref, ns_ref, w1_ref, b1_ref, w2_ref, t_ref):
    a = (p_ref[0] + p_ref[1]) * nd_ref[...]
    h = jnp.dot(a, w1_ref[...], preferred_element_type=jnp.float32,
                precision=lax.Precision.HIGHEST)
    h = jnp.maximum(h + b1_ref[...], 0.0)
    t_ref[...] = jnp.dot(h * ns_ref[...], w2_ref[...],
                         preferred_element_type=jnp.float32,
                         precision=lax.Precision.HIGHEST)


def _tc_dense(agg1p, nd, ns, W1, b1, W2):
    return pl.pallas_call(
        _dense_body,
        grid=(_GRID,),
        in_specs=[
            pl.BlockSpec((NC, _BLK, IN_FEATS), lambda i: (0, i, 0)),
            pl.BlockSpec((_BLK, 1), lambda i: (i, 0)),
            pl.BlockSpec((_BLK, 1), lambda i: (i, 0)),
            pl.BlockSpec((IN_FEATS, HIDDEN), lambda i: (0, 0)),
            pl.BlockSpec((1, HIDDEN), lambda i: (0, 0)),
            pl.BlockSpec((HIDDEN, NUM_CLASSES), lambda i: (0, 0)),
        ],
        out_specs=pl.BlockSpec((_BLK, NUM_CLASSES), lambda i: (i, 0)),
        out_shape=jax.ShapeDtypeStruct((NPAD, NUM_CLASSES), jnp.float32),
    )(agg1p, nd, ns, W1, b1.reshape(1, HIDDEN), W2)


def _final_body(p_ref, nd_ref, b2_ref, o_ref):
    o_ref[...] = (p_ref[0] + p_ref[1]) * nd_ref[...] + b2_ref[...]


def _tc_final(agg2p, nd, b2):
    return pl.pallas_call(
        _final_body,
        grid=(_GRID,),
        in_specs=[
            pl.BlockSpec((NC, _BLK, NUM_CLASSES), lambda i: (0, i, 0)),
            pl.BlockSpec((_BLK, 1), lambda i: (i, 0)),
            pl.BlockSpec((1, NUM_CLASSES), lambda i: (0, 0)),
        ],
        out_specs=pl.BlockSpec((_BLK, NUM_CLASSES), lambda i: (i, 0)),
        out_shape=jax.ShapeDtypeStruct((NPAD, NUM_CLASSES), jnp.float32),
    )(agg2p, nd, b2.reshape(1, NUM_CLASSES))



def kernel(features, edge_index, W1, b1, att_w, att_b, W2, b2):
    del att_w, att_b
    src_flat = edge_index[0].astype(jnp.int32)
    src3 = src_flat.reshape(NW, NCHUNK, K)
    dst3 = edge_index[1].astype(jnp.int32).reshape(NW, NCHUNK, K)
    x_pad = jnp.pad(features, ((0, NPAD - N_NODES), (0, 0)))

    degp = _make_sc_degrees()(src3, dst3)
    xs, ns, nd = _tc_norms(degp, x_pad)
    agg1p = _make_sc_agg(IN_FEATS)(xs, src_flat, dst3)
    t = _tc_dense(agg1p, nd, ns, W1, b1, W2)
    agg2p = _make_sc_agg(NUM_CLASSES)(t, src_flat, dst3)
    out = _tc_final(agg2p, nd, b2)
    return out[:N_NODES]

# --- scband reference (transcript-rebuilt; emitter-appended) ---
"""Pipeline reference for scband-simple-gcnwith-attention-37194416783988 (READ-ONLY COPY).

The authoritative reference and input builder live on the scoring server;
editing this copy changes nothing except your own understanding.
"""

import jax, jax.numpy as jnp
import numpy as np

N_NODES = 10000
N_EDGES = 320000
IN_FEATS = 128
HIDDEN = 256
NUM_CLASSES = 16


def setup_inputs(seed: int = 0) -> dict:
    key = jax.random.key(seed)
    ks = jax.random.split(key, 8)
    features = jax.random.normal(ks[0], (N_NODES, IN_FEATS), dtype=jnp.float32)
    edge_index = jax.random.randint(ks[1], (2, N_EDGES), 0, N_NODES, dtype=jnp.int64)
    # GraphConv weights (DGL uses xavier init; values don't matter for benchmarking)
    W1 = jax.random.normal(ks[2], (IN_FEATS, HIDDEN), dtype=jnp.float32) * (1.0 / np.sqrt(IN_FEATS))
    b1 = jnp.zeros((HIDDEN,), dtype=jnp.float32)
    att_w = jax.random.normal(ks[3], (HIDDEN, 1), dtype=jnp.float32) * (1.0 / np.sqrt(HIDDEN))
    att_b = jnp.zeros((1,), dtype=jnp.float32)
    W2 = jax.random.normal(ks[4], (HIDDEN, NUM_CLASSES), dtype=jnp.float32) * (1.0 / np.sqrt(HIDDEN))
    b2 = jnp.zeros((NUM_CLASSES,), dtype=jnp.float32)
    return {"features": features, "edge_index": edge_index, "W1": W1, "b1": b1,
            "att_w": att_w, "att_b": att_b, "W2": W2, "b2": b2}


def _graph_conv(x, W, b, src, dst, n_nodes):
    # DGL GraphConv with norm='both': h' = D_in^{-1/2} A D_out^{-1/2} x W + b
    ones = jnp.ones((src.shape[0],), dtype=x.dtype)
    deg_out = jax.ops.segment_sum(ones, src, num_segments=n_nodes)
    deg_in = jax.ops.segment_sum(ones, dst, num_segments=n_nodes)
    norm_src = jnp.power(jnp.clip(deg_out, 1.0, None), -0.5)
    norm_dst = jnp.power(jnp.clip(deg_in, 1.0, None), -0.5)
    h = x * norm_src[:, None]
    h = h @ W
    msgs = jnp.take(h, src, axis=0)
    agg = jax.ops.segment_sum(msgs, dst, num_segments=n_nodes)
    return agg * norm_dst[:, None] + b


def _attention(h, att_w, att_b):
    # a = softmax(h @ w + b, dim=1); shape [N,1] -> softmax over singleton dim (faithful to original)
    a = h @ att_w + att_b
    a = jax.nn.softmax(a, axis=1)
    return h * a


def reference(features, edge_index, W1, b1, att_w, att_b, W2, b2):
    src = edge_index[0]
    dst = edge_index[1]
    h = _graph_conv(features, W1, b1, src, dst, N_NODES)
    h = jax.nn.relu(h)
    h = _attention(h, att_w, att_b)
    h = _graph_conv(h, W2, b2, src, dst, N_NODES)
    return h

if __name__ == "__main__":
    import jax
    _d = setup_inputs()
    print(jax.jit(kernel)(*tuple(_d.values())))

</pallas_src>

<mosaic_0001>
#map = affine_map<(d0, d1) -> (0, 0)>
#map1 = affine_map<(d0, d1) -> (0)>
#map2 = affine_map<(d0, d1) -> (0, 0, 0)>
module attributes {stable_mosaic.version = 14 : i64} {
  func.func @k(%arg0: i32, %arg1: i32, %arg2: memref<10240x16xf32, #tpu.memory_space<hbm>>, %arg3: memref<320000xi32, #tpu.memory_space<hbm>>, %arg4: memref<32x125x80xi32, #tpu.memory_space<hbm>>, %arg5: memref<2x10240x16xf32, #tpu.memory_space<hbm>>, %arg6: memref<10000xi32, #tpu.memory_space<vmem>>, %arg7: memref<125x80xi32, #tpu.memory_space<vmem>>, %arg8: memref<80x16xf32, #tpu.memory_space<vmem>>, %arg9: memref<80x16xf32, #tpu.memory_space<vmem>>, %arg10: memref<80x16xf32, #tpu.memory_space<vmem>>, %arg11: memref<80x16xf32, #tpu.memory_space<vmem>>, %arg12: memref<!tpu.dma_semaphore, #tpu.memory_space<semaphore_mem>>, %arg13: memref<!tpu.dma_semaphore, #tpu.memory_space<semaphore_mem>>, %arg14: memref<!tpu.dma_semaphore, #tpu.memory_space<semaphore_mem>>, %arg15: memref<!tpu.dma_semaphore, #tpu.memory_space<semaphore_mem>>, %arg16: memref<!tpu.dma_semaphore, #tpu.memory_space<semaphore_mem>>, %arg17: memref<!tpu.dma_semaphore, #tpu.memory_space<semaphore_mem>>, %arg18: memref<!tpu.dma_semaphore, #tpu.memory_space<semaphore_mem>>, %arg19: memref<!tpu.dma_semaphore, #tpu.memory_space<semaphore_mem>>, %arg20: memref<10240x16xf32, #tpu.memory_space<vmem_shared>>) attributes {dimension_semantics = [#tpu.dimension_semantics<core_parallel>, #tpu.dimension_semantics<subcore_parallel>], iteration_bounds = array<i64: 2, 16>, scalar_prefetch = 0 : i64, scratch_operands = 15 : i64, tpu.core_type = #tpu.core_type<sc_vector_subcore>, window_params = [{transform_indices = #map}, {transform_indices = #map1}, {transform_indices = #map2}, {transform_indices = #map2}]} {
    %mul3A = arith.constant 2 : i32
    %mul3A_0 = arith.muli %arg1, %mul3A : i32
    %add3A = arith.addi %mul3A_0, %arg0 : i32
    %scan3A = arith.constant 0 : i32
    %scan3A_1 = arith.constant 0 : i32
    %scan3A_2 = arith.constant 80 : i32
    %scan3A_3 = arith.addi %scan3A_1, %scan3A_2 : i32
    %scan3A_4 = arith.constant 1 : i32
    scf.for %scan3A_145 = %scan3A_1 to %scan3A_3 step %scan3A_4  : i32 {
      %scan3A_146 = arith.constant 0 : i32
      %broadcast_in_dim3A = arith.constant 0.000000e+00 : f32
      %broadcast_in_dim3A_147 = vector.broadcast %broadcast_in_dim3A : f32 to vector<16xf32>
      %mul3A_148 = arith.constant 16 : i32
      %mul3A_149 = arith.muli %scan3A_146, %mul3A_148 : i32
      %swap3A = arith.index_cast %scan3A_145 : i32 to index
      %swap3A_150 = arith.index_cast %mul3A_149 : i32 to index
      %swap3A_151 = tpu.vector_load %arg8[%swap3A, %swap3A_150] {strides = array<i32>} : memref<80x16xf32, #tpu.memory_space<vmem>>, vector<1x16xf32>,
      %swap3A_152 = vector.shape_cast %swap3A_151 : vector<1x16xf32> to vector<16xf32>
      %swap3A_153 = vector.shape_cast %broadcast_in_dim3A_147 : vector<16xf32> to vector<1x16xf32>
      tpu.vector_store %arg8[%swap3A, %swap3A_150], %swap3A_153 {strides = array<i32>} : memref<80x16xf32, #tpu.memory_space<vmem>>, vector<1x16xf32>,
      %scan3A_154 = arith.constant 1 : i32
    }
    %scan3A_5 = arith.constant 80 : i32
    %mul3A_6 = arith.constant 10000 : i32
    %mul3A_7 = arith.muli %add3A, %mul3A_6 : i32
    "tpu.region"() ({
      %run_scoped3A_145 = tpu.sem_alloc : memref<!tpu.dma_semaphore, #tpu.memory_space<semaphore_mem>>
      %dma_start3A_146 = tpu.memref_slice %arg3[%mul3A_7] : memref<320000xi32, #tpu.memory_space<hbm>> -> memref<10000xi32, #tpu.memory_space<hbm>>
      %dma_start3A_147 = tpu.memref_slice %arg3[%mul3A_7] : memref<320000xi32, #tpu.memory_space<hbm>> -> memref<10000xi32, #tpu.memory_space<hbm>>
      tpu.enqueue_dma source(%dma_start3A_147 : memref<10000xi32, #tpu.memory_space<hbm>>) target(%arg6 : memref<10000xi32, #tpu.memory_space<vmem>>) target_semaphore(%run_scoped3A_145 : memref<!tpu.dma_semaphore, #tpu.memory_space<semaphore_mem>>)
      %dma_wait3A_148 = tpu.memref_slice %arg3[%mul3A_7] : memref<320000xi32, #tpu.memory_space<hbm>> -> memref<10000xi32, #tpu.memory_space<hbm>>
      %dma_wait3A_149 = tpu.memref_slice %arg3[%mul3A_7] : memref<320000xi32, #tpu.memory_space<hbm>> -> memref<10000xi32, #tpu.memory_space<hbm>>
      tpu.wait_dma2 semaphore(%run_scoped3A_145 : memref<!tpu.dma_semaphore, #tpu.memory_space<semaphore_mem>>) src(%dma_wait3A_149 : memref<10000xi32, #tpu.memory_space<hbm>>) dst(%arg6 : memref<10000xi32, #tpu.memory_space<vmem>>)
      tpu.yield
    }) : () -> ()
    "tpu.region"() ({
      %run_scoped3A_145 = tpu.sem_alloc : memref<!tpu.dma_semaphore, #tpu.memory_space<semaphore_mem>>
      %dma_start3A_146 = arith.constant 0 : i32
      %dma_start3A_147 = arith.constant 0 : i32
      %dma_start3A_148 = tpu.memref_slice %arg4[%add3A, %dma_start3A_146, %dma_start3A_147] : memref<32x125x80xi32, #tpu.memory_space<hbm>> -> memref<1x125x80xi32, #tpu.memory_space<hbm>>
      %dma_start3A_149 = tpu.memref_squeeze %dma_start3A_148 : memref<1x125x80xi32, #tpu.memory_space<hbm>> -> memref<125x80xi32, #tpu.memory_space<hbm>>
      %dma_start3A_150 = arith.constant 0 : i32
      %dma_start3A_151 = arith.constant 0 : i32
      %dma_start3A_152 = tpu.memref_slice %arg4[%add3A, %dma_start3A_150, %dma_start3A_151] : memref<32x125x80xi32, #tpu.memory_space<hbm>> -> memref<1x125x80xi32, #tpu.memory_space<hbm>>
      %dma_start3A_153 = tpu.memref_squeeze %dma_start3A_152 : memref<1x125x80xi32, #tpu.memory_space<hbm>> -> memref<125x80xi32, #tpu.memory_space<hbm>>
      tpu.enqueue_dma source(%dma_start3A_153 : memref<125x80xi32, #tpu.memory_space<hbm>>) target(%arg7 : memref<125x80xi32, #tpu.memory_space<vmem>>) target_semaphore(%run_scoped3A_145 : memref<!tpu.dma_semaphore, #tpu.memory_space<semaphore_mem>>)
      %dma_wait3A_154 = arith.constant 0 : i32
      %dma_wait3A_155 = arith.constant 0 : i32
      %dma_wait3A_156 = tpu.memref_slice %arg4[%add3A, %dma_wait3A_154, %dma_wait3A_155] : memref<32x125x80xi32, #tpu.memory_space<hbm>> -> memref<1x125x80xi32, #tpu.memory_space<hbm>>
      %dma_wait3A_157 = tpu.memref_squeeze %dma_wait3A_156 : memref<1x125x80xi32, #tpu.memory_space<hbm>> -> memref<125x80xi32, #tpu.memory_space<hbm>>
      %dma_wait3A_158 = arith.constant 0 : i32
      %dma_wait3A_159 = arith.constant 0 : i32
      %dma_wait3A_160 = tpu.memref_slice %arg4[%add3A, %dma_wait3A_158, %dma_wait3A_159] : memref<32x125x80xi32, #tpu.memory_space<hbm>> -> memref<1x125x80xi32, #tpu.memory_space<hbm>>
      %dma_wait3A_161 = tpu.memref_squeeze %dma_wait3A_160 : memref<1x125x80xi32, #tpu.memory_space<hbm>> -> memref<125x80xi32, #tpu.memory_space<hbm>>
      tpu.wait_dma2 semaphore(%run_scoped3A_145 : memref<!tpu.dma_semaphore, #tpu.memory_space<semaphore_mem>>) src(%dma_wait3A_161 : memref<125x80xi32, #tpu.memory_space<hbm>>) dst(%arg7 : memref<125x80xi32, #tpu.memory_space<vmem>>)
      tpu.yield
    }) : () -> ()
    %mul3A_8 = arith.constant 640 : i32
    %mul3A_9 = arith.muli %arg1, %mul3A_8 : i32
    %add3A_10 = arith.constant 0 : i32
    %add3A_11 = arith.addi %mul3A_9, %add3A_10 : i32
    "tpu.region"() ({
      %run_scoped3A_145 = tpu.sem_alloc : memref<!tpu.dma_semaphore, #tpu.memory_space<semaphore_mem>>
      %dma_start3A_146 = arith.constant 0 : i32
      %dma_start3A_147 = tpu.memref_slice %arg20[%add3A_11, %dma_start3A_146] : memref<10240x16xf32, #tpu.memory_space<vmem_shared>> -> memref<80x16xf32, #tpu.memory_space<vmem_shared>>
      %dma_start3A_148 = arith.constant 0 : i32
      %dma_start3A_149 = tpu.memref_slice %arg20[%add3A_11, %dma_start3A_148] : memref<10240x16xf32, #tpu.memory_space<vmem_shared>> -> memref<80x16xf32, #tpu.memory_space<vmem_shared>>
      tpu.enqueue_dma source(%arg8 : memref<80x16xf32, #tpu.memory_space<vmem>>) target(%dma_start3A_149 : memref<80x16xf32, #tpu.memory_space<vmem_shared>>) target_semaphore(%run_scoped3A_145 : memref<!tpu.dma_semaphore, #tpu.memory_space<semaphore_mem>>)
      %dma_wait3A_150 = arith.constant 0 : i32
      %dma_wait3A_151 = tpu.memref_slice %arg20[%add3A_11, %dma_wait3A_150] : memref<10240x16xf32, #tpu.memory_space<vmem_shared>> -> memref<80x16xf32, #tpu.memory_space<vmem_shared>>
      %dma_wait3A_152 = arith.constant 0 : i32
      %dma_wait3A_153 = tpu.memref_slice %arg20[%add3A_11, %dma_wait3A_152] : memref<10240x16xf32, #tpu.memory_space<vmem_shared>> -> memref<80x16xf32, #tpu.memory_space<vmem_shared>>
      tpu.wait_dma2 semaphore(%run_scoped3A_145 : memref<!tpu.dma_semaphore, #tpu.memory_space<semaphore_mem>>) src(%arg8 : memref<80x16xf32, #tpu.memory_space<vmem>>) dst(%dma_wait3A_153 : memref<80x16xf32, #tpu.memory_space<vmem_shared>>)
      tpu.yield
    }) : () -> ()
    %mul3A_12 = arith.constant 640 : i32
    %mul3A_13 = arith.muli %arg1, %mul3A_12 : i32
    %add3A_14 = arith.constant 80 : i32
    %add3A_15 = arith.addi %mul3A_13, %add3A_14 : i32
    "tpu.region"() ({
      %run_scoped3A_145 = tpu.sem_alloc : memref<!tpu.dma_semaphore, #tpu.memory_space<semaphore_mem>>
      %dma_start3A_146 = arith.constant 0 : i32
      %dma_start3A_147 = tpu.memref_slice %arg20[%add3A_15, %dma_start3A_146] : memref<10240x16xf32, #tpu.memory_space<vmem_shared>> -> memref<80x16xf32, #tpu.memory_space<vmem_shared>>
      %dma_start3A_148 = arith.constant 0 : i32
      %dma_start3A_149 = tpu.memref_slice %arg20[%add3A_15, %dma_start3A_148] : memref<10240x16xf32, #tpu.memory_space<vmem_shared>> -> memref<80x16xf32, #tpu.memory_space<vmem_shared>>
      tpu.enqueue_dma source(%arg8 : memref<80x16xf32, #tpu.memory_space<vmem>>) target(%dma_start3A_149 : memref<80x16xf32, #tpu.memory_space<vmem_shared>>) target_semaphore(%run_scoped3A_145 : memref<!tpu.dma_semaphore, #tpu.memory_space<semaphore_mem>>)
      %dma_wait3A_150 = arith.constant 0 : i32
      %dma_wait3A_151 = tpu.memref_slice %arg20[%add3A_15, %dma_wait3A_150] : memref<10240x16xf32, #tpu.memory_space<vmem_shared>> -> memref<80x16xf32, #tpu.memory_space<vmem_shared>>
      %dma_wait3A_152 = arith.constant 0 : i32
      %dma_wait3A_153 = tpu.memref_slice %arg20[%add3A_15, %dma_wait3A_152] : memref<10240x16xf32, #tpu.memory_space<vmem_shared>> -> memref<80x16xf32, #tpu.memory_space<vmem_shared>>
      tpu.wait_dma2 semaphore(%run_scoped3A_145 : memref<!tpu.dma_semaphore, #tpu.memory_space<semaphore_mem>>) src(%arg8 : memref<80x16xf32, #tpu.memory_space<vmem>>) dst(%dma_wait3A_153 : memref<80x16xf32, #tpu.memory_space<vmem_shared>>)
      tpu.yield
    }) : () -> ()
    %mul3A_16 = arith.constant 640 : i32
    %mul3A_17 = arith.muli %arg1, %mul3A_16 : i32
    %add3A_18 = arith.constant 160 : i32
    %add3A_19 = arith.addi %mul3A_17, %add3A_18 : i32
    "tpu.region"() ({
      %run_scoped3A_145 = tpu.sem_alloc : memref<!tpu.dma_semaphore, #tpu.memory_space<semaphore_mem>>
      %dma_start3A_146 = arith.constant 0 : i32
      %dma_start3A_147 = tpu.memref_slice %arg20[%add3A_19, %dma_start3A_146] : memref<10240x16xf32, #tpu.memory_space<vmem_shared>> -> memref<80x16xf32, #tpu.memory_space<vmem_shared>>
      %dma_start3A_148 = arith.constant 0 : i32
      %dma_start3A_149 = tpu.memref_slice %arg20[%add3A_19, %dma_start3A_148] : memref<10240x16xf32, #tpu.memory_space<vmem_shared>> -> memref<80x16xf32, #tpu.memory_space<vmem_shared>>
      tpu.enqueue_dma source(%arg8 : memref<80x16xf32, #tpu.memory_space<vmem>>) target(%dma_start3A_149 : memref<80x16xf32, #tpu.memory_space<vmem_shared>>) target_semaphore(%run_scoped3A_145 : memref<!tpu.dma_semaphore, #tpu.memory_space<semaphore_mem>>)
      %dma_wait3A_150 = arith.constant 0 : i32
      %dma_wait3A_151 = tpu.memref_slice %arg20[%add3A_19, %dma_wait3A_150] : memref<10240x16xf32, #tpu.memory_space<vmem_shared>> -> memref<80x16xf32, #tpu.memory_space<vmem_shared>>
      %dma_wait3A_152 = arith.constant 0 : i32
      %dma_wait3A_153 = tpu.memref_slice %arg20[%add3A_19, %dma_wait3A_152] : memref<10240x16xf32, #tpu.memory_space<vmem_shared>> -> memref<80x16xf32, #tpu.memory_space<vmem_shared>>
      tpu.wait_dma2 semaphore(%run_scoped3A_145 : memref<!tpu.dma_semaphore, #tpu.memory_space<semaphore_mem>>) src(%arg8 : memref<80x16xf32, #tpu.memory_space<vmem>>) dst(%dma_wait3A_153 : memref<80x16xf32, #tpu.memory_space<vmem_shared>>)
      tpu.yield
    }) : () -> ()
    %mul3A_20 = arith.constant 640 : i32
    %mul3A_21 = arith.muli %arg1, %mul3A_20 : i32
    %add3A_22 = arith.constant 240 : i32
    %add3A_23 = arith.addi %mul3A_21, %add3A_22 : i32
    "tpu.region"() ({
      %run_scoped3A_145 = tpu.sem_alloc : memref<!tpu.dma_semaphore, #tpu.memory_space<semaphore_mem>>
      %dma_start3A_146 = arith.constant 0 : i32
      %dma_start3A_147 = tpu.memref_slice %arg20[%add3A_23, %dma_start3A_146] : memref<10240x16xf32, #tpu.memory_space<vmem_shared>> -> memref<80x16xf32, #tpu.memory_space<vmem_shared>>
      %dma_start3A_148 = arith.constant 0 : i32
      %dma_start3A_149 = tpu.memref_slice %arg20[%add3A_23, %dma_start3A_148] : memref<10240x16xf32, #tpu.memory_space<vmem_shared>> -> memref<80x16xf32, #tpu.memory_space<vmem_shared>>
      tpu.enqueue_dma source(%arg8 : memref<80x16xf32, #tpu.memory_space<vmem>>) target(%dma_start3A_149 : memref<80x16xf32, #tpu.memory_space<vmem_shared>>) target_semaphore(%run_scoped3A_145 : memref<!tpu.dma_semaphore, #tpu.memory_space<semaphore_mem>>)
      %dma_wait3A_150 = arith.constant 0 : i32
      %dma_wait3A_151 = tpu.memref_slice %arg20[%add3A_23, %dma_wait3A_150] : memref<10240x16xf32, #tpu.memory_space<vmem_shared>> -> memref<80x16xf32, #tpu.memory_space<vmem_shared>>
      %dma_wait3A_152 = arith.constant 0 : i32
      %dma_wait3A_153 = tpu.memref_slice %arg20[%add3A_23, %dma_wait3A_152] : memref<10240x16xf32, #tpu.memory_space<vmem_shared>> -> memref<80x16xf32, #tpu.memory_space<vmem_shared>>
      tpu.wait_dma2 semaphore(%run_scoped3A_145 : memref<!tpu.dma_semaphore, #tpu.memory_space<semaphore_mem>>) src(%arg8 : memref<80x16xf32, #tpu.memory_space<vmem>>) dst(%dma_wait3A_153 : memref<80x16xf32, #tpu.memory_space<vmem_shared>>)
      tpu.yield
    }) : () -> ()
    %mul3A_24 = arith.constant 640 : i32
    %mul3A_25 = arith.muli %arg1, %mul3A_24 : i32
    %add3A_26 = arith.constant 320 : i32
    %add3A_27 = arith.addi %mul3A_25, %add3A_26 : i32
    "tpu.region"() ({
      %run_scoped3A_145 = tpu.sem_alloc : memref<!tpu.dma_semaphore, #tpu.memory_space<semaphore_mem>>
      %dma_start3A_146 = arith.constant 0 : i32
      %dma_start3A_147 = tpu.memref_slice %arg20[%add3A_27, %dma_start3A_146] : memref<10240x16xf32, #tpu.memory_space<vmem_shared>> -> memref<80x16xf32, #tpu.memory_space<vmem_shared>>
      %dma_start3A_148 = arith.constant 0 : i32
      %dma_start3A_149 = tpu.memref_slice %arg20[%add3A_27, %dma_start3A_148] : memref<10240x16xf32, #tpu.memory_space<vmem_shared>> -> memref<80x16xf32, #tpu.memory_space<vmem_shared>>
      tpu.enqueue_dma source(%arg8 : memref<80x16xf32, #tpu.memory_space<vmem>>) target(%dma_start3A_149 : memref<80x16xf32, #tpu.memory_space<vmem_shared>>) target_semaphore(%run_scoped3A_145 : memref<!tpu.dma_semaphore, #tpu.memory_space<semaphore_mem>>)
      %dma_wait3A_150 = arith.constant 0 : i32
      %dma_wait3A_151 = tpu.memref_slice %arg20[%add3A_27, %dma_wait3A_150] : memref<10240x16xf32, #tpu.memory_space<vmem_shared>> -> memref<80x16xf32, #tpu.memory_space<vmem_shared>>
      %dma_wait3A_152 = arith.constant 0 : i32
      %dma_wait3A_153 = tpu.memref_slice %arg20[%add3A_27, %dma_wait3A_152] : memref<10240x16xf32, #tpu.memory_space<vmem_shared>> -> memref<80x16xf32, #tpu.memory_space<vmem_shared>>
      tpu.wait_dma2 semaphore(%run_scoped3A_145 : memref<!tpu.dma_semaphore, #tpu.memory_space<semaphore_mem>>) src(%arg8 : memref<80x16xf32, #tpu.memory_space<vmem>>) dst(%dma_wait3A_153 : memref<80x16xf32, #tpu.memory_space<vmem_shared>>)
      tpu.yield
    }) : () -> ()
    %mul3A_28 = arith.constant 640 : i32
    %mul3A_29 = arith.muli %arg1, %mul3A_28 : i32
    %add3A_30 = arith.constant 400 : i32
    %add3A_31 = arith.addi %mul3A_29, %add3A_30 : i32
    "tpu.region"() ({
      %run_scoped3A_145 = tpu.sem_alloc : memref<!tpu.dma_semaphore, #tpu.memory_space<semaphore_mem>>
      %dma_start3A_146 = arith.constant 0 : i32
      %dma_start3A_147 = tpu.memref_slice %arg20[%add3A_31, %dma_start3A_146] : memref<10240x16xf32, #tpu.memory_space<vmem_shared>> -> memref<80x16xf32, #tpu.memory_space<vmem_shared>>
      %dma_start3A_148 = arith.constant 0 : i32
      %dma_start3A_149 = tpu.memref_slice %arg20[%add3A_31, %dma_start3A_148] : memref<10240x16xf32, #tpu.memory_space<vmem_shared>> -> memref<80x16xf32, #tpu.memory_space<vmem_shared>>
      tpu.enqueue_dma source(%arg8 : memref<80x16xf32, #tpu.memory_space<vmem>>) target(%dma_start3A_149 : memref<80x16xf32, #tpu.memory_space<vmem_shared>>) target_semaphore(%run_scoped3A_145 : memref<!tpu.dma_semaphore, #tpu.memory_space<semaphore_mem>>)
      %dma_wait3A_150 = arith.constant 0 : i32
      %dma_wait3A_151 = tpu.memref_slice %arg20[%add3A_31, %dma_wait3A_150] : memref<10240x16xf32, #tpu.memory_space<vmem_shared>> -> memref<80x16xf32, #tpu.memory_space<vmem_shared>>
      %dma_wait3A_152 = arith.constant 0 : i32
      %dma_wait3A_153 = tpu.memref_slice %arg20[%add3A_31, %dma_wait3A_152] : memref<10240x16xf32, #tpu.memory_space<vmem_shared>> -> memref<80x16xf32, #tpu.memory_space<vmem_shared>>
      tpu.wait_dma2 semaphore(%run_scoped3A_145 : memref<!tpu.dma_semaphore, #tpu.memory_space<semaphore_mem>>) src(%arg8 : memref<80x16xf32, #tpu.memory_space<vmem>>) dst(%dma_wait3A_153 : memref<80x16xf32, #tpu.memory_space<vmem_shared>>)
      tpu.yield
    }) : () -> ()
    %mul3A_32 = arith.constant 640 : i32
    %mul3A_33 = arith.muli %arg1, %mul3A_32 : i32
    %add3A_34 = arith.constant 480 : i32
    %add3A_35 = arith.addi %mul3A_33, %add3A_34 : i32
    "tpu.region"() ({
      %run_scoped3A_145 = tpu.sem_alloc : memref<!tpu.dma_semaphore, #tpu.memory_space<semaphore_mem>>
      %dma_start3A_146 = arith.constant 0 : i32
      %dma_start3A_147 = tpu.memref_slice %arg20[%add3A_35, %dma_start3A_146] : memref<10240x16xf32, #tpu.memory_space<vmem_shared>> -> memref<80x16xf32, #tpu.memory_space<vmem_shared>>
      %dma_start3A_148 = arith.constant 0 : i32
      %dma_start3A_149 = tpu.memref_slice %arg20[%add3A_35, %dma_start3A_148] : memref<10240x16xf32, #tpu.memory_space<vmem_shared>> -> memref<80x16xf32, #tpu.memory_space<vmem_shared>>
      tpu.enqueue_dma source(%arg8 : memref<80x16xf32, #tpu.memory_space<vmem>>) target(%dma_start3A_149 : memref<80x16xf32, #tpu.memory_space<vmem_shared>>) target_semaphore(%run_scoped3A_145 : memref<!tpu.dma_semaphore, #tpu.memory_space<semaphore_mem>>)
      %dma_wait3A_150 = arith.constant 0 : i32
      %dma_wait3A_151 = tpu.memref_slice %arg20[%add3A_35, %dma_wait3A_150] : memref<10240x16xf32, #tpu.memory_space<vmem_shared>> -> memref<80x16xf32, #tpu.memory_space<vmem_shared>>
      %dma_wait3A_152 = arith.constant 0 : i32
      %dma_wait3A_153 = tpu.memref_slice %arg20[%add3A_35, %dma_wait3A_152] : memref<10240x16xf32, #tpu.memory_space<vmem_shared>> -> memref<80x16xf32, #tpu.memory_space<vmem_shared>>
      tpu.wait_dma2 semaphore(%run_scoped3A_145 : memref<!tpu.dma_semaphore, #tpu.memory_space<semaphore_mem>>) src(%arg8 : memref<80x16xf32, #tpu.memory_space<vmem>>) dst(%dma_wait3A_153 : memref<80x16xf32, #tpu.memory_space<vmem_shared>>)
      tpu.yield
    }) : () -> ()
    %mul3A_36 = arith.constant 640 : i32
    %mul3A_37 = arith.muli %arg1, %mul3A_36 : i32
    %add3A_38 = arith.constant 560 : i32
    %add3A_39 = arith.addi %mul3A_37, %add3A_38 : i32
    "tpu.region"() ({
      %run_scoped3A_145 = tpu.sem_alloc : memref<!tpu.dma_semaphore, #tpu.memory_space<semaphore_mem>>
      %dma_start3A_146 = arith.constant 0 : i32
      %dma_start3A_147 = tpu.memref_slice %arg20[%add3A_39, %dma_start3A_146] : memref<10240x16xf32, #tpu.memory_space<vmem_shared>> -> memref<80x16xf32, #tpu.memory_space<vmem_shared>>
      %dma_start3A_148 = arith.constant 0 : i32
      %dma_start3A_149 = tpu.memref_slice %arg20[%add3A_39, %dma_start3A_148] : memref<10240x16xf32, #tpu.memory_space<vmem_shared>> -> memref<80x16xf32, #tpu.memory_space<vmem_shared>>
      tpu.enqueue_dma source(%arg8 : memref<80x16xf32, #tpu.memory_space<vmem>>) target(%dma_start3A_149 : memref<80x16xf32, #tpu.memory_space<vmem_shared>>) target_semaphore(%run_scoped3A_145 : memref<!tpu.dma_semaphore, #tpu.memory_space<semaphore_mem>>)
      %dma_wait3A_150 = arith.constant 0 : i32
      %dma_wait3A_151 = tpu.memref_slice %arg20[%add3A_39, %dma_wait3A_150] : memref<10240x16xf32, #tpu.memory_space<vmem_shared>> -> memref<80x16xf32, #tpu.memory_space<vmem_shared>>
      %dma_wait3A_152 = arith.constant 0 : i32
      %dma_wait3A_153 = tpu.memref_slice %arg20[%add3A_39, %dma_wait3A_152] : memref<10240x16xf32, #tpu.memory_space<vmem_shared>> -> memref<80x16xf32, #tpu.memory_space<vmem_shared>>
      tpu.wait_dma2 semaphore(%run_scoped3A_145 : memref<!tpu.dma_semaphore, #tpu.memory_space<semaphore_mem>>) src(%arg8 : memref<80x16xf32, #tpu.memory_space<vmem>>) dst(%dma_wait3A_153 : memref<80x16xf32, #tpu.memory_space<vmem_shared>>)
      tpu.yield
    }) : () -> ()
    %barrier3A = arith.constant 0 : index
    tpu.barrier barrier_id(%barrier3A)
    "tpu.region"() ({
      %run_scoped3A_145 = tpu.sem_alloc : memref<!tpu.dma_semaphore, #tpu.memory_space<semaphore_mem>>
      %dma_start3A_146 = arith.constant 9920 : i32
      %dma_start3A_147 = tpu.memref_slice %arg6[%dma_start3A_146] : memref<10000xi32, #tpu.memory_space<vmem>> -> memref<80xi32, #tpu.memory_space<vmem>>
      %dma_start3A_148 = arith.constant 0 : i32
      %dma_start3A_149 = arith.constant 0 : i32
      %dma_start3A_150 = tpu.memref_slice %arg2[%dma_start3A_148, %dma_start3A_149] : memref<10240x16xf32, #tpu.memory_space<hbm>> -> memref<10240x16xf32, #tpu.memory_space<hbm>>
      tpu.enqueue_indirect_dma source(%dma_start3A_150 : memref<10240x16xf32, #tpu.memory_space<hbm>>) target(%arg8 : memref<80x16xf32, #tpu.memory_space<vmem>>) offsets(%dma_start3A_147 : memref<80xi32, #tpu.memory_space<vmem>>) semaphore(%run_scoped3A_145 : memref<!tpu.dma_semaphore, #tpu.memory_space<semaphore_mem>>)
      %dma_wait3A_151 = arith.constant 9920 : i32
      %dma_wait3A_152 = tpu.memref_slice %arg6[%dma_wait3A_151] : memref<10000xi32, #tpu.memory_space<vmem>> -> memref<80xi32, #tpu.memory_space<vmem>>
      %dma_wait3A_153 = arith.constant 0 : i32
      %dma_wait3A_154 = arith.constant 0 : i32
      %dma_wait3A_155 = tpu.memref_slice %arg2[%dma_wait3A_153, %dma_wait3A_154] : memref<10240x16xf32, #tpu.memory_space<hbm>> -> memref<10240x16xf32, #tpu.memory_space<hbm>>
      tpu.wait_indirect_dma semaphore(%run_scoped3A_145 : memref<!tpu.dma_semaphore, #tpu.memory_space<semaphore_mem>>) src(%dma_wait3A_155 : memref<10240x16xf32, #tpu.memory_space<hbm>>) dst(%arg8 : memref<80x16xf32, #tpu.memory_space<vmem>>)
      tpu.yield
    }) : () -> ()
    %run_scoped3A = arith.constant 124 : i32
    "tpu.region"() ({
      %run_scoped3A_145 = tpu.sem_alloc : memref<!tpu.dma_semaphore, #tpu.memory_space<semaphore_mem>>
      %dma_start3A_146 = arith.constant 0 : i32
      %dma_start3A_147 = tpu.memref_slice %arg7[%run_scoped3A, %dma_start3A_146] : memref<125x80xi32, #tpu.memory_space<vmem>> -> memref<1x80xi32, #tpu.memory_space<vmem>>
      %dma_start3A_148 = tpu.memref_squeeze %dma_start3A_147 : memref<1x80xi32, #tpu.memory_space<vmem>> -> memref<80xi32, #tpu.memory_space<vmem>>
      %dma_start3A_149 = arith.constant 0 : i32
      %dma_start3A_150 = arith.constant 0 : i32
      %dma_start3A_151 = tpu.memref_slice %arg20[%dma_start3A_149, %dma_start3A_150] : memref<10240x16xf32, #tpu.memory_space<vmem_shared>> -> memref<10240x16xf32, #tpu.memory_space<vmem_shared>>
      tpu.enqueue_indirect_dma source(%arg8 : memref<80x16xf32, #tpu.memory_space<vmem>>) target(%dma_start3A_151 : memref<10240x16xf32, #tpu.memory_space<vmem_shared>>) offsets(%dma_start3A_148 : memref<80xi32, #tpu.memory_space<vmem>>) semaphore(%run_scoped3A_145 : memref<!tpu.dma_semaphore, #tpu.memory_space<semaphore_mem>>) {add = true}
      %dma_wait3A_152 = arith.constant 0 : i32
      %dma_wait3A_153 = tpu.memref_slice %arg7[%run_scoped3A, %dma_wait3A_152] : memref<125x80xi32, #tpu.memory_space<vmem>> -> memref<1x80xi32, #tpu.memory_space<vmem>>
      %dma_wait3A_154 = tpu.memref_squeeze %dma_wait3A_153 : memref<1x80xi32, #tpu.memory_space<vmem>> -> memref<80xi32, #tpu.memory_space<vmem>>
      %dma_wait3A_155 = arith.constant 0 : i32
      %dma_wait3A_156 = arith.constant 0 : i32
      %dma_wait3A_157 = tpu.memref_slice %arg20[%dma_wait3A_155, %dma_wait3A_156] : memref<10240x16xf32, #tpu.memory_space<vmem_shared>> -> memref<10240x16xf32, #tpu.memory_space<vmem_shared>>
      tpu.wait_indirect_dma semaphore(%run_scoped3A_145 : memref<!tpu.dma_semaphore, #tpu.memory_space<semaphore_mem>>) src(%arg8 : memref<80x16xf32, #tpu.memory_space<vmem>>) dst(%dma_wait3A_157 : memref<10240x16xf32, #tpu.memory_space<vmem_shared>>)
      tpu.yield
    }) : () -> ()
    %dma_start3A = arith.constant 0 : i32
    %dma_start3A_40 = tpu.memref_slice %arg6[%dma_start3A] : memref<10000xi32, #tpu.memory_space<vmem>> -> memref<80xi32, #tpu.memory_space<vmem>>
    %dma_start3A_41 = arith.constant 0 : i32
    %dma_start3A_42 = arith.constant 0 : i32
    %dma_start3A_43 = tpu.memref_slice %arg2[%dma_start3A_41, %dma_start3A_42] : memref<10240x16xf32, #tpu.memory_space<hbm>> -> memref<10240x16xf32, #tpu.memory_space<hbm>>
    tpu.enqueue_indirect_dma source(%dma_start3A_43 : memref<10240x16xf32, #tpu.memory_space<hbm>>) target(%arg8 : memref<80x16xf32, #tpu.memory_space<vmem>>) offsets(%dma_start3A_40 : memref<80xi32, #tpu.memory_space<vmem>>) semaphore(%arg12 : memref<!tpu.dma_semaphore, #tpu.memory_space<semaphore_mem>>)
    %dma_start3A_44 = arith.constant 80 : i32
    %dma_start3A_45 = tpu.memref_slice %arg6[%dma_start3A_44] : memref<10000xi32, #tpu.memory_space<vmem>> -> memref<80xi32, #tpu.memory_space<vmem>>
    %dma_start3A_46 = arith.constant 0 : i32
    %dma_start3A_47 = arith.constant 0 : i32
    %dma_start3A_48 = tpu.memref_slice %arg2[%dma_start3A_46, %dma_start3A_47] : memref<10240x16xf32, #tpu.memory_space<hbm>> -> memref<10240x16xf32, #tpu.memory_space<hbm>>
    tpu.enqueue_indirect_dma source(%dma_start3A_48 : memref<10240x16xf32, #tpu.memory_space<hbm>>) target(%arg9 : memref<80x16xf32, #tpu.memory_space<vmem>>) offsets(%dma_start3A_45 : memref<80xi32, #tpu.memory_space<vmem>>) semaphore(%arg13 : memref<!tpu.dma_semaphore, #tpu.memory_space<semaphore_mem>>)
    %dma_start3A_49 = arith.constant 160 : i32
    %dma_start3A_50 = tpu.memref_slice %arg6[%dma_start3A_49] : memref<10000xi32, #tpu.memory_space<vmem>> -> memref<80xi32, #tpu.memory_space<vmem>>
    %dma_start3A_51 = arith.constant 0 : i32
    %dma_start3A_52 = arith.constant 0 : i32
    %dma_start3A_53 = tpu.memref_slice %arg2[%dma_start3A_51, %dma_start3A_52] : memref<10240x16xf32, #tpu.memory_space<hbm>> -> memref<10240x16xf32, #tpu.memory_space<hbm>>
    tpu.enqueue_indirect_dma source(%dma_start3A_53 : memref<10240x16xf32, #tpu.memory_space<hbm>>) target(%arg10 : memref<80x16xf32, #tpu.memory_space<vmem>>) offsets(%dma_start3A_50 : memref<80xi32, #tpu.memory_space<vmem>>) semaphore(%arg14 : memref<!tpu.dma_semaphore, #tpu.memory_space<semaphore_mem>>)
    %dma_start3A_54 = arith.constant 240 : i32
    %dma_start3A_55 = tpu.memref_slice %arg6[%dma_start3A_54] : memref<10000xi32, #tpu.memory_space<vmem>> -> memref<80xi32, #tpu.memory_space<vmem>>
    %dma_start3A_56 = arith.constant 0 : i32
    %dma_start3A_57 = arith.constant 0 : i32
    %dma_start3A_58 = tpu.memref_slice %arg2[%dma_start3A_56, %dma_start3A_57] : memref<10240x16xf32, #tpu.memory_space<hbm>> -> memref<10240x16xf32, #tpu.memory_space<hbm>>
    tpu.enqueue_indirect_dma source(%dma_start3A_58 : memref<10240x16xf32, #tpu.memory_space<hbm>>) target(%arg11 : memref<80x16xf32, #tpu.memory_space<vmem>>) offsets(%dma_start3A_55 : memref<80xi32, #tpu.memory_space<vmem>>) semaphore(%arg15 : memref<!tpu.dma_semaphore, #tpu.memory_space<semaphore_mem>>)
    %scan3A_59 = arith.constant 0 : i32
    %scan3A_60 = arith.constant 0 : i32
    %scan3A_61 = arith.constant 30 : i32
    %scan3A_62 = arith.addi %scan3A_60, %scan3A_61 : i32
    %scan3A_63 = arith.constant 1 : i32
    scf.for %scan3A_145 = %scan3A_60 to %scan3A_62 step %scan3A_63  : i32 {
      %mul3A_146 = arith.constant 4 : i32
      %mul3A_147 = arith.muli %scan3A_145, %mul3A_146 : i32
      %add3A_148 = arith.constant 0 : i32
      %add3A_149 = arith.addi %mul3A_147, %add3A_148 : i32
      %mul3A_150 = arith.constant 80 : i32
      %mul3A_151 = arith.muli %add3A_149, %mul3A_150 : i32
      %dma_wait3A_152 = tpu.memref_slice %arg6[%mul3A_151] : memref<10000xi32, #tpu.memory_space<vmem>> -> memref<80xi32, #tpu.memory_space<vmem>>
      %dma_wait3A_153 = arith.constant 0 : i32
      %dma_wait3A_154 = arith.constant 0 : i32
      %dma_wait3A_155 = tpu.memref_slice %arg2[%dma_wait3A_153, %dma_wait3A_154] : memref<10240x16xf32, #tpu.memory_space<hbm>> -> memref<10240x16xf32, #tpu.memory_space<hbm>>
      tpu.wait_indirect_dma semaphore(%arg12 : memref<!tpu.dma_semaphore, #tpu.memory_space<semaphore_mem>>) src(%dma_wait3A_155 : memref<10240x16xf32, #tpu.memory_space<hbm>>) dst(%arg8 : memref<80x16xf32, #tpu.memory_space<vmem>>)
      %add3A_156 = arith.constant 0 : i32
      %add3A_157 = arith.addi %mul3A_147, %add3A_156 : i32
      %dma_start3A_158 = arith.constant 0 : i32
      %dma_start3A_159 = tpu.memref_slice %arg7[%add3A_157, %dma_start3A_158] : memref<125x80xi32, #tpu.memory_space<vmem>> -> memref<1x80xi32, #tpu.memory_space<vmem>>
      %dma_start3A_160 = tpu.memref_squeeze %dma_start3A_159 : memref<1x80xi32, #tpu.memory_space<vmem>> -> memref<80xi32, #tpu.memory_space<vmem>>
      %dma_start3A_161 = arith.constant 0 : i32
      %dma_start3A_162 = arith.constant 0 : i32
      %dma_start3A_163 = tpu.memref_slice %arg20[%dma_start3A_161, %dma_start3A_162] : memref<10240x16xf32, #tpu.memory_space<vmem_shared>> -> memref<10240x16xf32, #tpu.memory_space<vmem_shared>>
      tpu.enqueue_indirect_dma source(%arg8 : memref<80x16xf32, #tpu.memory_space<vmem>>) target(%dma_start3A_163 : memref<10240x16xf32, #tpu.memory_space<vmem_shared>>) offsets(%dma_start3A_160 : memref<80xi32, #tpu.memory_space<vmem>>) semaphore(%arg16 : memref<!tpu.dma_semaphore, #tpu.memory_space<semaphore_mem>>) {add = true}
      %add3A_164 = arith.constant 1 : i32
      %add3A_165 = arith.addi %mul3A_147, %add3A_164 : i32
      %mul3A_166 = arith.constant 80 : i32
      %mul3A_167 = arith.muli %add3A_165, %mul3A_166 : i32
      %dma_wait3A_168 = tpu.memref_slice %arg6[%mul3A_167] : memref<10000xi32, #tpu.memory_space<vmem>> -> memref<80xi32, #tpu.memory_space<vmem>>
      %dma_wait3A_169 = arith.constant 0 : i32
      %dma_wait3A_170 = arith.constant 0 : i32
      %dma_wait3A_171 = tpu.memref_slice %arg2[%dma_wait3A_169, %dma_wait3A_170] : memref<10240x16xf32, #tpu.memory_space<hbm>> -> memref<10240x16xf32, #tpu.memory_space<hbm>>
      tpu.wait_indirect_dma semaphore(%arg13 : memref<!tpu.dma_semaphore, #tpu.memory_space<semaphore_mem>>) src(%dma_wait3A_171 : memref<10240x16xf32, #tpu.memory_space<hbm>>) dst(%arg9 : memref<80x16xf32, #tpu.memory_space<vmem>>)
      %add3A_172 = arith.constant 1 : i32
      %add3A_173 = arith.addi %mul3A_147, %add3A_172 : i32
      %dma_start3A_174 = arith.constant 0 : i32
      %dma_start3A_175 = tpu.memref_slice %arg7[%add3A_173, %dma_start3A_174] : memref<125x80xi32, #tpu.memory_space<vmem>> -> memref<1x80xi32, #tpu.memory_space<vmem>>
      %dma_start3A_176 = tpu.memref_squeeze %dma_start3A_175 : memref<1x80xi32, #tpu.memory_space<vmem>> -> memref<80xi32, #tpu.memory_space<vmem>>
      %dma_start3A_177 = arith.constant 0 : i32
      %dma_start3A_178 = arith.constant 0 : i32
      %dma_start3A_179 = tpu.memref_slice %arg20[%dma_start3A_177, %dma_start3A_178] : memref<10240x16xf32, #tpu.memory_space<vmem_shared>> -> memref<10240x16xf32, #tpu.memory_space<vmem_shared>>
      tpu.enqueue_indirect_dma source(%arg9 : memref<80x16xf32, #tpu.memory_space<vmem>>) target(%dma_start3A_179 : memref<10240x16xf32, #tpu.memory_space<vmem_shared>>) offsets(%dma_start3A_176 : memref<80xi32, #tpu.memory_space<vmem>>) semaphore(%arg17 : memref<!tpu.dma_semaphore, #tpu.memory_space<semaphore_mem>>) {add = true}
      %add3A_180 = arith.constant 2 : i32
      %add3A_181 = arith.addi %mul3A_147, %add3A_180 : i32
      %mul3A_182 = arith.constant 80 : i32
      %mul3A_183 = arith.muli %add3A_181, %mul3A_182 : i32
      %dma_wait3A_184 = tpu.memref_slice %arg6[%mul3A_183] : memref<10000xi32, #tpu.memory_space<vmem>> -> memref<80xi32, #tpu.memory_space<vmem>>
      %dma_wait3A_185 = arith.constant 0 : i32
      %dma_wait3A_186 = arith.constant 0 : i32
      %dma_wait3A_187 = tpu.memref_slice %arg2[%dma_wait3A_185, %dma_wait3A_186] : memref<10240x16xf32, #tpu.memory_space<hbm>> -> memref<10240x16xf32, #tpu.memory_space<hbm>>
      tpu.wait_indirect_dma semaphore(%arg14 : memref<!tpu.dma_semaphore, #tpu.memory_space<semaphore_mem>>) src(%dma_wait3A_187 : memref<10240x16xf32, #tpu.memory_space<hbm>>) dst(%arg10 : memref<80x16xf32, #tpu.memory_space<vmem>>)
      %add3A_188 = arith.constant 2 : i32
      %add3A_189 = arith.addi %mul3A_147, %add3A_188 : i32
      %dma_start3A_190 = arith.constant 0 : i32
      %dma_start3A_191 = tpu.memref_slice %arg7[%add3A_189, %dma_start3A_190] : memref<125x80xi32, #tpu.memory_space<vmem>> -> memref<1x80xi32, #tpu.memory_space<vmem>>
      %dma_start3A_192 = tpu.memref_squeeze %dma_start3A_191 : memref<1x80xi32, #tpu.memory_space<vmem>> -> memref<80xi32, #tpu.memory_space<vmem>>
      %dma_start3A_193 = arith.constant 0 : i32
      %dma_start3A_194 = arith.constant 0 : i32
      %dma_start3A_195 = tpu.memref_slice %arg20[%dma_start3A_193, %dma_start3A_194] : memref<10240x16xf32, #tpu.memory_space<vmem_shared>> -> memref<10240x16xf32, #tpu.memory_space<vmem_shared>>
      tpu.enqueue_indirect_dma source(%arg10 : memref<80x16xf32, #tpu.memory_space<vmem>>) target(%dma_start3A_195 : memref<10240x16xf32, #tpu.memory_space<vmem_shared>>) offsets(%dma_start3A_192 : memref<80xi32, #tpu.memory_space<vmem>>) semaphore(%arg18 : memref<!tpu.dma_semaphore, #tpu.memory_space<semaphore_mem>>) {add = true}
      %add3A_196 = arith.constant 3 : i32
      %add3A_197 = arith.addi %mul3A_147, %add3A_196 : i32
      %mul3A_198 = arith.constant 80 : i32
      %mul3A_199 = arith.muli %add3A_197, %mul3A_198 : i32
      %dma_wait3A_200 = tpu.memref_slice %arg6[%mul3A_199] : memref<10000xi32, #tpu.memory_space<vmem>> -> memref<80xi32, #tpu.memory_space<vmem>>
      %dma_wait3A_201 = arith.constant 0 : i32
      %dma_wait3A_202 = arith.constant 0 : i32
      %dma_wait3A_203 = tpu.memref_slice %arg2[%dma_wait3A_201, %dma_wait3A_202] : memref<10240x16xf32, #tpu.memory_space<hbm>> -> memref<10240x16xf32, #tpu.memory_space<hbm>>
      tpu.wait_indirect_dma semaphore(%arg15 : memref<!tpu.dma_semaphore, #tpu.memory_space<semaphore_mem>>) src(%dma_wait3A_203 : memref<10240x16xf32, #tpu.memory_space<hbm>>) dst(%arg11 : memref<80x16xf32, #tpu.memory_space<vmem>>)
      %add3A_204 = arith.constant 3 : i32
      %add3A_205 = arith.addi %mul3A_147, %add3A_204 : i32
      %dma_start3A_206 = arith.constant 0 : i32
      %dma_start3A_207 = tpu.memref_slice %arg7[%add3A_205, %dma_start3A_206] : memref<125x80xi32, #tpu.memory_space<vmem>> -> memref<1x80xi32, #tpu.memory_space<vmem>>
      %dma_start3A_208 = tpu.memref_squeeze %dma_start3A_207 : memref<1x80xi32, #tpu.memory_space<vmem>> -> memref<80xi32, #tpu.memory_space<vmem>>
      %dma_start3A_209 = arith.constant 0 : i32
      %dma_start3A_210 = arith.constant 0 : i32
      %dma_start3A_211 = tpu.memref_slice %arg20[%dma_start3A_209, %dma_start3A_210] : memref<10240x16xf32, #tpu.memory_space<vmem_shared>> -> memref<10240x16xf32, #tpu.memory_space<vmem_shared>>
      tpu.enqueue_indirect_dma source(%arg11 : memref<80x16xf32, #tpu.memory_space<vmem>>) target(%dma_start3A_211 : memref<10240x16xf32, #tpu.memory_space<vmem_shared>>) offsets(%dma_start3A_208 : memref<80xi32, #tpu.memory_space<vmem>>) semaphore(%arg19 : memref<!tpu.dma_semaphore, #tpu.memory_space<semaphore_mem>>) {add = true}
      %add3A_212 = arith.constant 0 : i32
      %add3A_213 = arith.addi %mul3A_147, %add3A_212 : i32
      %dma_wait3A_214 = arith.constant 0 : i32
      %dma_wait3A_215 = tpu.memref_slice %arg7[%add3A_213, %dma_wait3A_214] : memref<125x80xi32, #tpu.memory_space<vmem>> -> memref<1x80xi32, #tpu.memory_space<vmem>>
      %dma_wait3A_216 = tpu.memref_squeeze %dma_wait3A_215 : memref<1x80xi32, #tpu.memory_space<vmem>> -> memref<80xi32, #tpu.memory_space<vmem>>
      %dma_wait3A_217 = arith.constant 0 : i32
      %dma_wait3A_218 = arith.constant 0 : i32
      %dma_wait3A_219 = tpu.memref_slice %arg20[%dma_wait3A_217, %dma_wait3A_218] : memref<10240x16xf32, #tpu.memory_space<vmem_shared>> -> memref<10240x16xf32, #tpu.memory_space<vmem_shared>>
      tpu.wait_indirect_dma semaphore(%arg16 : memref<!tpu.dma_semaphore, #tpu.memory_space<semaphore_mem>>) src(%arg8 : memref<80x16xf32, #tpu.memory_space<vmem>>) dst(%dma_wait3A_219 : memref<10240x16xf32, #tpu.memory_space<vmem_shared>>)
      %add3A_220 = arith.constant 0 : i32
      %add3A_221 = arith.addi %mul3A_147, %add3A_220 : i32
      %add3A_222 = arith.constant 4 : i32
      %add3A_223 = arith.addi %add3A_221, %add3A_222 : i32
      %mul3A_224 = arith.constant 80 : i32
      %mul3A_225 = arith.muli %add3A_223, %mul3A_224 : i32
      %dma_start3A_226 = tpu.memref_slice %arg6[%mul3A_225] : memref<10000xi32, #tpu.memory_space<vmem>> -> memref<80xi32, #tpu.memory_space<vmem>>
      %dma_start3A_227 = arith.constant 0 : i32
      %dma_start3A_228 = arith.constant 0 : i32
      %dma_start3A_229 = tpu.memref_slice %arg2[%dma_start3A_227, %dma_start3A_228] : memref<10240x16xf32, #tpu.memory_space<hbm>> -> memref<10240x16xf32, #tpu.memory_space<hbm>>
      tpu.enqueue_indirect_dma source(%dma_start3A_229 : memref<10240x16xf32, #tpu.memory_space<hbm>>) target(%arg8 : memref<80x16xf32, #tpu.memory_space<vmem>>) offsets(%dma_start3A_226 : memref<80xi32, #tpu.memory_space<vmem>>) semaphore(%arg12 : memref<!tpu.dma_semaphore, #tpu.memory_space<semaphore_mem>>)
      %add3A_230 = arith.constant 1 : i32
      %add3A_231 = arith.addi %mul3A_147, %add3A_230 : i32
      %dma_wait3A_232 = arith.constant 0 : i32
      %dma_wait3A_233 = tpu.memref_slice %arg7[%add3A_231, %dma_wait3A_232] : memref<125x80xi32, #tpu.memory_space<vmem>> -> memref<1x80xi32, #tpu.memory_space<vmem>>
      %dma_wait3A_234 = tpu.memref_squeeze %dma_wait3A_233 : memref<1x80xi32, #tpu.memory_space<vmem>> -> memref<80xi32, #tpu.memory_space<vmem>>
      %dma_wait3A_235 = arith.constant 0 : i32
      %dma_wait3A_236 = arith.constant 0 : i32
      %dma_wait3A_237 = tpu.memref_slice %arg20[%dma_wait3A_235, %dma_wait3A_236] : memref<10240x16xf32, #tpu.memory_space<vmem_shared>> -> memref<10240x16xf32, #tpu.memory_space<vmem_shared>>
      tpu.wait_indirect_dma semaphore(%arg17 : memref<!tpu.dma_semaphore, #tpu.memory_space<semaphore_mem>>) src(%arg9 : memref<80x16xf32, #tpu.memory_space<vmem>>) dst(%dma_wait3A_237 : memref<10240x16xf32, #tpu.memory_space<vmem_shared>>)
      %add3A_238 = arith.constant 1 : i32
      %add3A_239 = arith.addi %mul3A_147, %add3A_238 : i32
      %add3A_240 = arith.constant 4 : i32
      %add3A_241 = arith.addi %add3A_239, %add3A_240 : i32
      %mul3A_242 = arith.constant 80 : i32
      %mul3A_243 = arith.muli %add3A_241, %mul3A_242 : i32
      %dma_start3A_244 = tpu.memref_slice %arg6[%mul3A_243] : memref<10000xi32, #tpu.memory_space<vmem>> -> memref<80xi32, #tpu.memory_space<vmem>>
      %dma_start3A_245 = arith.constant 0 : i32
      %dma_start3A_246 = arith.constant 0 : i32
      %dma_start3A_247 = tpu.memref_slice %arg2[%dma_start3A_245, %dma_start3A_246] : memref<10240x16xf32, #tpu.memory_space<hbm>> -> memref<10240x16xf32, #tpu.memory_space<hbm>>
      tpu.enqueue_indirect_dma source(%dma_start3A_247 : memref<10240x16xf32, #tpu.memory_space<hbm>>) target(%arg9 : memref<80x16xf32, #tpu.memory_space<vmem>>) offsets(%dma_start3A_244 : memref<80xi32, #tpu.memory_space<vmem>>) semaphore(%arg13 : memref<!tpu.dma_semaphore, #tpu.memory_space<semaphore_mem>>)
      %add3A_248 = arith.constant 2 : i32
      %add3A_249 = arith.addi %mul3A_147, %add3A_248 : i32
      %dma_wait3A_250 = arith.constant 0 : i32
      %dma_wait3A_251 = tpu.memref_slice %arg7[%add3A_249, %dma_wait3A_250] : memref<125x80xi32, #tpu.memory_space<vmem>> -> memref<1x80xi32, #tpu.memory_space<vmem>>
      %dma_wait3A_252 = tpu.memref_squeeze %dma_wait3A_251 : memref<1x80xi32, #tpu.memory_space<vmem>> -> memref<80xi32, #tpu.memory_space<vmem>>
      %dma_wait3A_253 = arith.constant 0 : i32
      %dma_wait3A_254 = arith.constant 0 : i32
      %dma_wait3A_255 = tpu.memref_slice %arg20[%dma_wait3A_253, %dma_wait3A_254] : memref<10240x16xf32, #tpu.memory_space<vmem_shared>> -> memref<10240x16xf32, #tpu.memory_space<vmem_shared>>
      tpu.wait_indirect_dma semaphore(%arg18 : memref<!tpu.dma_semaphore, #tpu.memory_space<semaphore_mem>>) src(%arg10 : memref<80x16xf32, #tpu.memory_space<vmem>>) dst(%dma_wait3A_255 : memref<10240x16xf32, #tpu.memory_space<vmem_shared>>)
      %add3A_256 = arith.constant 2 : i32
      %add3A_257 = arith.addi %mul3A_147, %add3A_256 : i32
      %add3A_258 = arith.constant 4 : i32
      %add3A_259 = arith.addi %add3A_257, %add3A_258 : i32
      %mul3A_260 = arith.constant 80 : i32
      %mul3A_261 = arith.muli %add3A_259, %mul3A_260 : i32
      %dma_start3A_262 = tpu.memref_slice %arg6[%mul3A_261] : memref<10000xi32, #tpu.memory_space<vmem>> -> memref<80xi32, #tpu.memory_space<vmem>>
      %dma_start3A_263 = arith.constant 0 : i32
      %dma_start3A_264 = arith.constant 0 : i32
      %dma_start3A_265 = tpu.memref_slice %arg2[%dma_start3A_263, %dma_start3A_264] : memref<10240x16xf32, #tpu.memory_space<hbm>> -> memref<10240x16xf32, #tpu.memory_space<hbm>>
      tpu.enqueue_indirect_dma source(%dma_start3A_265 : memref<10240x16xf32, #tpu.memory_space<hbm>>) target(%arg10 : memref<80x16xf32, #tpu.memory_space<vmem>>) offsets(%dma_start3A_262 : memref<80xi32, #tpu.memory_space<vmem>>) semaphore(%arg14 : memref<!tpu.dma_semaphore, #tpu.memory_space<semaphore_mem>>)
      %add3A_266 = arith.constant 3 : i32
      %add3A_267 = arith.addi %mul3A_147, %add3A_266 : i32
      %dma_wait3A_268 = arith.constant 0 : i32
      %dma_wait3A_269 = tpu.memref_slice %arg7[%add3A_267, %dma_wait3A_268] : memref<125x80xi32, #tpu.memory_space<vmem>> -> memref<1x80xi32, #tpu.memory_space<vmem>>
      %dma_wait3A_270 = tpu.memref_squeeze %dma_wait3A_269 : memref<1x80xi32, #tpu.memory_space<vmem>> -> memref<80xi32, #tpu.memory_space<vmem>>
      %dma_wait3A_271 = arith.constant 0 : i32
      %dma_wait3A_272 = arith.constant 0 : i32
      %dma_wait3A_273 = tpu.memref_slice %arg20[%dma_wait3A_271, %dma_wait3A_272] : memref<10240x16xf32, #tpu.memory_space<vmem_shared>> -> memref<10240x16xf32, #tpu.memory_space<vmem_shared>>
      tpu.wait_indirect_dma semaphore(%arg19 : memref<!tpu.dma_semaphore, #tpu.memory_space<semaphore_mem>>) src(%arg11 : memref<80x16xf32, #tpu.memory_space<vmem>>) dst(%dma_wait3A_273 : memref<10240x16xf32, #tpu.memory_space<vmem_shared>>)
      %add3A_274 = arith.constant 3 : i32
      %add3A_275 = arith.addi %mul3A_147, %add3A_274 : i32
      %add3A_276 = arith.constant 4 : i32
      %add3A_277 = arith.addi %add3A_275, %add3A_276 : i32
      %mul3A_278 = arith.constant 80 : i32
      %mul3A_279 = arith.muli %add3A_277, %mul3A_278 : i32
      %dma_start3A_280 = tpu.memref_slice %arg6[%mul3A_279] : memref<10000xi32, #tpu.memory_space<vmem>> -> memref<80xi32, #tpu.memory_space<vmem>>
      %dma_start3A_281 = arith.constant 0 : i32
      %dma_start3A_282 = arith.constant 0 : i32
      %dma_start3A_283 = tpu.memref_slice %arg2[%dma_start3A_281, %dma_start3A_282] : memref<10240x16xf32, #tpu.memory_space<hbm>> -> memref<10240x16xf32, #tpu.memory_space<hbm>>
      tpu.enqueue_indirect_dma source(%dma_start3A_283 : memref<10240x16xf32, #tpu.memory_space<hbm>>) target(%arg11 : memref<80x16xf32, #tpu.memory_space<vmem>>) offsets(%dma_start3A_280 : memref<80xi32, #tpu.memory_space<vmem>>) semaphore(%arg15 : memref<!tpu.dma_semaphore, #tpu.memory_space<semaphore_mem>>)
    }
    %scan3A_64 = arith.constant 30 : i32
    %dma_wait3A = arith.constant 9600 : i32
    %dma_wait3A_65 = tpu.memref_slice %arg6[%dma_wait3A] : memref<10000xi32, #tpu.memory_space<vmem>> -> memref<80xi32, #tpu.memory_space<vmem>>
    %dma_wait3A_66 = arith.constant 0 : i32
    %dma_wait3A_67 = arith.constant 0 : i32
    %dma_wait3A_68 = tpu.memref_slice %arg2[%dma_wait3A_66, %dma_wait3A_67] : memref<10240x16xf32, #tpu.memory_space<hbm>> -> memref<10240x16xf32, #tpu.memory_space<hbm>>
    tpu.wait_indirect_dma semaphore(%arg12 : memref<!tpu.dma_semaphore, #tpu.memory_space<semaphore_mem>>) src(%dma_wait3A_68 : memref<10240x16xf32, #tpu.memory_space<hbm>>) dst(%arg8 : memref<80x16xf32, #tpu.memory_space<vmem>>)
    %dma_start3A_69 = arith.constant 120 : i32
    %dma_start3A_70 = arith.constant 0 : i32
    %dma_start3A_71 = tpu.memref_slice %arg7[%dma_start3A_69, %dma_start3A_70] : memref<125x80xi32, #tpu.memory_space<vmem>> -> memref<1x80xi32, #tpu.memory_space<vmem>>
    %dma_start3A_72 = tpu.memref_squeeze %dma_start3A_71 : memref<1x80xi32, #tpu.memory_space<vmem>> -> memref<80xi32, #tpu.memory_space<vmem>>
    %dma_start3A_73 = arith.constant 0 : i32
    %dma_start3A_74 = arith.constant 0 : i32
    %dma_start3A_75 = tpu.memref_slice %arg20[%dma_start3A_73, %dma_start3A_74] : memref<10240x16xf32, #tpu.memory_space<vmem_shared>> -> memref<10240x16xf32, #tpu.memory_space<vmem_shared>>
    tpu.enqueue_indirect_dma source(%arg8 : memref<80x16xf32, #tpu.memory_space<vmem>>) target(%dma_start3A_75 : memref<10240x16xf32, #tpu.memory_space<vmem_shared>>) offsets(%dma_start3A_72 : memref<80xi32, #tpu.memory_space<vmem>>) semaphore(%arg16 : memref<!tpu.dma_semaphore, #tpu.memory_space<semaphore_mem>>) {add = true}
    %dma_wait3A_76 = arith.constant 9680 : i32
    %dma_wait3A_77 = tpu.memref_slice %arg6[%dma_wait3A_76] : memref<10000xi32, #tpu.memory_space<vmem>> -> memref<80xi32, #tpu.memory_space<vmem>>
    %dma_wait3A_78 = arith.constant 0 : i32
    %dma_wait3A_79 = arith.constant 0 : i32
    %dma_wait3A_80 = tpu.memref_slice %arg2[%dma_wait3A_78, %dma_wait3A_79] : memref<10240x16xf32, #tpu.memory_space<hbm>> -> memref<10240x16xf32, #tpu.memory_space<hbm>>
    tpu.wait_indirect_dma semaphore(%arg13 : memref<!tpu.dma_semaphore, #tpu.memory_space<semaphore_mem>>) src(%dma_wait3A_80 : memref<10240x16xf32, #tpu.memory_space<hbm>>) dst(%arg9 : memref<80x16xf32, #tpu.memory_space<vmem>>)
    %dma_start3A_81 = arith.constant 121 : i32
    %dma_start3A_82 = arith.constant 0 : i32
    %dma_start3A_83 = tpu.memref_slice %arg7[%dma_start3A_81, %dma_start3A_82] : memref<125x80xi32, #tpu.memory_space<vmem>> -> memref<1x80xi32, #tpu.memory_space<vmem>>
    %dma_start3A_84 = tpu.memref_squeeze %dma_start3A_83 : memref<1x80xi32, #tpu.memory_space<vmem>> -> memref<80xi32, #tpu.memory_space<vmem>>
    %dma_start3A_85 = arith.constant 0 : i32
    %dma_start3A_86 = arith.constant 0 : i32
    %dma_start3A_87 = tpu.memref_slice %arg20[%dma_start3A_85, %dma_start3A_86] : memref<10240x16xf32, #tpu.memory_space<vmem_shared>> -> memref<10240x16xf32, #tpu.memory_space<vmem_shared>>
    tpu.enqueue_indirect_dma source(%arg9 : memref<80x16xf32, #tpu.memory_space<vmem>>) target(%dma_start3A_87 : memref<10240x16xf32, #tpu.memory_space<vmem_shared>>) offsets(%dma_start3A_84 : memref<80xi32, #tpu.memory_space<vmem>>) semaphore(%arg17 : memref<!tpu.dma_semaphore, #tpu.memory_space<semaphore_mem>>) {add = true}
    %dma_wait3A_88 = arith.constant 9760 : i32
    %dma_wait3A_89 = tpu.memref_slice %arg6[%dma_wait3A_88] : memref<10000xi32, #tpu.memory_space<vmem>> -> memref<80xi32, #tpu.memory_space<vmem>>
    %dma_wait3A_90 = arith.constant 0 : i32
    %dma_wait3A_91 = arith.constant 0 : i32
    %dma_wait3A_92 = tpu.memref_slice %arg2[%dma_wait3A_90, %dma_wait3A_91] : memref<10240x16xf32, #tpu.memory_space<hbm>> -> memref<10240x16xf32, #tpu.memory_space<hbm>>
    tpu.wait_indirect_dma semaphore(%arg14 : memref<!tpu.dma_semaphore, #tpu.memory_space<semaphore_mem>>) src(%dma_wait3A_92 : memref<10240x16xf32, #tpu.memory_space<hbm>>) dst(%arg10 : memref<80x16xf32, #tpu.memory_space<vmem>>)
    %dma_start3A_93 = arith.constant 122 : i32
    %dma_start3A_94 = arith.constant 0 : i32
    %dma_start3A_95 = tpu.memref_slice %arg7[%dma_start3A_93, %dma_start3A_94] : memref<125x80xi32, #tpu.memory_space<vmem>> -> memref<1x80xi32, #tpu.memory_space<vmem>>
    %dma_start3A_96 = tpu.memref_squeeze %dma_start3A_95 : memref<1x80xi32, #tpu.memory_space<vmem>> -> memref<80xi32, #tpu.memory_space<vmem>>
    %dma_start3A_97 = arith.constant 0 : i32
    %dma_start3A_98 = arith.constant 0 : i32
    %dma_start3A_99 = tpu.memref_slice %arg20[%dma_start3A_97, %dma_start3A_98] : memref<10240x16xf32, #tpu.memory_space<vmem_shared>> -> memref<10240x16xf32, #tpu.memory_space<vmem_shared>>
    tpu.enqueue_indirect_dma source(%arg10 : memref<80x16xf32, #tpu.memory_space<vmem>>) target(%dma_start3A_99 : memref<10240x16xf32, #tpu.memory_space<vmem_shared>>) offsets(%dma_start3A_96 : memref<80xi32, #tpu.memory_space<vmem>>) semaphore(%arg18 : memref<!tpu.dma_semaphore, #tpu.memory_space<semaphore_mem>>) {add = true}
    %dma_wait3A_100 = arith.constant 9840 : i32
    %dma_wait3A_101 = tpu.memref_slice %arg6[%dma_wait3A_100] : memref<10000xi32, #tpu.memory_space<vmem>> -> memref<80xi32, #tpu.memory_space<vmem>>
    %dma_wait3A_102 = arith.constant 0 : i32
    %dma_wait3A_103 = arith.constant 0 : i32
    %dma_wait3A_104 = tpu.memref_slice %arg2[%dma_wait3A_102, %dma_wait3A_103] : memref<10240x16xf32, #tpu.memory_space<hbm>> -> memref<10240x16xf32, #tpu.memory_space<hbm>>
    tpu.wait_indirect_dma semaphore(%arg15 : memref<!tpu.dma_semaphore, #tpu.memory_space<semaphore_mem>>) src(%dma_wait3A_104 : memref<10240x16xf32, #tpu.memory_space<hbm>>) dst(%arg11 : memref<80x16xf32, #tpu.memory_space<vmem>>)
    %dma_start3A_105 = arith.constant 123 : i32
    %dma_start3A_106 = arith.constant 0 : i32
    %dma_start3A_107 = tpu.memref_slice %arg7[%dma_start3A_105, %dma_start3A_106] : memref<125x80xi32, #tpu.memory_space<vmem>> -> memref<1x80xi32, #tpu.memory_space<vmem>>
    %dma_start3A_108 = tpu.memref_squeeze %dma_start3A_107 : memref<1x80xi32, #tpu.memory_space<vmem>> -> memref<80xi32, #tpu.memory_space<vmem>>
    %dma_start3A_109 = arith.constant 0 : i32
    %dma_start3A_110 = arith.constant 0 : i32
    %dma_start3A_111 = tpu.memref_slice %arg20[%dma_start3A_109, %dma_start3A_110] : memref<10240x16xf32, #tpu.memory_space<vmem_shared>> -> memref<10240x16xf32, #tpu.memory_space<vmem_shared>>
    tpu.enqueue_indirect_dma source(%arg11 : memref<80x16xf32, #tpu.memory_space<vmem>>) target(%dma_start3A_111 : memref<10240x16xf32, #tpu.memory_space<vmem_shared>>) offsets(%dma_start3A_108 : memref<80xi32, #tpu.memory_space<vmem>>) semaphore(%arg19 : memref<!tpu.dma_semaphore, #tpu.memory_space<semaphore_mem>>) {add = true}
    %dma_wait3A_112 = arith.constant 120 : i32
    %dma_wait3A_113 = arith.constant 0 : i32
    %dma_wait3A_114 = tpu.memref_slice %arg7[%dma_wait3A_112, %dma_wait3A_113] : memref<125x80xi32, #tpu.memory_space<vmem>> -> memref<1x80xi32, #tpu.memory_space<vmem>>
    %dma_wait3A_115 = tpu.memref_squeeze %dma_wait3A_114 : memref<1x80xi32, #tpu.memory_space<vmem>> -> memref<80xi32, #tpu.memory_space<vmem>>
    %dma_wait3A_116 = arith.constant 0 : i32
    %dma_wait3A_117 = arith.constant 0 : i32
    %dma_wait3A_118 = tpu.memref_slice %arg20[%dma_wait3A_116, %dma_wait3A_117] : memref<10240x16xf32, #tpu.memory_space<vmem_shared>> -> memref<10240x16xf32, #tpu.memory_space<vmem_shared>>
    tpu.wait_indirect_dma semaphore(%arg16 : memref<!tpu.dma_semaphore, #tpu.memory_space<semaphore_mem>>) src(%arg8 : memref<80x16xf32, #tpu.memory_space<vmem>>) dst(%dma_wait3A_118 : memref<10240x16xf32, #tpu.memory_space<vmem_shared>>)
    %dma_wait3A_119 = arith.constant 121 : i32
    %dma_wait3A_120 = arith.constant 0 : i32
    %dma_wait3A_121 = tpu.memref_slice %arg7[%dma_wait3A_119, %dma_wait3A_120] : memref<125x80xi32, #tpu.memory_space<vmem>> -> memref<1x80xi32, #tpu.memory_space<vmem>>
    %dma_wait3A_122 = tpu.memref_squeeze %dma_wait3A_121 : memref<1x80xi32, #tpu.memory_space<vmem>> -> memref<80xi32, #tpu.memory_space<vmem>>
    %dma_wait3A_123 = arith.constant 0 : i32
    %dma_wait3A_124 = arith.constant 0 : i32
    %dma_wait3A_125 = tpu.memref_slice %arg20[%dma_wait3A_123, %dma_wait3A_124] : memref<10240x16xf32, #tpu.memory_space<vmem_shared>> -> memref<10240x16xf32, #tpu.memory_space<vmem_shared>>
    tpu.wait_indirect_dma semaphore(%arg17 : memref<!tpu.dma_semaphore, #tpu.memory_space<semaphore_mem>>) src(%arg9 : memref<80x16xf32, #tpu.memory_space<vmem>>) dst(%dma_wait3A_125 : memref<10240x16xf32, #tpu.memory_space<vmem_shared>>)
    %dma_wait3A_126 = arith.constant 122 : i32
    %dma_wait3A_127 = arith.constant 0 : i32
    %dma_wait3A_128 = tpu.memref_slice %arg7[%dma_wait3A_126, %dma_wait3A_127] : memref<125x80xi32, #tpu.memory_space<vmem>> -> memref<1x80xi32, #tpu.memory_space<vmem>>
    %dma_wait3A_129 = tpu.memref_squeeze %dma_wait3A_128 : memref<1x80xi32, #tpu.memory_space<vmem>> -> memref<80xi32, #tpu.memory_space<vmem>>
    %dma_wait3A_130 = arith.constant 0 : i32
    %dma_wait3A_131 = arith.constant 0 : i32
    %dma_wait3A_132 = tpu.memref_slice %arg20[%dma_wait3A_130, %dma_wait3A_131] : memref<10240x16xf32, #tpu.memory_space<vmem_shared>> -> memref<10240x16xf32, #tpu.memory_space<vmem_shared>>
    tpu.wait_indirect_dma semaphore(%arg18 : memref<!tpu.dma_semaphore, #tpu.memory_space<semaphore_mem>>) src(%arg10 : memref<80x16xf32, #tpu.memory_space<vmem>>) dst(%dma_wait3A_132 : memref<10240x16xf32, #tpu.memory_space<vmem_shared>>)
    %dma_wait3A_133 = arith.constant 123 : i32
    %dma_wait3A_134 = arith.constant 0 : i32
    %dma_wait3A_135 = tpu.memref_slice %arg7[%dma_wait3A_133, %dma_wait3A_134] : memref<125x80xi32, #tpu.memory_space<vmem>> -> memref<1x80xi32, #tpu.memory_space<vmem>>
    %dma_wait3A_136 = tpu.memref_squeeze %dma_wait3A_135 : memref<1x80xi32, #tpu.memory_space<vmem>> -> memref<80xi32, #tpu.memory_space<vmem>>
    %dma_wait3A_137 = arith.constant 0 : i32
    %dma_wait3A_138 = arith.constant 0 : i32
    %dma_wait3A_139 = tpu.memref_slice %arg20[%dma_wait3A_137, %dma_wait3A_138] : memref<10240x16xf32, #tpu.memory_space<vmem_shared>> -> memref<10240x16xf32, #tpu.memory_space<vmem_shared>>
    tpu.wait_indirect_dma semaphore(%arg19 : memref<!tpu.dma_semaphore, #tpu.memory_space<semaphore_mem>>) src(%arg11 : memref<80x16xf32, #tpu.memory_space<vmem>>) dst(%dma_wait3A_139 : memref<10240x16xf32, #tpu.memory_space<vmem_shared>>)
    %barrier3A_140 = arith.constant 0 : index
    tpu.barrier barrier_id(%barrier3A_140)
    %mul3A_141 = arith.constant 640 : i32
    %mul3A_142 = arith.muli %arg1, %mul3A_141 : i32
    %mul3A_143 = arith.constant 640 : i32
    %mul3A_144 = arith.muli %arg1, %mul3A_143 : i32
    "tpu.region"() ({
      %run_scoped3A_145 = tpu.sem_alloc : memref<!tpu.dma_semaphore, #tpu.memory_space<semaphore_mem>>
      %dma_start3A_146 = arith.constant 0 : i32
      %dma_start3A_147 = tpu.memref_slice %arg5[%arg0, %mul3A_144, %dma_start3A_146] : memref<2x10240x16xf32, #tpu.memory_space<hbm>> -> memref<1x640x16xf32, #tpu.memory_space<hbm>>
      %dma_start3A_148 = tpu.memref_squeeze %dma_start3A_147 : memref<1x640x16xf32, #tpu.memory_space<hbm>> -> memref<640x16xf32, #tpu.memory_space<hbm>>
      %dma_start3A_149 = arith.constant 0 : i32
      %dma_start3A_150 = tpu.memref_slice %arg20[%mul3A_142, %dma_start3A_149] : memref<10240x16xf32, #tpu.memory_space<vmem_shared>> -> memref<640x16xf32, #tpu.memory_space<vmem_shared>>
      tpu.enqueue_dma source(%dma_start3A_150 : memref<640x16xf32, #tpu.memory_space<vmem_shared>>) target(%dma_start3A_148 : memref<640x16xf32, #tpu.memory_space<hbm>>) target_semaphore(%run_scoped3A_145 : memref<!tpu.dma_semaphore, #tpu.memory_space<semaphore_mem>>)
      %dma_wait3A_151 = arith.constant 0 : i32
      %dma_wait3A_152 = tpu.memref_slice %arg5[%arg0, %mul3A_144, %dma_wait3A_151] : memref<2x10240x16xf32, #tpu.memory_space<hbm>> -> memref<1x640x16xf32, #tpu.memory_space<hbm>>
      %dma_wait3A_153 = tpu.memref_squeeze %dma_wait3A_152 : memref<1x640x16xf32, #tpu.memory_space<hbm>> -> memref<640x16xf32, #tpu.memory_space<hbm>>
      %dma_wait3A_154 = arith.constant 0 : i32
      %dma_wait3A_155 = tpu.memref_slice %arg20[%mul3A_142, %dma_wait3A_154] : memref<10240x16xf32, #tpu.memory_space<vmem_shared>> -> memref<640x16xf32, #tpu.memory_space<vmem_shared>>
      tpu.wait_dma2 semaphore(%run_scoped3A_145 : memref<!tpu.dma_semaphore, #tpu.memory_space<semaphore_mem>>) src(%dma_wait3A_155 : memref<640x16xf32, #tpu.memory_space<vmem_shared>>) dst(%dma_wait3A_153 : memref<640x16xf32, #tpu.memory_space<hbm>>)
      tpu.yield
    }) : () -> ()
    return
  }
}

#map = affine_map<(d0, d1) -> (0, 0, 0)>
module attributes {stable_mosaic.version = 14 : i64} {
  func.func @k(%arg0: i32, %arg1: i32, %arg2: memref<32x125x80xi32, #tpu.memory_space<hbm>>, %arg3: memref<32x125x80xi32, #tpu.memory_space<hbm>>, %arg4: memref<2x2x10240xf32, #tpu.memory_space<hbm>>, %arg5: memref<125x80xi32, #tpu.memory_space<vmem>>, %arg6: memref<125x80xi32, #tpu.memory_space<vmem>>, %arg7: memref<80xf32, #tpu.memory_space<vmem>>, %arg8: memref<640xf32, #tpu.memory_space<vmem>>, %arg9: memref<10240xf32, #tpu.memory_space<vmem_shared>>, %arg10: memref<10240xf32, #tpu.memory_space<vmem_shared>>, %arg11: memref<!tpu.dma_semaphore, #tpu.memory_space<semaphore_mem>>) attributes {dimension_semantics = [#tpu.dimension_semantics<core_parallel>, #tpu.dimension_semantics<subcore_parallel>], iteration_bounds = array<i64: 2, 16>, scalar_prefetch = 0 : i64, scratch_operands = 7 : i64, tpu.core_type = #tpu.core_type<sc_vector_subcore>, window_params = [{transform_indices = #map}, {transform_indices = #map}, {transform_indices = #map}]} {
    %mul3A = arith.constant 2 : i32
    %mul3A_0 = arith.muli %arg1, %mul3A : i32
    %add3A = arith.addi %mul3A_0, %arg0 : i32
    %scan3A = arith.constant 0 : i32
    %scan3A_1 = arith.constant 0 : i32
    %scan3A_2 = arith.constant 5 : i32
    %scan3A_3 = arith.addi %scan3A_1, %scan3A_2 : i32
    %scan3A_4 = arith.constant 1 : i32
    scf.for %scan3A_38 = %scan3A_1 to %scan3A_3 step %scan3A_4  : i32 {
      %broadcast_in_dim3A = arith.constant 1.000000e+00 : f32
      %broadcast_in_dim3A_39 = vector.broadcast %broadcast_in_dim3A : f32 to vector<16xf32>
      %mul3A_40 = arith.constant 16 : i32
      %mul3A_41 = arith.muli %scan3A_38, %mul3A_40 : i32
      %swap3A = arith.index_cast %mul3A_41 : i32 to index
      %swap3A_42 = tpu.vector_load %arg7[%swap3A] {strides = array<i32>} : memref<80xf32, #tpu.memory_space<vmem>>, vector<16xf32>,
      %swap3A_43 = vector.shape_cast %swap3A_42 : vector<16xf32> to vector<16xf32>
      %swap3A_44 = vector.shape_cast %broadcast_in_dim3A_39 : vector<16xf32> to vector<16xf32>
      tpu.vector_store %arg7[%swap3A], %swap3A_44 {strides = array<i32>} : memref<80xf32, #tpu.memory_space<vmem>>, vector<16xf32>,
    }
    %scan3A_5 = arith.constant 5 : i32
    %scan3A_6 = arith.constant 0 : i32
    %scan3A_7 = arith.constant 0 : i32
    %scan3A_8 = arith.constant 40 : i32
    %scan3A_9 = arith.addi %scan3A_7, %scan3A_8 : i32
    %scan3A_10 = arith.constant 1 : i32
    scf.for %scan3A_38 = %scan3A_7 to %scan3A_9 step %scan3A_10  : i32 {
      %broadcast_in_dim3A = arith.constant 0.000000e+00 : f32
      %broadcast_in_dim3A_39 = vector.broadcast %broadcast_in_dim3A : f32 to vector<16xf32>
      %mul3A_40 = arith.constant 16 : i32
      %mul3A_41 = arith.muli %scan3A_38, %mul3A_40 : i32
      %swap3A = arith.index_cast %mul3A_41 : i32 to index
      %swap3A_42 = tpu.vector_load %arg8[%swap3A] {strides = array<i32>} : memref<640xf32, #tpu.memory_space<vmem>>, vector<16xf32>,
      %swap3A_43 = vector.shape_cast %swap3A_42 : vector<16xf32> to vector<16xf32>
      %swap3A_44 = vector.shape_cast %broadcast_in_dim3A_39 : vector<16xf32> to vector<16xf32>
      tpu.vector_store %arg8[%swap3A], %swap3A_44 {strides = array<i32>} : memref<640xf32, #tpu.memory_space<vmem>>, vector<16xf32>,
    }
    %scan3A_11 = arith.constant 40 : i32
    "tpu.region"() ({
      %run_scoped3A_38 = tpu.sem_alloc : memref<!tpu.dma_semaphore, #tpu.memory_space<semaphore_mem>>
      %dma_start3A = arith.constant 0 : i32
      %dma_start3A_39 = arith.constant 0 : i32
      %dma_start3A_40 = tpu.memref_slice %arg2[%add3A, %dma_start3A, %dma_start3A_39] : memref<32x125x80xi32, #tpu.memory_space<hbm>> -> memref<1x125x80xi32, #tpu.memory_space<hbm>>
      %dma_start3A_41 = tpu.memref_squeeze %dma_start3A_40 : memref<1x125x80xi32, #tpu.memory_space<hbm>> -> memref<125x80xi32, #tpu.memory_space<hbm>>
      %dma_start3A_42 = arith.constant 0 : i32
      %dma_start3A_43 = arith.constant 0 : i32
      %dma_start3A_44 = tpu.memref_slice %arg2[%add3A, %dma_start3A_42, %dma_start3A_43] : memref<32x125x80xi32, #tpu.memory_space<hbm>> -> memref<1x125x80xi32, #tpu.memory_space<hbm>>
      %dma_start3A_45 = tpu.memref_squeeze %dma_start3A_44 : memref<1x125x80xi32, #tpu.memory_space<hbm>> -> memref<125x80xi32, #tpu.memory_space<hbm>>
      tpu.enqueue_dma source(%dma_start3A_45 : memref<125x80xi32, #tpu.memory_space<hbm>>) target(%arg5 : memref<125x80xi32, #tpu.memory_space<vmem>>) target_semaphore(%run_scoped3A_38 : memref<!tpu.dma_semaphore, #tpu.memory_space<semaphore_mem>>)
      %dma_wait3A = arith.constant 0 : i32
      %dma_wait3A_46 = arith.constant 0 : i32
      %dma_wait3A_47 = tpu.memref_slice %arg2[%add3A, %dma_wait3A, %dma_wait3A_46] : memref<32x125x80xi32, #tpu.memory_space<hbm>> -> memref<1x125x80xi32, #tpu.memory_space<hbm>>
      %dma_wait3A_48 = tpu.memref_squeeze %dma_wait3A_47 : memref<1x125x80xi32, #tpu.memory_space<hbm>> -> memref<125x80xi32, #tpu.memory_space<hbm>>
      %dma_wait3A_49 = arith.constant 0 : i32
      %dma_wait3A_50 = arith.constant 0 : i32
      %dma_wait3A_51 = tpu.memref_slice %arg2[%add3A, %dma_wait3A_49, %dma_wait3A_50] : memref<32x125x80xi32, #tpu.memory_space<hbm>> -> memref<1x125x80xi32, #tpu.memory_space<hbm>>
      %dma_wait3A_52 = tpu.memref_squeeze %dma_wait3A_51 : memref<1x125x80xi32, #tpu.memory_space<hbm>> -> memref<125x80xi32, #tpu.memory_space<hbm>>
      tpu.wait_dma2 semaphore(%run_scoped3A_38 : memref<!tpu.dma_semaphore, #tpu.memory_space<semaphore_mem>>) src(%dma_wait3A_52 : memref<125x80xi32, #tpu.memory_space<hbm>>) dst(%arg5 : memref<125x80xi32, #tpu.memory_space<vmem>>)
      tpu.yield
    }) : () -> ()
    "tpu.region"() ({
      %run_scoped3A_38 = tpu.sem_alloc : memref<!tpu.dma_semaphore, #tpu.memory_space<semaphore_mem>>
      %dma_start3A = arith.constant 0 : i32
      %dma_start3A_39 = arith.constant 0 : i32
      %dma_start3A_40 = tpu.memref_slice %arg3[%add3A, %dma_start3A, %dma_start3A_39] : memref<32x125x80xi32, #tpu.memory_space<hbm>> -> memref<1x125x80xi32, #tpu.memory_space<hbm>>
      %dma_start3A_41 = tpu.memref_squeeze %dma_start3A_40 : memref<1x125x80xi32, #tpu.memory_space<hbm>> -> memref<125x80xi32, #tpu.memory_space<hbm>>
      %dma_start3A_42 = arith.constant 0 : i32
      %dma_start3A_43 = arith.constant 0 : i32
      %dma_start3A_44 = tpu.memref_slice %arg3[%add3A, %dma_start3A_42, %dma_start3A_43] : memref<32x125x80xi32, #tpu.memory_space<hbm>> -> memref<1x125x80xi32, #tpu.memory_space<hbm>>
      %dma_start3A_45 = tpu.memref_squeeze %dma_start3A_44 : memref<1x125x80xi32, #tpu.memory_space<hbm>> -> memref<125x80xi32, #tpu.memory_space<hbm>>
      tpu.enqueue_dma source(%dma_start3A_45 : memref<125x80xi32, #tpu.memory_space<hbm>>) target(%arg6 : memref<125x80xi32, #tpu.memory_space<vmem>>) target_semaphore(%run_scoped3A_38 : memref<!tpu.dma_semaphore, #tpu.memory_space<semaphore_mem>>)
      %dma_wait3A = arith.constant 0 : i32
      %dma_wait3A_46 = arith.constant 0 : i32
      %dma_wait3A_47 = tpu.memref_slice %arg3[%add3A, %dma_wait3A, %dma_wait3A_46] : memref<32x125x80xi32, #tpu.memory_space<hbm>> -> memref<1x125x80xi32, #tpu.memory_space<hbm>>
      %dma_wait3A_48 = tpu.memref_squeeze %dma_wait3A_47 : memref<1x125x80xi32, #tpu.memory_space<hbm>> -> memref<125x80xi32, #tpu.memory_space<hbm>>
      %dma_wait3A_49 = arith.constant 0 : i32
      %dma_wait3A_50 = arith.constant 0 : i32
      %dma_wait3A_51 = tpu.memref_slice %arg3[%add3A, %dma_wait3A_49, %dma_wait3A_50] : memref<32x125x80xi32, #tpu.memory_space<hbm>> -> memref<1x125x80xi32, #tpu.memory_space<hbm>>
      %dma_wait3A_52 = tpu.memref_squeeze %dma_wait3A_51 : memref<1x125x80xi32, #tpu.memory_space<hbm>> -> memref<125x80xi32, #tpu.memory_space<hbm>>
      tpu.wait_dma2 semaphore(%run_scoped3A_38 : memref<!tpu.dma_semaphore, #tpu.memory_space<semaphore_mem>>) src(%dma_wait3A_52 : memref<125x80xi32, #tpu.memory_space<hbm>>) dst(%arg6 : memref<125x80xi32, #tpu.memory_space<vmem>>)
      tpu.yield
    }) : () -> ()
    %mul3A_12 = arith.constant 640 : i32
    %mul3A_13 = arith.muli %arg1, %mul3A_12 : i32
    "tpu.region"() ({
      %run_scoped3A_38 = tpu.sem_alloc : memref<!tpu.dma_semaphore, #tpu.memory_space<semaphore_mem>>
      %dma_start3A = tpu.memref_slice %arg9[%mul3A_13] : memref<10240xf32, #tpu.memory_space<vmem_shared>> -> memref<640xf32, #tpu.memory_space<vmem_shared>>
      %dma_start3A_39 = tpu.memref_slice %arg9[%mul3A_13] : memref<10240xf32, #tpu.memory_space<vmem_shared>> -> memref<640xf32, #tpu.memory_space<vmem_shared>>
      tpu.enqueue_dma source(%arg8 : memref<640xf32, #tpu.memory_space<vmem>>) target(%dma_start3A_39 : memref<640xf32, #tpu.memory_space<vmem_shared>>) target_semaphore(%run_scoped3A_38 : memref<!tpu.dma_semaphore, #tpu.memory_space<semaphore_mem>>)
      %dma_wait3A = tpu.memref_slice %arg9[%mul3A_13] : memref<10240xf32, #tpu.memory_space<vmem_shared>> -> memref<640xf32, #tpu.memory_space<vmem_shared>>
      %dma_wait3A_40 = tpu.memref_slice %arg9[%mul3A_13] : memref<10240xf32, #tpu.memory_space<vmem_shared>> -> memref<640xf32, #tpu.memory_space<vmem_shared>>
      tpu.wait_dma2 semaphore(%run_scoped3A_38 : memref<!tpu.dma_semaphore, #tpu.memory_space<semaphore_mem>>) src(%arg8 : memref<640xf32, #tpu.memory_space<vmem>>) dst(%dma_wait3A_40 : memref<640xf32, #tpu.memory_space<vmem_shared>>)
      tpu.yield
    }) : () -> ()
    %mul3A_14 = arith.constant 640 : i32
    %mul3A_15 = arith.muli %arg1, %mul3A_14 : i32
    "tpu.region"() ({
      %run_scoped3A_38 = tpu.sem_alloc : memref<!tpu.dma_semaphore, #tpu.memory_space<semaphore_mem>>
      %dma_start3A = tpu.memref_slice %arg10[%mul3A_15] : memref<10240xf32, #tpu.memory_space<vmem_shared>> -> memref<640xf32, #tpu.memory_space<vmem_shared>>
      %dma_start3A_39 = tpu.memref_slice %arg10[%mul3A_15] : memref<10240xf32, #tpu.memory_space<vmem_shared>> -> memref<640xf32, #tpu.memory_space<vmem_shared>>
      tpu.enqueue_dma source(%arg8 : memref<640xf32, #tpu.memory_space<vmem>>) target(%dma_start3A_39 : memref<640xf32, #tpu.memory_space<vmem_shared>>) target_semaphore(%run_scoped3A_38 : memref<!tpu.dma_semaphore, #tpu.memory_space<semaphore_mem>>)
      %dma_wait3A = tpu.memref_slice %arg10[%mul3A_15] : memref<10240xf32, #tpu.memory_space<vmem_shared>> -> memref<640xf32, #tpu.memory_space<vmem_shared>>
      %dma_wait3A_40 = tpu.memref_slice %arg10[%mul3A_15] : memref<10240xf32, #tpu.memory_space<vmem_shared>> -> memref<640xf32, #tpu.memory_space<vmem_shared>>
      tpu.wait_dma2 semaphore(%run_scoped3A_38 : memref<!tpu.dma_semaphore, #tpu.memory_space<semaphore_mem>>) src(%arg8 : memref<640xf32, #tpu.memory_space<vmem>>) dst(%dma_wait3A_40 : memref<640xf32, #tpu.memory_space<vmem_shared>>)
      tpu.yield
    }) : () -> ()
    %barrier3A = arith.constant 0 : index
    tpu.barrier barrier_id(%barrier3A)
    %scan3A_16 = arith.constant 0 : i32
    %scan3A_17 = arith.constant 0 : i32
    %scan3A_18 = arith.constant 125 : i32
    %scan3A_19 = arith.addi %scan3A_17, %scan3A_18 : i32
    %scan3A_20 = arith.constant 1 : i32
    scf.for %scan3A_38 = %scan3A_17 to %scan3A_19 step %scan3A_20  : i32 {
      %dma_start3A = arith.constant 0 : i32
      %dma_start3A_39 = tpu.memref_slice %arg5[%scan3A_38, %dma_start3A] : memref<125x80xi32, #tpu.memory_space<vmem>> -> memref<1x80xi32, #tpu.memory_space<vmem>>
      %dma_start3A_40 = tpu.memref_squeeze %dma_start3A_39 : memref<1x80xi32, #tpu.memory_space<vmem>> -> memref<80xi32, #tpu.memory_space<vmem>>
      %dma_start3A_41 = arith.constant 0 : i32
      %dma_start3A_42 = tpu.memref_slice %arg9[%dma_start3A_41] : memref<10240xf32, #tpu.memory_space<vmem_shared>> -> memref<10240xf32, #tpu.memory_space<vmem_shared>>
      tpu.enqueue_indirect_dma source(%arg7 : memref<80xf32, #tpu.memory_space<vmem>>) target(%dma_start3A_42 : memref<10240xf32, #tpu.memory_space<vmem_shared>>) offsets(%dma_start3A_40 : memref<80xi32, #tpu.memory_space<vmem>>) semaphore(%arg11 : memref<!tpu.dma_semaphore, #tpu.memory_space<semaphore_mem>>) {add = true}
      %dma_start3A_43 = arith.constant 0 : i32
      %dma_start3A_44 = tpu.memref_slice %arg6[%scan3A_38, %dma_start3A_43] : memref<125x80xi32, #tpu.memory_space<vmem>> -> memref<1x80xi32, #tpu.memory_space<vmem>>
      %dma_start3A_45 = tpu.memref_squeeze %dma_start3A_44 : memref<1x80xi32, #tpu.memory_space<vmem>> -> memref<80xi32, #tpu.memory_space<vmem>>
      %dma_start3A_46 = arith.constant 0 : i32
      %dma_start3A_47 = tpu.memref_slice %arg10[%dma_start3A_46] : memref<10240xf32, #tpu.memory_space<vmem_shared>> -> memref<10240xf32, #tpu.memory_space<vmem_shared>>
      tpu.enqueue_indirect_dma source(%arg7 : memref<80xf32, #tpu.memory_space<vmem>>) target(%dma_start3A_47 : memref<10240xf32, #tpu.memory_space<vmem_shared>>) offsets(%dma_start3A_45 : memref<80xi32, #tpu.memory_space<vmem>>) semaphore(%arg11 : memref<!tpu.dma_semaphore, #tpu.memory_space<semaphore_mem>>) {add = true}
    }
    %scan3A_21 = arith.constant 125 : i32
    %scan3A_22 = arith.constant 0 : i32
    %scan3A_23 = arith.constant 0 : i32
    %scan3A_24 = arith.constant 125 : i32
    %scan3A_25 = arith.addi %scan3A_23, %scan3A_24 : i32
    %scan3A_26 = arith.constant 1 : i32
    scf.for %scan3A_38 = %scan3A_23 to %scan3A_25 step %scan3A_26  : i32 {
      %dma_wait3A = arith.constant 0 : i32
      %dma_wait3A_39 = tpu.memref_slice %arg5[%scan3A_38, %dma_wait3A] : memref<125x80xi32, #tpu.memory_space<vmem>> -> memref<1x80xi32, #tpu.memory_space<vmem>>
      %dma_wait3A_40 = tpu.memref_squeeze %dma_wait3A_39 : memref<1x80xi32, #tpu.memory_space<vmem>> -> memref<80xi32, #tpu.memory_space<vmem>>
      %dma_wait3A_41 = arith.constant 0 : i32
      %dma_wait3A_42 = tpu.memref_slice %arg9[%dma_wait3A_41] : memref<10240xf32, #tpu.memory_space<vmem_shared>> -> memref<10240xf32, #tpu.memory_space<vmem_shared>>
      tpu.wait_indirect_dma semaphore(%arg11 : memref<!tpu.dma_semaphore, #tpu.memory_space<semaphore_mem>>) src(%arg7 : memref<80xf32, #tpu.memory_space<vmem>>) dst(%dma_wait3A_42 : memref<10240xf32, #tpu.memory_space<vmem_shared>>)
      %dma_wait3A_43 = arith.constant 0 : i32
      %dma_wait3A_44 = tpu.memref_slice %arg6[%scan3A_38, %dma_wait3A_43] : memref<125x80xi32, #tpu.memory_space<vmem>> -> memref<1x80xi32, #tpu.memory_space<vmem>>
      %dma_wait3A_45 = tpu.memref_squeeze %dma_wait3A_44 : memref<1x80xi32, #tpu.memory_space<vmem>> -> memref<80xi32, #tpu.memory_space<vmem>>
      %dma_wait3A_46 = arith.constant 0 : i32
      %dma_wait3A_47 = tpu.memref_slice %arg10[%dma_wait3A_46] : memref<10240xf32, #tpu.memory_space<vmem_shared>> -> memref<10240xf32, #tpu.memory_space<vmem_shared>>
      tpu.wait_indirect_dma semaphore(%arg11 : memref<!tpu.dma_semaphore, #tpu.memory_space<semaphore_mem>>) src(%arg7 : memref<80xf32, #tpu.memory_space<vmem>>) dst(%dma_wait3A_47 : memref<10240xf32, #tpu.memory_space<vmem_shared>>)
    }
    %scan3A_27 = arith.constant 125 : i32
    %barrier3A_28 = arith.constant 0 : index
    tpu.barrier barrier_id(%barrier3A_28)
    %mul3A_29 = arith.constant 640 : i32
    %mul3A_30 = arith.muli %arg1, %mul3A_29 : i32
    %mul3A_31 = arith.constant 640 : i32
    %mul3A_32 = arith.muli %arg1, %mul3A_31 : i32
    %run_scoped3A = arith.constant 0 : i32
    "tpu.region"() ({
      %run_scoped3A_38 = tpu.sem_alloc : memref<!tpu.dma_semaphore, #tpu.memory_space<semaphore_mem>>
      %dma_start3A = tpu.memref_slice %arg4[%arg0, %run_scoped3A, %mul3A_32] : memref<2x2x10240xf32, #tpu.memory_space<hbm>> -> memref<1x1x640xf32, #tpu.memory_space<hbm>>
      %dma_start3A_39 = tpu.memref_squeeze %dma_start3A : memref<1x1x640xf32, #tpu.memory_space<hbm>> -> memref<640xf32, #tpu.memory_space<hbm>>
      %dma_start3A_40 = tpu.memref_slice %arg9[%mul3A_30] : memref<10240xf32, #tpu.memory_space<vmem_shared>> -> memref<640xf32, #tpu.memory_space<vmem_shared>>
      tpu.enqueue_dma source(%dma_start3A_40 : memref<640xf32, #tpu.memory_space<vmem_shared>>) target(%dma_start3A_39 : memref<640xf32, #tpu.memory_space<hbm>>) target_semaphore(%run_scoped3A_38 : memref<!tpu.dma_semaphore, #tpu.memory_space<semaphore_mem>>)
      %dma_wait3A = tpu.memref_slice %arg4[%arg0, %run_scoped3A, %mul3A_32] : memref<2x2x10240xf32, #tpu.memory_space<hbm>> -> memref<1x1x640xf32, #tpu.memory_space<hbm>>
      %dma_wait3A_41 = tpu.memref_squeeze %dma_wait3A : memref<1x1x640xf32, #tpu.memory_space<hbm>> -> memref<640xf32, #tpu.memory_space<hbm>>
      %dma_wait3A_42 = tpu.memref_slice %arg9[%mul3A_30] : memref<10240xf32, #tpu.memory_space<vmem_shared>> -> memref<640xf32, #tpu.memory_space<vmem_shared>>
      tpu.wait_dma2 semaphore(%run_scoped3A_38 : memref<!tpu.dma_semaphore, #tpu.memory_space<semaphore_mem>>) src(%dma_wait3A_42 : memref<640xf32, #tpu.memory_space<vmem_shared>>) dst(%dma_wait3A_41 : memref<640xf32, #tpu.memory_space<hbm>>)
      tpu.yield
    }) : () -> ()
    %mul3A_33 = arith.constant 640 : i32
    %mul3A_34 = arith.muli %arg1, %mul3A_33 : i32
    %mul3A_35 = arith.constant 640 : i32
    %mul3A_36 = arith.muli %arg1, %mul3A_35 : i32
    %run_scoped3A_37 = arith.constant 1 : i32
    "tpu.region"() ({
      %run_scoped3A_38 = tpu.sem_alloc : memref<!tpu.dma_semaphore, #tpu.memory_space<semaphore_mem>>
      %dma_start3A = tpu.memref_slice %arg4[%arg0, %run_scoped3A_37, %mul3A_36] : memref<2x2x10240xf32, #tpu.memory_space<hbm>> -> memref<1x1x640xf32, #tpu.memory_space<hbm>>
      %dma_start3A_39 = tpu.memref_squeeze %dma_start3A : memref<1x1x640xf32, #tpu.memory_space<hbm>> -> memref<640xf32, #tpu.memory_space<hbm>>
      %dma_start3A_40 = tpu.memref_slice %arg10[%mul3A_34] : memref<10240xf32, #tpu.memory_space<vmem_shared>> -> memref<640xf32, #tpu.memory_space<vmem_shared>>
      tpu.enqueue_dma source(%dma_start3A_40 : memref<640xf32, #tpu.memory_space<vmem_shared>>) target(%dma_start3A_39 : memref<640xf32, #tpu.memory_space<hbm>>) target_semaphore(%run_scoped3A_38 : memref<!tpu.dma_semaphore, #tpu.memory_space<semaphore_mem>>)
      %dma_wait3A = tpu.memref_slice %arg4[%arg0, %run_scoped3A_37, %mul3A_36] : memref<2x2x10240xf32, #tpu.memory_space<hbm>> -> memref<1x1x640xf32, #tpu.memory_space<hbm>>
      %dma_wait3A_41 = tpu.memref_squeeze %dma_wait3A : memref<1x1x640xf32, #tpu.memory_space<hbm>> -> memref<640xf32, #tpu.memory_space<hbm>>
      %dma_wait3A_42 = tpu.memref_slice %arg10[%mul3A_34] : memref<10240xf32, #tpu.memory_space<vmem_shared>> -> memref<640xf32, #tpu.memory_space<vmem_shared>>
      tpu.wait_dma2 semaphore(%run_scoped3A_38 : memref<!tpu.dma_semaphore, #tpu.memory_space<semaphore_mem>>) src(%dma_wait3A_42 : memref<640xf32, #tpu.memory_space<vmem_shared>>) dst(%dma_wait3A_41 : memref<640xf32, #tpu.memory_space<hbm>>)
      tpu.yield
    }) : () -> ()
    return
  }
}

#map = affine_map<(d0, d1) -> (0, 0)>
#map1 = affine_map<(d0, d1) -> (0)>
#map2 = affine_map<(d0, d1) -> (0, 0, 0)>
module attributes {stable_mosaic.version = 14 : i64} {
  func.func @k(%arg0: i32, %arg1: i32, %arg2: memref<10240x128xf32, #tpu.memory_space<hbm>>, %arg3: memref<320000xi32, #tpu.memory_space<hbm>>, %arg4: memref<32x125x80xi32, #tpu.memory_space<hbm>>, %arg5: memref<2x10240x128xf32, #tpu.memory_space<hbm>>, %arg6: memref<10000xi32, #tpu.memory_space<vmem>>, %arg7: memref<125x80xi32, #tpu.memory_space<vmem>>, %arg8: memref<80x128xf32, #tpu.memory_space<vmem>>, %arg9: memref<80x128xf32, #tpu.memory_space<vmem>>, %arg10: memref<!tpu.dma_semaphore, #tpu.memory_space<semaphore_mem>>, %arg11: memref<!tpu.dma_semaphore, #tpu.memory_space<semaphore_mem>>, %arg12: memref<!tpu.dma_semaphore, #tpu.memory_space<semaphore_mem>>, %arg13: memref<!tpu.dma_semaphore, #tpu.memory_space<semaphore_mem>>, %arg14: memref<10240x128xf32, #tpu.memory_space<vmem_shared>>) attributes {dimension_semantics = [#tpu.dimension_semantics<core_parallel>, #tpu.dimension_semantics<subcore_parallel>], iteration_bounds = array<i64: 2, 16>, scalar_prefetch = 0 : i64, scratch_operands = 9 : i64, tpu.core_type = #tpu.core_type<sc_vector_subcore>, window_params = [{transform_indices = #map}, {transform_indices = #map1}, {transform_indices = #map2}, {transform_indices = #map2}]} {
    %mul3A = arith.constant 2 : i32
    %mul3A_0 = arith.muli %arg1, %mul3A : i32
    %add3A = arith.addi %mul3A_0, %arg0 : i32
    %scan3A = arith.constant 0 : i32
    %scan3A_1 = arith.constant 0 : i32
    %scan3A_2 = arith.constant 80 : i32
    %scan3A_3 = arith.addi %scan3A_1, %scan3A_2 : i32
    %scan3A_4 = arith.constant 1 : i32
    scf.for %scan3A_97 = %scan3A_1 to %scan3A_3 step %scan3A_4  : i32 {
      %scan3A_98 = arith.constant 0 : i32
      %scan3A_99 = arith.constant 8 : i32
      %scan3A_100 = arith.addi %scan3A_98, %scan3A_99 : i32
      %scan3A_101 = arith.constant 1 : i32
      scf.for %scan3A_103 = %scan3A_98 to %scan3A_100 step %scan3A_101  : i32 {
        %broadcast_in_dim3A = arith.constant 0.000000e+00 : f32
        %broadcast_in_dim3A_104 = vector.broadcast %broadcast_in_dim3A : f32 to vector<16xf32>
        %mul3A_105 = arith.constant 16 : i32
        %mul3A_106 = arith.muli %scan3A_103, %mul3A_105 : i32
        %swap3A = arith.index_cast %scan3A_97 : i32 to index
        %swap3A_107 = arith.index_cast %mul3A_106 : i32 to index
        %swap3A_108 = tpu.vector_load %arg8[%swap3A, %swap3A_107] {strides = array<i32>} : memref<80x128xf32, #tpu.memory_space<vmem>>, vector<1x16xf32>,
        %swap3A_109 = vector.shape_cast %swap3A_108 : vector<1x16xf32> to vector<16xf32>
        %swap3A_110 = vector.shape_cast %broadcast_in_dim3A_104 : vector<16xf32> to vector<1x16xf32>
        tpu.vector_store %arg8[%swap3A, %swap3A_107], %swap3A_110 {strides = array<i32>} : memref<80x128xf32, #tpu.memory_space<vmem>>, vector<1x16xf32>,
      }
      %scan3A_102 = arith.constant 8 : i32
    }
    %scan3A_5 = arith.constant 80 : i32
    %mul3A_6 = arith.constant 10000 : i32
    %mul3A_7 = arith.muli %add3A, %mul3A_6 : i32
    "tpu.region"() ({
      %run_scoped3A_97 = tpu.sem_alloc : memref<!tpu.dma_semaphore, #tpu.memory_space<semaphore_mem>>
      %dma_start3A_98 = tpu.memref_slice %arg3[%mul3A_7] : memref<320000xi32, #tpu.memory_space<hbm>> -> memref<10000xi32, #tpu.memory_space<hbm>>
      %dma_start3A_99 = tpu.memref_slice %arg3[%mul3A_7] : memref<320000xi32, #tpu.memory_space<hbm>> -> memref<10000xi32, #tpu.memory_space<hbm>>
      tpu.enqueue_dma source(%dma_start3A_99 : memref<10000xi32, #tpu.memory_space<hbm>>) target(%arg6 : memref<10000xi32, #tpu.memory_space<vmem>>) target_semaphore(%run_scoped3A_97 : memref<!tpu.dma_semaphore, #tpu.memory_space<semaphore_mem>>)
      %dma_wait3A_100 = tpu.memref_slice %arg3[%mul3A_7] : memref<320000xi32, #tpu.memory_space<hbm>> -> memref<10000xi32, #tpu.memory_space<hbm>>
      %dma_wait3A_101 = tpu.memref_slice %arg3[%mul3A_7] : memref<320000xi32, #tpu.memory_space<hbm>> -> memref<10000xi32, #tpu.memory_space<hbm>>
      tpu.wait_dma2 semaphore(%run_scoped3A_97 : memref<!tpu.dma_semaphore, #tpu.memory_space<semaphore_mem>>) src(%dma_wait3A_101 : memref<10000xi32, #tpu.memory_space<hbm>>) dst(%arg6 : memref<10000xi32, #tpu.memory_space<vmem>>)
      tpu.yield
    }) : () -> ()
    "tpu.region"() ({
      %run_scoped3A_97 = tpu.sem_alloc : memref<!tpu.dma_semaphore, #tpu.memory_space<semaphore_mem>>
      %dma_start3A_98 = arith.constant 0 : i32
      %dma_start3A_99 = arith.constant 0 : i32
      %dma_start3A_100 = tpu.memref_slice %arg4[%add3A, %dma_start3A_98, %dma_start3A_99] : memref<32x125x80xi32, #tpu.memory_space<hbm>> -> memref<1x125x80xi32, #tpu.memory_space<hbm>>
      %dma_start3A_101 = tpu.memref_squeeze %dma_start3A_100 : memref<1x125x80xi32, #tpu.memory_space<hbm>> -> memref<125x80xi32, #tpu.memory_space<hbm>>
      %dma_start3A_102 = arith.constant 0 : i32
      %dma_start3A_103 = arith.constant 0 : i32
      %dma_start3A_104 = tpu.memref_slice %arg4[%add3A, %dma_start3A_102, %dma_start3A_103] : memref<32x125x80xi32, #tpu.memory_space<hbm>> -> memref<1x125x80xi32, #tpu.memory_space<hbm>>
      %dma_start3A_105 = tpu.memref_squeeze %dma_start3A_104 : memref<1x125x80xi32, #tpu.memory_space<hbm>> -> memref<125x80xi32, #tpu.memory_space<hbm>>
      tpu.enqueue_dma source(%dma_start3A_105 : memref<125x80xi32, #tpu.memory_space<hbm>>) target(%arg7 : memref<125x80xi32, #tpu.memory_space<vmem>>) target_semaphore(%run_scoped3A_97 : memref<!tpu.dma_semaphore, #tpu.memory_space<semaphore_mem>>)
      %dma_wait3A_106 = arith.constant 0 : i32
      %dma_wait3A_107 = arith.constant 0 : i32
      %dma_wait3A_108 = tpu.memref_slice %arg4[%add3A, %dma_wait3A_106, %dma_wait3A_107] : memref<32x125x80xi32, #tpu.memory_space<hbm>> -> memref<1x125x80xi32, #tpu.memory_space<hbm>>
      %dma_wait3A_109 = tpu.memref_squeeze %dma_wait3A_108 : memref<1x125x80xi32, #tpu.memory_space<hbm>> -> memref<125x80xi32, #tpu.memory_space<hbm>>
      %dma_wait3A_110 = arith.constant 0 : i32
      %dma_wait3A_111 = arith.constant 0 : i32
      %dma_wait3A_112 = tpu.memref_slice %arg4[%add3A, %dma_wait3A_110, %dma_wait3A_111] : memref<32x125x80xi32, #tpu.memory_space<hbm>> -> memref<1x125x80xi32, #tpu.memory_space<hbm>>
      %dma_wait3A_113 = tpu.memref_squeeze %dma_wait3A_112 : memref<1x125x80xi32, #tpu.memory_space<hbm>> -> memref<125x80xi32, #tpu.memory_space<hbm>>
      tpu.wait_dma2 semaphore(%run_scoped3A_97 : memref<!tpu.dma_semaphore, #tpu.memory_space<semaphore_mem>>) src(%dma_wait3A_113 : memref<125x80xi32, #tpu.memory_space<hbm>>) dst(%arg7 : memref<125x80xi32, #tpu.memory_space<vmem>>)
      tpu.yield
    }) : () -> ()
    %mul3A_8 = arith.constant 640 : i32
    %mul3A_9 = arith.muli %arg1, %mul3A_8 : i32
    %add3A_10 = arith.constant 0 : i32
    %add3A_11 = arith.addi %mul3A_9, %add3A_10 : i32
    "tpu.region"() ({
      %run_scoped3A_97 = tpu.sem_alloc : memref<!tpu.dma_semaphore, #tpu.memory_space<semaphore_mem>>
      %dma_start3A_98 = arith.constant 0 : i32
      %dma_start3A_99 = tpu.memref_slice %arg14[%add3A_11, %dma_start3A_98] : memref<10240x128xf32, #tpu.memory_space<vmem_shared>> -> memref<80x128xf32, #tpu.memory_space<vmem_shared>>
      %dma_start3A_100 = arith.constant 0 : i32
      %dma_start3A_101 = tpu.memref_slice %arg14[%add3A_11, %dma_start3A_100] : memref<10240x128xf32, #tpu.memory_space<vmem_shared>> -> memref<80x128xf32, #tpu.memory_space<vmem_shared>>
      tpu.enqueue_dma source(%arg8 : memref<80x128xf32, #tpu.memory_space<vmem>>) target(%dma_start3A_101 : memref<80x128xf32, #tpu.memory_space<vmem_shared>>) target_semaphore(%run_scoped3A_97 : memref<!tpu.dma_semaphore, #tpu.memory_space<semaphore_mem>>)
      %dma_wait3A_102 = arith.constant 0 : i32
      %dma_wait3A_103 = tpu.memref_slice %arg14[%add3A_11, %dma_wait3A_102] : memref<10240x128xf32, #tpu.memory_space<vmem_shared>> -> memref<80x128xf32, #tpu.memory_space<vmem_shared>>
      %dma_wait3A_104 = arith.constant 0 : i32
      %dma_wait3A_105 = tpu.memref_slice %arg14[%add3A_11, %dma_wait3A_104] : memref<10240x128xf32, #tpu.memory_space<vmem_shared>> -> memref<80x128xf32, #tpu.memory_space<vmem_shared>>
      tpu.wait_dma2 semaphore(%run_scoped3A_97 : memref<!tpu.dma_semaphore, #tpu.memory_space<semaphore_mem>>) src(%arg8 : memref<80x128xf32, #tpu.memory_space<vmem>>) dst(%dma_wait3A_105 : memref<80x128xf32, #tpu.memory_space<vmem_shared>>)
      tpu.yield
    }) : () -> ()
    %mul3A_12 = arith.constant 640 : i32
    %mul3A_13 = arith.muli %arg1, %mul3A_12 : i32
    %add3A_14 = arith.constant 80 : i32
    %add3A_15 = arith.addi %mul3A_13, %add3A_14 : i32
    "tpu.region"() ({
      %run_scoped3A_97 = tpu.sem_alloc : memref<!tpu.dma_semaphore, #tpu.memory_space<semaphore_mem>>
      %dma_start3A_98 = arith.constant 0 : i32
      %dma_start3A_99 = tpu.memref_slice %arg14[%add3A_15, %dma_start3A_98] : memref<10240x128xf32, #tpu.memory_space<vmem_shared>> -> memref<80x128xf32, #tpu.memory_space<vmem_shared>>
      %dma_start3A_100 = arith.constant 0 : i32
      %dma_start3A_101 = tpu.memref_slice %arg14[%add3A_15, %dma_start3A_100] : memref<10240x128xf32, #tpu.memory_space<vmem_shared>> -> memref<80x128xf32, #tpu.memory_space<vmem_shared>>
      tpu.enqueue_dma source(%arg8 : memref<80x128xf32, #tpu.memory_space<vmem>>) target(%dma_start3A_101 : memref<80x128xf32, #tpu.memory_space<vmem_shared>>) target_semaphore(%run_scoped3A_97 : memref<!tpu.dma_semaphore, #tpu.memory_space<semaphore_mem>>)
      %dma_wait3A_102 = arith.constant 0 : i32
      %dma_wait3A_103 = tpu.memref_slice %arg14[%add3A_15, %dma_wait3A_102] : memref<10240x128xf32, #tpu.memory_space<vmem_shared>> -> memref<80x128xf32, #tpu.memory_space<vmem_shared>>
      %dma_wait3A_104 = arith.constant 0 : i32
      %dma_wait3A_105 = tpu.memref_slice %arg14[%add3A_15, %dma_wait3A_104] : memref<10240x128xf32, #tpu.memory_space<vmem_shared>> -> memref<80x128xf32, #tpu.memory_space<vmem_shared>>
      tpu.wait_dma2 semaphore(%run_scoped3A_97 : memref<!tpu.dma_semaphore, #tpu.memory_space<semaphore_mem>>) src(%arg8 : memref<80x128xf32, #tpu.memory_space<vmem>>) dst(%dma_wait3A_105 : memref<80x128xf32, #tpu.memory_space<vmem_shared>>)
      tpu.yield
    }) : () -> ()
    %mul3A_16 = arith.constant 640 : i32
    %mul3A_17 = arith.muli %arg1, %mul3A_16 : i32
    %add3A_18 = arith.constant 160 : i32
    %add3A_19 = arith.addi %mul3A_17, %add3A_18 : i32
    "tpu.region"() ({
      %run_scoped3A_97 = tpu.sem_alloc : memref<!tpu.dma_semaphore, #tpu.memory_space<semaphore_mem>>
      %dma_start3A_98 = arith.constant 0 : i32
      %dma_start3A_99 = tpu.memref_slice %arg14[%add3A_19, %dma_start3A_98] : memref<10240x128xf32, #tpu.memory_space<vmem_shared>> -> memref<80x128xf32, #tpu.memory_space<vmem_shared>>
      %dma_start3A_100 = arith.constant 0 : i32
      %dma_start3A_101 = tpu.memref_slice %arg14[%add3A_19, %dma_start3A_100] : memref<10240x128xf32, #tpu.memory_space<vmem_shared>> -> memref<80x128xf32, #tpu.memory_space<vmem_shared>>
      tpu.enqueue_dma source(%arg8 : memref<80x128xf32, #tpu.memory_space<vmem>>) target(%dma_start3A_101 : memref<80x128xf32, #tpu.memory_space<vmem_shared>>) target_semaphore(%run_scoped3A_97 : memref<!tpu.dma_semaphore, #tpu.memory_space<semaphore_mem>>)
      %dma_wait3A_102 = arith.constant 0 : i32
      %dma_wait3A_103 = tpu.memref_slice %arg14[%add3A_19, %dma_wait3A_102] : memref<10240x128xf32, #tpu.memory_space<vmem_shared>> -> memref<80x128xf32, #tpu.memory_space<vmem_shared>>
      %dma_wait3A_104 = arith.constant 0 : i32
      %dma_wait3A_105 = tpu.memref_slice %arg14[%add3A_19, %dma_wait3A_104] : memref<10240x128xf32, #tpu.memory_space<vmem_shared>> -> memref<80x128xf32, #tpu.memory_space<vmem_shared>>
      tpu.wait_dma2 semaphore(%run_scoped3A_97 : memref<!tpu.dma_semaphore, #tpu.memory_space<semaphore_mem>>) src(%arg8 : memref<80x128xf32, #tpu.memory_space<vmem>>) dst(%dma_wait3A_105 : memref<80x128xf32, #tpu.memory_space<vmem_shared>>)
      tpu.yield
    }) : () -> ()
    %mul3A_20 = arith.constant 640 : i32
    %mul3A_21 = arith.muli %arg1, %mul3A_20 : i32
    %add3A_22 = arith.constant 240 : i32
    %add3A_23 = arith.addi %mul3A_21, %add3A_22 : i32
    "tpu.region"() ({
      %run_scoped3A_97 = tpu.sem_alloc : memref<!tpu.dma_semaphore, #tpu.memory_space<semaphore_mem>>
      %dma_start3A_98 = arith.constant 0 : i32
      %dma_start3A_99 = tpu.memref_slice %arg14[%add3A_23, %dma_start3A_98] : memref<10240x128xf32, #tpu.memory_space<vmem_shared>> -> memref<80x128xf32, #tpu.memory_space<vmem_shared>>
      %dma_start3A_100 = arith.constant 0 : i32
      %dma_start3A_101 = tpu.memref_slice %arg14[%add3A_23, %dma_start3A_100] : memref<10240x128xf32, #tpu.memory_space<vmem_shared>> -> memref<80x128xf32, #tpu.memory_space<vmem_shared>>
      tpu.enqueue_dma source(%arg8 : memref<80x128xf32, #tpu.memory_space<vmem>>) target(%dma_start3A_101 : memref<80x128xf32, #tpu.memory_space<vmem_shared>>) target_semaphore(%run_scoped3A_97 : memref<!tpu.dma_semaphore, #tpu.memory_space<semaphore_mem>>)
      %dma_wait3A_102 = arith.constant 0 : i32
      %dma_wait3A_103 = tpu.memref_slice %arg14[%add3A_23, %dma_wait3A_102] : memref<10240x128xf32, #tpu.memory_space<vmem_shared>> -> memref<80x128xf32, #tpu.memory_space<vmem_shared>>
      %dma_wait3A_104 = arith.constant 0 : i32
      %dma_wait3A_105 = tpu.memref_slice %arg14[%add3A_23, %dma_wait3A_104] : memref<10240x128xf32, #tpu.memory_space<vmem_shared>> -> memref<80x128xf32, #tpu.memory_space<vmem_shared>>
      tpu.wait_dma2 semaphore(%run_scoped3A_97 : memref<!tpu.dma_semaphore, #tpu.memory_space<semaphore_mem>>) src(%arg8 : memref<80x128xf32, #tpu.memory_space<vmem>>) dst(%dma_wait3A_105 : memref<80x128xf32, #tpu.memory_space<vmem_shared>>)
      tpu.yield
    }) : () -> ()
    %mul3A_24 = arith.constant 640 : i32
    %mul3A_25 = arith.muli %arg1, %mul3A_24 : i32
    %add3A_26 = arith.constant 320 : i32
    %add3A_27 = arith.addi %mul3A_25, %add3A_26 : i32
    "tpu.region"() ({
      %run_scoped3A_97 = tpu.sem_alloc : memref<!tpu.dma_semaphore, #tpu.memory_space<semaphore_mem>>
      %dma_start3A_98 = arith.constant 0 : i32
      %dma_start3A_99 = tpu.memref_slice %arg14[%add3A_27, %dma_start3A_98] : memref<10240x128xf32, #tpu.memory_space<vmem_shared>> -> memref<80x128xf32, #tpu.memory_space<vmem_shared>>
      %dma_start3A_100 = arith.constant 0 : i32
      %dma_start3A_101 = tpu.memref_slice %arg14[%add3A_27, %dma_start3A_100] : memref<10240x128xf32, #tpu.memory_space<vmem_shared>> -> memref<80x128xf32, #tpu.memory_space<vmem_shared>>
      tpu.enqueue_dma source(%arg8 : memref<80x128xf32, #tpu.memory_space<vmem>>) target(%dma_start3A_101 : memref<80x128xf32, #tpu.memory_space<vmem_shared>>) target_semaphore(%run_scoped3A_97 : memref<!tpu.dma_semaphore, #tpu.memory_space<semaphore_mem>>)
      %dma_wait3A_102 = arith.constant 0 : i32
      %dma_wait3A_103 = tpu.memref_slice %arg14[%add3A_27, %dma_wait3A_102] : memref<10240x128xf32, #tpu.memory_space<vmem_shared>> -> memref<80x128xf32, #tpu.memory_space<vmem_shared>>
      %dma_wait3A_104 = arith.constant 0 : i32
      %dma_wait3A_105 = tpu.memref_slice %arg14[%add3A_27, %dma_wait3A_104] : memref<10240x128xf32, #tpu.memory_space<vmem_shared>> -> memref<80x128xf32, #tpu.memory_space<vmem_shared>>
      tpu.wait_dma2 semaphore(%run_scoped3A_97 : memref<!tpu.dma_semaphore, #tpu.memory_space<semaphore_mem>>) src(%arg8 : memref<80x128xf32, #tpu.memory_space<vmem>>) dst(%dma_wait3A_105 : memref<80x128xf32, #tpu.memory_space<vmem_shared>>)
      tpu.yield
    }) : () -> ()
    %mul3A_28 = arith.constant 640 : i32
    %mul3A_29 = arith.muli %arg1, %mul3A_28 : i32
    %add3A_30 = arith.constant 400 : i32
    %add3A_31 = arith.addi %mul3A_29, %add3A_30 : i32
    "tpu.region"() ({
      %run_scoped3A_97 = tpu.sem_alloc : memref<!tpu.dma_semaphore, #tpu.memory_space<semaphore_mem>>
      %dma_start3A_98 = arith.constant 0 : i32
      %dma_start3A_99 = tpu.memref_slice %arg14[%add3A_31, %dma_start3A_98] : memref<10240x128xf32, #tpu.memory_space<vmem_shared>> -> memref<80x128xf32, #tpu.memory_space<vmem_shared>>
      %dma_start3A_100 = arith.constant 0 : i32
      %dma_start3A_101 = tpu.memref_slice %arg14[%add3A_31, %dma_start3A_100] : memref<10240x128xf32, #tpu.memory_space<vmem_shared>> -> memref<80x128xf32, #tpu.memory_space<vmem_shared>>
      tpu.enqueue_dma source(%arg8 : memref<80x128xf32, #tpu.memory_space<vmem>>) target(%dma_start3A_101 : memref<80x128xf32, #tpu.memory_space<vmem_shared>>) target_semaphore(%run_scoped3A_97 : memref<!tpu.dma_semaphore, #tpu.memory_space<semaphore_mem>>)
      %dma_wait3A_102 = arith.constant 0 : i32
      %dma_wait3A_103 = tpu.memref_slice %arg14[%add3A_31, %dma_wait3A_102] : memref<10240x128xf32, #tpu.memory_space<vmem_shared>> -> memref<80x128xf32, #tpu.memory_space<vmem_shared>>
      %dma_wait3A_104 = arith.constant 0 : i32
      %dma_wait3A_105 = tpu.memref_slice %arg14[%add3A_31, %dma_wait3A_104] : memref<10240x128xf32, #tpu.memory_space<vmem_shared>> -> memref<80x128xf32, #tpu.memory_space<vmem_shared>>
      tpu.wait_dma2 semaphore(%run_scoped3A_97 : memref<!tpu.dma_semaphore, #tpu.memory_space<semaphore_mem>>) src(%arg8 : memref<80x128xf32, #tpu.memory_space<vmem>>) dst(%dma_wait3A_105 : memref<80x128xf32, #tpu.memory_space<vmem_shared>>)
      tpu.yield
    }) : () -> ()
    %mul3A_32 = arith.constant 640 : i32
    %mul3A_33 = arith.muli %arg1, %mul3A_32 : i32
    %add3A_34 = arith.constant 480 : i32
    %add3A_35 = arith.addi %mul3A_33, %add3A_34 : i32
    "tpu.region"() ({
      %run_scoped3A_97 = tpu.sem_alloc : memref<!tpu.dma_semaphore, #tpu.memory_space<semaphore_mem>>
      %dma_start3A_98 = arith.constant 0 : i32
      %dma_start3A_99 = tpu.memref_slice %arg14[%add3A_35, %dma_start3A_98] : memref<10240x128xf32, #tpu.memory_space<vmem_shared>> -> memref<80x128xf32, #tpu.memory_space<vmem_shared>>
      %dma_start3A_100 = arith.constant 0 : i32
      %dma_start3A_101 = tpu.memref_slice %arg14[%add3A_35, %dma_start3A_100] : memref<10240x128xf32, #tpu.memory_space<vmem_shared>> -> memref<80x128xf32, #tpu.memory_space<vmem_shared>>
      tpu.enqueue_dma source(%arg8 : memref<80x128xf32, #tpu.memory_space<vmem>>) target(%dma_start3A_101 : memref<80x128xf32, #tpu.memory_space<vmem_shared>>) target_semaphore(%run_scoped3A_97 : memref<!tpu.dma_semaphore, #tpu.memory_space<semaphore_mem>>)
      %dma_wait3A_102 = arith.constant 0 : i32
      %dma_wait3A_103 = tpu.memref_slice %arg14[%add3A_35, %dma_wait3A_102] : memref<10240x128xf32, #tpu.memory_space<vmem_shared>> -> memref<80x128xf32, #tpu.memory_space<vmem_shared>>
      %dma_wait3A_104 = arith.constant 0 : i32
      %dma_wait3A_105 = tpu.memref_slice %arg14[%add3A_35, %dma_wait3A_104] : memref<10240x128xf32, #tpu.memory_space<vmem_shared>> -> memref<80x128xf32, #tpu.memory_space<vmem_shared>>
      tpu.wait_dma2 semaphore(%run_scoped3A_97 : memref<!tpu.dma_semaphore, #tpu.memory_space<semaphore_mem>>) src(%arg8 : memref<80x128xf32, #tpu.memory_space<vmem>>) dst(%dma_wait3A_105 : memref<80x128xf32, #tpu.memory_space<vmem_shared>>)
      tpu.yield
    }) : () -> ()
    %mul3A_36 = arith.constant 640 : i32
    %mul3A_37 = arith.muli %arg1, %mul3A_36 : i32
    %add3A_38 = arith.constant 560 : i32
    %add3A_39 = arith.addi %mul3A_37, %add3A_38 : i32
    "tpu.region"() ({
      %run_scoped3A_97 = tpu.sem_alloc : memref<!tpu.dma_semaphore, #tpu.memory_space<semaphore_mem>>
      %dma_start3A_98 = arith.constant 0 : i32
      %dma_start3A_99 = tpu.memref_slice %arg14[%add3A_39, %dma_start3A_98] : memref<10240x128xf32, #tpu.memory_space<vmem_shared>> -> memref<80x128xf32, #tpu.memory_space<vmem_shared>>
      %dma_start3A_100 = arith.constant 0 : i32
      %dma_start3A_101 = tpu.memref_slice %arg14[%add3A_39, %dma_start3A_100] : memref<10240x128xf32, #tpu.memory_space<vmem_shared>> -> memref<80x128xf32, #tpu.memory_space<vmem_shared>>
      tpu.enqueue_dma source(%arg8 : memref<80x128xf32, #tpu.memory_space<vmem>>) target(%dma_start3A_101 : memref<80x128xf32, #tpu.memory_space<vmem_shared>>) target_semaphore(%run_scoped3A_97 : memref<!tpu.dma_semaphore, #tpu.memory_space<semaphore_mem>>)
      %dma_wait3A_102 = arith.constant 0 : i32
      %dma_wait3A_103 = tpu.memref_slice %arg14[%add3A_39, %dma_wait3A_102] : memref<10240x128xf32, #tpu.memory_space<vmem_shared>> -> memref<80x128xf32, #tpu.memory_space<vmem_shared>>
      %dma_wait3A_104 = arith.constant 0 : i32
      %dma_wait3A_105 = tpu.memref_slice %arg14[%add3A_39, %dma_wait3A_104] : memref<10240x128xf32, #tpu.memory_space<vmem_shared>> -> memref<80x128xf32, #tpu.memory_space<vmem_shared>>
      tpu.wait_dma2 semaphore(%run_scoped3A_97 : memref<!tpu.dma_semaphore, #tpu.memory_space<semaphore_mem>>) src(%arg8 : memref<80x128xf32, #tpu.memory_space<vmem>>) dst(%dma_wait3A_105 : memref<80x128xf32, #tpu.memory_space<vmem_shared>>)
      tpu.yield
    }) : () -> ()
    %barrier3A = arith.constant 0 : index
    tpu.barrier barrier_id(%barrier3A)
    "tpu.region"() ({
      %run_scoped3A_97 = tpu.sem_alloc : memref<!tpu.dma_semaphore, #tpu.memory_space<semaphore_mem>>
      %dma_start3A_98 = arith.constant 9920 : i32
      %dma_start3A_99 = tpu.memref_slice %arg6[%dma_start3A_98] : memref<10000xi32, #tpu.memory_space<vmem>> -> memref<80xi32, #tpu.memory_space<vmem>>
      %dma_start3A_100 = arith.constant 0 : i32
      %dma_start3A_101 = arith.constant 0 : i32
      %dma_start3A_102 = tpu.memref_slice %arg2[%dma_start3A_100, %dma_start3A_101] : memref<10240x128xf32, #tpu.memory_space<hbm>> -> memref<10240x128xf32, #tpu.memory_space<hbm>>
      tpu.enqueue_indirect_dma source(%dma_start3A_102 : memref<10240x128xf32, #tpu.memory_space<hbm>>) target(%arg8 : memref<80x128xf32, #tpu.memory_space<vmem>>) offsets(%dma_start3A_99 : memref<80xi32, #tpu.memory_space<vmem>>) semaphore(%run_scoped3A_97 : memref<!tpu.dma_semaphore, #tpu.memory_space<semaphore_mem>>)
      %dma_wait3A_103 = arith.constant 9920 : i32
      %dma_wait3A_104 = tpu.memref_slice %arg6[%dma_wait3A_103] : memref<10000xi32, #tpu.memory_space<vmem>> -> memref<80xi32, #tpu.memory_space<vmem>>
      %dma_wait3A_105 = arith.constant 0 : i32
      %dma_wait3A_106 = arith.constant 0 : i32
      %dma_wait3A_107 = tpu.memref_slice %arg2[%dma_wait3A_105, %dma_wait3A_106] : memref<10240x128xf32, #tpu.memory_space<hbm>> -> memref<10240x128xf32, #tpu.memory_space<hbm>>
      tpu.wait_indirect_dma semaphore(%run_scoped3A_97 : memref<!tpu.dma_semaphore, #tpu.memory_space<semaphore_mem>>) src(%dma_wait3A_107 : memref<10240x128xf32, #tpu.memory_space<hbm>>) dst(%arg8 : memref<80x128xf32, #tpu.memory_space<vmem>>)
      tpu.yield
    }) : () -> ()
    %run_scoped3A = arith.constant 124 : i32
    "tpu.region"() ({
      %run_scoped3A_97 = tpu.sem_alloc : memref<!tpu.dma_semaphore, #tpu.memory_space<semaphore_mem>>
      %dma_start3A_98 = arith.constant 0 : i32
      %dma_start3A_99 = tpu.memref_slice %arg7[%run_scoped3A, %dma_start3A_98] : memref<125x80xi32, #tpu.memory_space<vmem>> -> memref<1x80xi32, #tpu.memory_space<vmem>>
      %dma_start3A_100 = tpu.memref_squeeze %dma_start3A_99 : memref<1x80xi32, #tpu.memory_space<vmem>> -> memref<80xi32, #tpu.memory_space<vmem>>
      %dma_start3A_101 = arith.constant 0 : i32
      %dma_start3A_102 = arith.constant 0 : i32
      %dma_start3A_103 = tpu.memref_slice %arg14[%dma_start3A_101, %dma_start3A_102] : memref<10240x128xf32, #tpu.memory_space<vmem_shared>> -> memref<10240x128xf32, #tpu.memory_space<vmem_shared>>
      tpu.enqueue_indirect_dma source(%arg8 : memref<80x128xf32, #tpu.memory_space<vmem>>) target(%dma_start3A_103 : memref<10240x128xf32, #tpu.memory_space<vmem_shared>>) offsets(%dma_start3A_100 : memref<80xi32, #tpu.memory_space<vmem>>) semaphore(%run_scoped3A_97 : memref<!tpu.dma_semaphore, #tpu.memory_space<semaphore_mem>>) {add = true}
      %dma_wait3A_104 = arith.constant 0 : i32
      %dma_wait3A_105 = tpu.memref_slice %arg7[%run_scoped3A, %dma_wait3A_104] : memref<125x80xi32, #tpu.memory_space<vmem>> -> memref<1x80xi32, #tpu.memory_space<vmem>>
      %dma_wait3A_106 = tpu.memref_squeeze %dma_wait3A_105 : memref<1x80xi32, #tpu.memory_space<vmem>> -> memref<80xi32, #tpu.memory_space<vmem>>
      %dma_wait3A_107 = arith.constant 0 : i32
      %dma_wait3A_108 = arith.constant 0 : i32
      %dma_wait3A_109 = tpu.memref_slice %arg14[%dma_wait3A_107, %dma_wait3A_108] : memref<10240x128xf32, #tpu.memory_space<vmem_shared>> -> memref<10240x128xf32, #tpu.memory_space<vmem_shared>>
      tpu.wait_indirect_dma semaphore(%run_scoped3A_97 : memref<!tpu.dma_semaphore, #tpu.memory_space<semaphore_mem>>) src(%arg8 : memref<80x128xf32, #tpu.memory_space<vmem>>) dst(%dma_wait3A_109 : memref<10240x128xf32, #tpu.memory_space<vmem_shared>>)
      tpu.yield
    }) : () -> ()
    %dma_start3A = arith.constant 0 : i32
    %dma_start3A_40 = tpu.memref_slice %arg6[%dma_start3A] : memref<10000xi32, #tpu.memory_space<vmem>> -> memref<80xi32, #tpu.memory_space<vmem>>
    %dma_start3A_41 = arith.constant 0 : i32
    %dma_start3A_42 = arith.constant 0 : i32
    %dma_start3A_43 = tpu.memref_slice %arg2[%dma_start3A_41, %dma_start3A_42] : memref<10240x128xf32, #tpu.memory_space<hbm>> -> memref<10240x128xf32, #tpu.memory_space<hbm>>
    tpu.enqueue_indirect_dma source(%dma_start3A_43 : memref<10240x128xf32, #tpu.memory_space<hbm>>) target(%arg8 : memref<80x128xf32, #tpu.memory_space<vmem>>) offsets(%dma_start3A_40 : memref<80xi32, #tpu.memory_space<vmem>>) semaphore(%arg10 : memref<!tpu.dma_semaphore, #tpu.memory_space<semaphore_mem>>)
    %dma_start3A_44 = arith.constant 80 : i32
    %dma_start3A_45 = tpu.memref_slice %arg6[%dma_start3A_44] : memref<10000xi32, #tpu.memory_space<vmem>> -> memref<80xi32, #tpu.memory_space<vmem>>
    %dma_start3A_46 = arith.constant 0 : i32
    %dma_start3A_47 = arith.constant 0 : i32
    %dma_start3A_48 = tpu.memref_slice %arg2[%dma_start3A_46, %dma_start3A_47] : memref<10240x128xf32, #tpu.memory_space<hbm>> -> memref<10240x128xf32, #tpu.memory_space<hbm>>
    tpu.enqueue_indirect_dma source(%dma_start3A_48 : memref<10240x128xf32, #tpu.memory_space<hbm>>) target(%arg9 : memref<80x128xf32, #tpu.memory_space<vmem>>) offsets(%dma_start3A_45 : memref<80xi32, #tpu.memory_space<vmem>>) semaphore(%arg11 : memref<!tpu.dma_semaphore, #tpu.memory_space<semaphore_mem>>)
    %scan3A_49 = arith.constant 0 : i32
    %scan3A_50 = arith.constant 0 : i32
    %scan3A_51 = arith.constant 61 : i32
    %scan3A_52 = arith.addi %scan3A_50, %scan3A_51 : i32
    %scan3A_53 = arith.constant 1 : i32
    scf.for %scan3A_97 = %scan3A_50 to %scan3A_52 step %scan3A_53  : i32 {
      %mul3A_98 = arith.constant 2 : i32
      %mul3A_99 = arith.muli %scan3A_97, %mul3A_98 : i32
      %add3A_100 = arith.constant 0 : i32
      %add3A_101 = arith.addi %mul3A_99, %add3A_100 : i32
      %mul3A_102 = arith.constant 80 : i32
      %mul3A_103 = arith.muli %add3A_101, %mul3A_102 : i32
      %dma_wait3A_104 = tpu.memref_slice %arg6[%mul3A_103] : memref<10000xi32, #tpu.memory_space<vmem>> -> memref<80xi32, #tpu.memory_space<vmem>>
      %dma_wait3A_105 = arith.constant 0 : i32
      %dma_wait3A_106 = arith.constant 0 : i32
      %dma_wait3A_107 = tpu.memref_slice %arg2[%dma_wait3A_105, %dma_wait3A_106] : memref<10240x128xf32, #tpu.memory_space<hbm>> -> memref<10240x128xf32, #tpu.memory_space<hbm>>
      tpu.wait_indirect_dma semaphore(%arg10 : memref<!tpu.dma_semaphore, #tpu.memory_space<semaphore_mem>>) src(%dma_wait3A_107 : memref<10240x128xf32, #tpu.memory_space<hbm>>) dst(%arg8 : memref<80x128xf32, #tpu.memory_space<vmem>>)
      %add3A_108 = arith.constant 0 : i32
      %add3A_109 = arith.addi %mul3A_99, %add3A_108 : i32
      %dma_start3A_110 = arith.constant 0 : i32
      %dma_start3A_111 = tpu.memref_slice %arg7[%add3A_109, %dma_start3A_110] : memref<125x80xi32, #tpu.memory_space<vmem>> -> memref<1x80xi32, #tpu.memory_space<vmem>>
      %dma_start3A_112 = tpu.memref_squeeze %dma_start3A_111 : memref<1x80xi32, #tpu.memory_space<vmem>> -> memref<80xi32, #tpu.memory_space<vmem>>
      %dma_start3A_113 = arith.constant 0 : i32
      %dma_start3A_114 = arith.constant 0 : i32
      %dma_start3A_115 = tpu.memref_slice %arg14[%dma_start3A_113, %dma_start3A_114] : memref<10240x128xf32, #tpu.memory_space<vmem_shared>> -> memref<10240x128xf32, #tpu.memory_space<vmem_shared>>
      tpu.enqueue_indirect_dma source(%arg8 : memref<80x128xf32, #tpu.memory_space<vmem>>) target(%dma_start3A_115 : memref<10240x128xf32, #tpu.memory_space<vmem_shared>>) offsets(%dma_start3A_112 : memref<80xi32, #tpu.memory_space<vmem>>) semaphore(%arg12 : memref<!tpu.dma_semaphore, #tpu.memory_space<semaphore_mem>>) {add = true}
      %add3A_116 = arith.constant 1 : i32
      %add3A_117 = arith.addi %mul3A_99, %add3A_116 : i32
      %mul3A_118 = arith.constant 80 : i32
      %mul3A_119 = arith.muli %add3A_117, %mul3A_118 : i32
      %dma_wait3A_120 = tpu.memref_slice %arg6[%mul3A_119] : memref<10000xi32, #tpu.memory_space<vmem>> -> memref<80xi32, #tpu.memory_space<vmem>>
      %dma_wait3A_121 = arith.constant 0 : i32
      %dma_wait3A_122 = arith.constant 0 : i32
      %dma_wait3A_123 = tpu.memref_slice %arg2[%dma_wait3A_121, %dma_wait3A_122] : memref<10240x128xf32, #tpu.memory_space<hbm>> -> memref<10240x128xf32, #tpu.memory_space<hbm>>
      tpu.wait_indirect_dma semaphore(%arg11 : memref<!tpu.dma_semaphore, #tpu.memory_space<semaphore_mem>>) src(%dma_wait3A_123 : memref<10240x128xf32, #tpu.memory_space<hbm>>) dst(%arg9 : memref<80x128xf32, #tpu.memory_space<vmem>>)
      %add3A_124 = arith.constant 1 : i32
      %add3A_125 = arith.addi %mul3A_99, %add3A_124 : i32
      %dma_start3A_126 = arith.constant 0 : i32
      %dma_start3A_127 = tpu.memref_slice %arg7[%add3A_125, %dma_start3A_126] : memref<125x80xi32, #tpu.memory_space<vmem>> -> memref<1x80xi32, #tpu.memory_space<vmem>>
      %dma_start3A_128 = tpu.memref_squeeze %dma_start3A_127 : memref<1x80xi32, #tpu.memory_space<vmem>> -> memref<80xi32, #tpu.memory_space<vmem>>
      %dma_start3A_129 = arith.constant 0 : i32
      %dma_start3A_130 = arith.constant 0 : i32
      %dma_start3A_131 = tpu.memref_slice %arg14[%dma_start3A_129, %dma_start3A_130] : memref<10240x128xf32, #tpu.memory_space<vmem_shared>> -> memref<10240x128xf32, #tpu.memory_space<vmem_shared>>
      tpu.enqueue_indirect_dma source(%arg9 : memref<80x128xf32, #tpu.memory_space<vmem>>) target(%dma_start3A_131 : memref<10240x128xf32, #tpu.memory_space<vmem_shared>>) offsets(%dma_start3A_128 : memref<80xi32, #tpu.memory_space<vmem>>) semaphore(%arg13 : memref<!tpu.dma_semaphore, #tpu.memory_space<semaphore_mem>>) {add = true}
      %add3A_132 = arith.constant 0 : i32
      %add3A_133 = arith.addi %mul3A_99, %add3A_132 : i32
      %dma_wait3A_134 = arith.constant 0 : i32
      %dma_wait3A_135 = tpu.memref_slice %arg7[%add3A_133, %dma_wait3A_134] : memref<125x80xi32, #tpu.memory_space<vmem>> -> memref<1x80xi32, #tpu.memory_space<vmem>>
      %dma_wait3A_136 = tpu.memref_squeeze %dma_wait3A_135 : memref<1x80xi32, #tpu.memory_space<vmem>> -> memref<80xi32, #tpu.memory_space<vmem>>
      %dma_wait3A_137 = arith.constant 0 : i32
      %dma_wait3A_138 = arith.constant 0 : i32
      %dma_wait3A_139 = tpu.memref_slice %arg14[%dma_wait3A_137, %dma_wait3A_138] : memref<10240x128xf32, #tpu.memory_space<vmem_shared>> -> memref<10240x128xf32, #tpu.memory_space<vmem_shared>>
      tpu.wait_indirect_dma semaphore(%arg12 : memref<!tpu.dma_semaphore, #tpu.memory_space<semaphore_mem>>) src(%arg8 : memref<80x128xf32, #tpu.memory_space<vmem>>) dst(%dma_wait3A_139 : memref<10240x128xf32, #tpu.memory_space<vmem_shared>>)
      %add3A_140 = arith.constant 0 : i32
      %add3A_141 = arith.addi %mul3A_99, %add3A_140 : i32
      %add3A_142 = arith.constant 2 : i32
      %add3A_143 = arith.addi %add3A_141, %add3A_142 : i32
      %mul3A_144 = arith.constant 80 : i32
      %mul3A_145 = arith.muli %add3A_143, %mul3A_144 : i32
      %dma_start3A_146 = tpu.memref_slice %arg6[%mul3A_145] : memref<10000xi32, #tpu.memory_space<vmem>> -> memref<80xi32, #tpu.memory_space<vmem>>
      %dma_start3A_147 = arith.constant 0 : i32
      %dma_start3A_148 = arith.constant 0 : i32
      %dma_start3A_149 = tpu.memref_slice %arg2[%dma_start3A_147, %dma_start3A_148] : memref<10240x128xf32, #tpu.memory_space<hbm>> -> memref<10240x128xf32, #tpu.memory_space<hbm>>
      tpu.enqueue_indirect_dma source(%dma_start3A_149 : memref<10240x128xf32, #tpu.memory_space<hbm>>) target(%arg8 : memref<80x128xf32, #tpu.memory_space<vmem>>) offsets(%dma_start3A_146 : memref<80xi32, #tpu.memory_space<vmem>>) semaphore(%arg10 : memref<!tpu.dma_semaphore, #tpu.memory_space<semaphore_mem>>)
      %add3A_150 = arith.constant 1 : i32
      %add3A_151 = arith.addi %mul3A_99, %add3A_150 : i32
      %dma_wait3A_152 = arith.constant 0 : i32
      %dma_wait3A_153 = tpu.memref_slice %arg7[%add3A_151, %dma_wait3A_152] : memref<125x80xi32, #tpu.memory_space<vmem>> -> memref<1x80xi32, #tpu.memory_space<vmem>>
      %dma_wait3A_154 = tpu.memref_squeeze %dma_wait3A_153 : memref<1x80xi32, #tpu.memory_space<vmem>> -> memref<80xi32, #tpu.memory_space<vmem>>
      %dma_wait3A_155 = arith.constant 0 : i32
      %dma_wait3A_156 = arith.constant 0 : i32
      %dma_wait3A_157 = tpu.memref_slice %arg14[%dma_wait3A_155, %dma_wait3A_156] : memref<10240x128xf32, #tpu.memory_space<vmem_shared>> -> memref<10240x128xf32, #tpu.memory_space<vmem_shared>>
      tpu.wait_indirect_dma semaphore(%arg13 : memref<!tpu.dma_semaphore, #tpu.memory_space<semaphore_mem>>) src(%arg9 : memref<80x128xf32, #tpu.memory_space<vmem>>) dst(%dma_wait3A_157 : memref<10240x128xf32, #tpu.memory_space<vmem_shared>>)
      %add3A_158 = arith.constant 1 : i32
      %add3A_159 = arith.addi %mul3A_99, %add3A_158 : i32
      %add3A_160 = arith.constant 2 : i32
      %add3A_161 = arith.addi %add3A_159, %add3A_160 : i32
      %mul3A_162 = arith.constant 80 : i32
      %mul3A_163 = arith.muli %add3A_161, %mul3A_162 : i32
      %dma_start3A_164 = tpu.memref_slice %arg6[%mul3A_163] : memref<10000xi32, #tpu.memory_space<vmem>> -> memref<80xi32, #tpu.memory_space<vmem>>
      %dma_start3A_165 = arith.constant 0 : i32
      %dma_start3A_166 = arith.constant 0 : i32
      %dma_start3A_167 = tpu.memref_slice %arg2[%dma_start3A_165, %dma_start3A_166] : memref<10240x128xf32, #tpu.memory_space<hbm>> -> memref<10240x128xf32, #tpu.memory_space<hbm>>
      tpu.enqueue_indirect_dma source(%dma_start3A_167 : memref<10240x128xf32, #tpu.memory_space<hbm>>) target(%arg9 : memref<80x128xf32, #tpu.memory_space<vmem>>) offsets(%dma_start3A_164 : memref<80xi32, #tpu.memory_space<vmem>>) semaphore(%arg11 : memref<!tpu.dma_semaphore, #tpu.memory_space<semaphore_mem>>)
    }
    %scan3A_54 = arith.constant 61 : i32
    %dma_wait3A = arith.constant 9760 : i32
    %dma_wait3A_55 = tpu.memref_slice %arg6[%dma_wait3A] : memref<10000xi32, #tpu.memory_space<vmem>> -> memref<80xi32, #tpu.memory_space<vmem>>
    %dma_wait3A_56 = arith.constant 0 : i32
    %dma_wait3A_57 = arith.constant 0 : i32
    %dma_wait3A_58 = tpu.memref_slice %arg2[%dma_wait3A_56, %dma_wait3A_57] : memref<10240x128xf32, #tpu.memory_space<hbm>> -> memref<10240x128xf32, #tpu.memory_space<hbm>>
    tpu.wait_indirect_dma semaphore(%arg10 : memref<!tpu.dma_semaphore, #tpu.memory_space<semaphore_mem>>) src(%dma_wait3A_58 : memref<10240x128xf32, #tpu.memory_space<hbm>>) dst(%arg8 : memref<80x128xf32, #tpu.memory_space<vmem>>)
    %dma_start3A_59 = arith.constant 122 : i32
    %dma_start3A_60 = arith.constant 0 : i32
    %dma_start3A_61 = tpu.memref_slice %arg7[%dma_start3A_59, %dma_start3A_60] : memref<125x80xi32, #tpu.memory_space<vmem>> -> memref<1x80xi32, #tpu.memory_space<vmem>>
    %dma_start3A_62 = tpu.memref_squeeze %dma_start3A_61 : memref<1x80xi32, #tpu.memory_space<vmem>> -> memref<80xi32, #tpu.memory_space<vmem>>
    %dma_start3A_63 = arith.constant 0 : i32
    %dma_start3A_64 = arith.constant 0 : i32
    %dma_start3A_65 = tpu.memref_slice %arg14[%dma_start3A_63, %dma_start3A_64] : memref<10240x128xf32, #tpu.memory_space<vmem_shared>> -> memref<10240x128xf32, #tpu.memory_space<vmem_shared>>
    tpu.enqueue_indirect_dma source(%arg8 : memref<80x128xf32, #tpu.memory_space<vmem>>) target(%dma_start3A_65 : memref<10240x128xf32, #tpu.memory_space<vmem_shared>>) offsets(%dma_start3A_62 : memref<80xi32, #tpu.memory_space<vmem>>) semaphore(%arg12 : memref<!tpu.dma_semaphore, #tpu.memory_space<semaphore_mem>>) {add = true}
    %dma_wait3A_66 = arith.constant 9840 : i32
    %dma_wait3A_67 = tpu.memref_slice %arg6[%dma_wait3A_66] : memref<10000xi32, #tpu.memory_space<vmem>> -> memref<80xi32, #tpu.memory_space<vmem>>
    %dma_wait3A_68 = arith.constant 0 : i32
    %dma_wait3A_69 = arith.constant 0 : i32
    %dma_wait3A_70 = tpu.memref_slice %arg2[%dma_wait3A_68, %dma_wait3A_69] : memref<10240x128xf32, #tpu.memory_space<hbm>> -> memref<10240x128xf32, #tpu.memory_space<hbm>>
    tpu.wait_indirect_dma semaphore(%arg11 : memref<!tpu.dma_semaphore, #tpu.memory_space<semaphore_mem>>) src(%dma_wait3A_70 : memref<10240x128xf32, #tpu.memory_space<hbm>>) dst(%arg9 : memref<80x128xf32, #tpu.memory_space<vmem>>)
    %dma_start3A_71 = arith.constant 123 : i32
    %dma_start3A_72 = arith.constant 0 : i32
    %dma_start3A_73 = tpu.memref_slice %arg7[%dma_start3A_71, %dma_start3A_72] : memref<125x80xi32, #tpu.memory_space<vmem>> -> memref<1x80xi32, #tpu.memory_space<vmem>>
    %dma_start3A_74 = tpu.memref_squeeze %dma_start3A_73 : memref<1x80xi32, #tpu.memory_space<vmem>> -> memref<80xi32, #tpu.memory_space<vmem>>
    %dma_start3A_75 = arith.constant 0 : i32
    %dma_start3A_76 = arith.constant 0 : i32
    %dma_start3A_77 = tpu.memref_slice %arg14[%dma_start3A_75, %dma_start3A_76] : memref<10240x128xf32, #tpu.memory_space<vmem_shared>> -> memref<10240x128xf32, #tpu.memory_space<vmem_shared>>
    tpu.enqueue_indirect_dma source(%arg9 : memref<80x128xf32, #tpu.memory_space<vmem>>) target(%dma_start3A_77 : memref<10240x128xf32, #tpu.memory_space<vmem_shared>>) offsets(%dma_start3A_74 : memref<80xi32, #tpu.memory_space<vmem>>) semaphore(%arg13 : memref<!tpu.dma_semaphore, #tpu.memory_space<semaphore_mem>>) {add = true}
    %dma_wait3A_78 = arith.constant 122 : i32
    %dma_wait3A_79 = arith.constant 0 : i32
    %dma_wait3A_80 = tpu.memref_slice %arg7[%dma_wait3A_78, %dma_wait3A_79] : memref<125x80xi32, #tpu.memory_space<vmem>> -> memref<1x80xi32, #tpu.memory_space<vmem>>
    %dma_wait3A_81 = tpu.memref_squeeze %dma_wait3A_80 : memref<1x80xi32, #tpu.memory_space<vmem>> -> memref<80xi32, #tpu.memory_space<vmem>>
    %dma_wait3A_82 = arith.constant 0 : i32
    %dma_wait3A_83 = arith.constant 0 : i32
    %dma_wait3A_84 = tpu.memref_slice %arg14[%dma_wait3A_82, %dma_wait3A_83] : memref<10240x128xf32, #tpu.memory_space<vmem_shared>> -> memref<10240x128xf32, #tpu.memory_space<vmem_shared>>
    tpu.wait_indirect_dma semaphore(%arg12 : memref<!tpu.dma_semaphore, #tpu.memory_space<semaphore_mem>>) src(%arg8 : memref<80x128xf32, #tpu.memory_space<vmem>>) dst(%dma_wait3A_84 : memref<10240x128xf32, #tpu.memory_space<vmem_shared>>)
    %dma_wait3A_85 = arith.constant 123 : i32
    %dma_wait3A_86 = arith.constant 0 : i32
    %dma_wait3A_87 = tpu.memref_slice %arg7[%dma_wait3A_85, %dma_wait3A_86] : memref<125x80xi32, #tpu.memory_space<vmem>> -> memref<1x80xi32, #tpu.memory_space<vmem>>
    %dma_wait3A_88 = tpu.memref_squeeze %dma_wait3A_87 : memref<1x80xi32, #tpu.memory_space<vmem>> -> memref<80xi32, #tpu.memory_space<vmem>>
    %dma_wait3A_89 = arith.constant 0 : i32
    %dma_wait3A_90 = arith.constant 0 : i32
    %dma_wait3A_91 = tpu.memref_slice %arg14[%dma_wait3A_89, %dma_wait3A_90] : memref<10240x128xf32, #tpu.memory_space<vmem_shared>> -> memref<10240x128xf32, #tpu.memory_space<vmem_shared>>
    tpu.wait_indirect_dma semaphore(%arg13 : memref<!tpu.dma_semaphore, #tpu.memory_space<semaphore_mem>>) src(%arg9 : memref<80x128xf32, #tpu.memory_space<vmem>>) dst(%dma_wait3A_91 : memref<10240x128xf32, #tpu.memory_space<vmem_shared>>)
    %barrier3A_92 = arith.constant 0 : index
    tpu.barrier barrier_id(%barrier3A_92)
    %mul3A_93 = arith.constant 640 : i32
    %mul3A_94 = arith.muli %arg1, %mul3A_93 : i32
    %mul3A_95 = arith.constant 640 : i32
    %mul3A_96 = arith.muli %arg1, %mul3A_95 : i32
    "tpu.region"() ({
      %run_scoped3A_97 = tpu.sem_alloc : memref<!tpu.dma_semaphore, #tpu.memory_space<semaphore_mem>>
      %dma_start3A_98 = arith.constant 0 : i32
      %dma_start3A_99 = tpu.memref_slice %arg5[%arg0, %mul3A_96, %dma_start3A_98] : memref<2x10240x128xf32, #tpu.memory_space<hbm>> -> memref<1x640x128xf32, #tpu.memory_space<hbm>>
      %dma_start3A_100 = tpu.memref_squeeze %dma_start3A_99 : memref<1x640x128xf32, #tpu.memory_space<hbm>> -> memref<640x128xf32, #tpu.memory_space<hbm>>
      %dma_start3A_101 = arith.constant 0 : i32
      %dma_start3A_102 = tpu.memref_slice %arg14[%mul3A_94, %dma_start3A_101] : memref<10240x128xf32, #tpu.memory_space<vmem_shared>> -> memref<640x128xf32, #tpu.memory_space<vmem_shared>>
      tpu.enqueue_dma source(%dma_start3A_102 : memref<640x128xf32, #tpu.memory_space<vmem_shared>>) target(%dma_start3A_100 : memref<640x128xf32, #tpu.memory_space<hbm>>) target_semaphore(%run_scoped3A_97 : memref<!tpu.dma_semaphore, #tpu.memory_space<semaphore_mem>>)
      %dma_wait3A_103 = arith.constant 0 : i32
      %dma_wait3A_104 = tpu.memref_slice %arg5[%arg0, %mul3A_96, %dma_wait3A_103] : memref<2x10240x128xf32, #tpu.memory_space<hbm>> -> memref<1x640x128xf32, #tpu.memory_space<hbm>>
      %dma_wait3A_105 = tpu.memref_squeeze %dma_wait3A_104 : memref<1x640x128xf32, #tpu.memory_space<hbm>> -> memref<640x128xf32, #tpu.memory_space<hbm>>
      %dma_wait3A_106 = arith.constant 0 : i32
      %dma_wait3A_107 = tpu.memref_slice %arg14[%mul3A_94, %dma_wait3A_106] : memref<10240x128xf32, #tpu.memory_space<vmem_shared>> -> memref<640x128xf32, #tpu.memory_space<vmem_shared>>
      tpu.wait_dma2 semaphore(%run_scoped3A_97 : memref<!tpu.dma_semaphore, #tpu.memory_space<semaphore_mem>>) src(%dma_wait3A_107 : memref<640x128xf32, #tpu.memory_space<vmem_shared>>) dst(%dma_wait3A_105 : memref<640x128xf32, #tpu.memory_space<hbm>>)
      tpu.yield
    }) : () -> ()
    return
  }
}

module attributes {stable_mosaic.version = 14 : i64} {
  func.func @_norms_body(%arg0: i32, %arg1: memref<2x2x1024x1xf32, #tpu.memory_space<vmem>>, %arg2: memref<1024x128xf32, #tpu.memory_space<vmem>>, %arg3: memref<1024x128xf32, #tpu.memory_space<vmem>>, %arg4: memref<1024x1xf32, #tpu.memory_space<vmem>>, %arg5: memref<1024x1xf32, #tpu.memory_space<vmem>>) attributes {dimension_semantics = [#tpu.dimension_semantics<arbitrary>], iteration_bounds = array<i64: 10>, scalar_prefetch = 0 : i64, scratch_operands = 0 : i64, tpu.core_type = #tpu.core_type<tc>, window_params = [{transform_indices = @transform_0, window_bounds = array<i64: 2, 2, 1024, 1>}, {transform_indices = @transform_1, window_bounds = array<i64: 1024, 128>}, {transform_indices = @transform_2, window_bounds = array<i64: 1024, 128>}, {transform_indices = @transform_3, window_bounds = array<i64: 1024, 1>}, {transform_indices = @transform_4, window_bounds = array<i64: 1024, 1>}]} {
    %get3A = arith.constant 0 : index
    %get3A_0 = arith.constant 0 : index
    %get3A_1 = arith.constant 0 : index
    %get3A_2 = arith.constant 0 : index
    %get3A_3 = vector.load %arg1[%get3A, %get3A_0, %get3A_1, %get3A_2] : memref<2x2x1024x1xf32, #tpu.memory_space<vmem>>, vector<2x2x1024x1xf32>
    %slice3A = vector.extract_strided_slice %get3A_3 {offsets = [0, 0, 0, 0], sizes = [1, 1, 1024, 1], strides = [1, 1, 1, 1]} : vector<2x2x1024x1xf32> to vector<1x1x1024x1xf32>
    %squeeze3A = vector.shape_cast %slice3A : vector<1x1x1024x1xf32> to vector<1024x1xf32>
    %slice3A_4 = vector.extract_strided_slice %get3A_3 {offsets = [1, 0, 0, 0], sizes = [1, 1, 1024, 1], strides = [1, 1, 1, 1]} : vector<2x2x1024x1xf32> to vector<1x1x1024x1xf32>
    %squeeze3A_5 = vector.shape_cast %slice3A_4 : vector<1x1x1024x1xf32> to vector<1024x1xf32>
    %add3A = arith.addf %squeeze3A, %squeeze3A_5 : vector<1024x1xf32>
    %slice3A_6 = vector.extract_strided_slice %get3A_3 {offsets = [0, 1, 0, 0], sizes = [1, 1, 1024, 1], strides = [1, 1, 1, 1]} : vector<2x2x1024x1xf32> to vector<1x1x1024x1xf32>
    %squeeze3A_7 = vector.shape_cast %slice3A_6 : vector<1x1x1024x1xf32> to vector<1024x1xf32>
    %slice3A_8 = vector.extract_strided_slice %get3A_3 {offsets = [1, 1, 0, 0], sizes = [1, 1, 1024, 1], strides = [1, 1, 1, 1]} : vector<2x2x1024x1xf32> to vector<1x1x1024x1xf32>
    %squeeze3A_9 = vector.shape_cast %slice3A_8 : vector<1x1x1024x1xf32> to vector<1024x1xf32>
    %add3A_10 = arith.addf %squeeze3A_7, %squeeze3A_9 : vector<1024x1xf32>
    %max3A = arith.constant 1.000000e+00 : f32
    %max3A_11 = vector.broadcast %max3A : f32 to vector<1024x1xf32>
    %max3A_12 = arith.maximumf %add3A, %max3A_11 : vector<1024x1xf32>
    %rsqrt3A = math.rsqrt %max3A_12 : vector<1024x1xf32>
    %max3A_13 = arith.constant 1.000000e+00 : f32
    %max3A_14 = vector.broadcast %max3A_13 : f32 to vector<1024x1xf32>
    %max3A_15 = arith.maximumf %add3A_10, %max3A_14 : vector<1024x1xf32>
    %rsqrt3A_16 = math.rsqrt %max3A_15 : vector<1024x1xf32>
    %get3A_17 = arith.constant 0 : index
    %get3A_18 = arith.constant 0 : index
    %get3A_19 = vector.load %arg2[%get3A_17, %get3A_18] : memref<1024x128xf32, #tpu.memory_space<vmem>>, vector<1024x128xf32>
    %mul3A = vector.broadcast %rsqrt3A : vector<1024x1xf32> to vector<1024x128xf32>
    %mul3A_20 = arith.mulf %get3A_19, %mul3A : vector<1024x128xf32>
    %swap3A = arith.constant 0 : index
    %swap3A_21 = arith.constant 0 : index
    %swap3A_22 = vector.load %arg3[%swap3A, %swap3A_21] : memref<1024x128xf32, #tpu.memory_space<vmem>>, vector<1024x128xf32>
    tpu.vector_store %arg3[%swap3A, %swap3A_21], %mul3A_20 {strides = array<i32>} : memref<1024x128xf32, #tpu.memory_space<vmem>>, vector<1024x128xf32>,
    %swap3A_23 = arith.constant 0 : index
    %swap3A_24 = arith.constant 0 : index
    %swap3A_25 = vector.load %arg4[%swap3A_23, %swap3A_24] : memref<1024x1xf32, #tpu.memory_space<vmem>>, vector<1024x1xf32>
    tpu.vector_store %arg4[%swap3A_23, %swap3A_24], %rsqrt3A {strides = array<i32>} : memref<1024x1xf32, #tpu.memory_space<vmem>>, vector<1024x1xf32>,
    %swap3A_26 = arith.constant 0 : index
    %swap3A_27 = arith.constant 0 : index
    %swap3A_28 = vector.load %arg5[%swap3A_26, %swap3A_27] : memref<1024x1xf32, #tpu.memory_space<vmem>>, vector<1024x1xf32>
    tpu.vector_store %arg5[%swap3A_26, %swap3A_27], %rsqrt3A_16 {strides = array<i32>} : memref<1024x1xf32, #tpu.memory_space<vmem>>, vector<1024x1xf32>,
    return
  }
  func.func @transform_0(%arg0: i32) -> (i32, i32, i32, i32) {
    %c0_i32 = arith.constant 0 : i32
    %c0_i32_0 = arith.constant 0 : i32
    %c0_i32_1 = arith.constant 0 : i32
    %c0_i32_2 = arith.constant 0 : i32
    return %c0_i32, %c0_i32_0, %arg0, %c0_i32_1 : i32, i32, i32, i32
  }
  func.func @transform_1(%arg0: i32) -> (i32, i32) {
    %c0_i32 = arith.constant 0 : i32
    %c0_i32_0 = arith.constant 0 : i32
    return %arg0, %c0_i32 : i32, i32
  }
  func.func @transform_2(%arg0: i32) -> (i32, i32) {
    %c0_i32 = arith.constant 0 : i32
    %c0_i32_0 = arith.constant 0 : i32
    return %arg0, %c0_i32 : i32, i32
  }
  func.func @transform_3(%arg0: i32) -> (i32, i32) {
    %c0_i32 = arith.constant 0 : i32
    %c0_i32_0 = arith.constant 0 : i32
    return %arg0, %c0_i32 : i32, i32
  }
  func.func @transform_4(%arg0: i32) -> (i32, i32) {
    %c0_i32 = arith.constant 0 : i32
    %c0_i32_0 = arith.constant 0 : i32
    return %arg0, %c0_i32 : i32, i32
  }
}

module attributes {stable_mosaic.version = 14 : i64} {
  func.func @_dense_body(%arg0: i32, %arg1: memref<2x1024x128xf32, #tpu.memory_space<vmem>>, %arg2: memref<1024x1xf32, #tpu.memory_space<vmem>>, %arg3: memref<1024x1xf32, #tpu.memory_space<vmem>>, %arg4: memref<128x256xf32, #tpu.memory_space<vmem>>, %arg5: memref<1x256xf32, #tpu.memory_space<vmem>>, %arg6: memref<256x16xf32, #tpu.memory_space<vmem>>, %arg7: memref<1024x16xf32, #tpu.memory_space<vmem>>) attributes {dimension_semantics = [#tpu.dimension_semantics<arbitrary>], iteration_bounds = array<i64: 10>, scalar_prefetch = 0 : i64, scratch_operands = 0 : i64, tpu.core_type = #tpu.core_type<tc>, window_params = [{transform_indices = @transform_0, window_bounds = array<i64: 2, 1024, 128>}, {transform_indices = @transform_1, window_bounds = array<i64: 1024, 1>}, {transform_indices = @transform_2, window_bounds = array<i64: 1024, 1>}, {pipeline_mode = #tpu.pipeline_mode<synchronous>, transform_indices = @transform_3, window_bounds = array<i64: 128, 256>}, {pipeline_mode = #tpu.pipeline_mode<synchronous>, transform_indices = @transform_4, window_bounds = array<i64: 1, 256>}, {pipeline_mode = #tpu.pipeline_mode<synchronous>, transform_indices = @transform_5, window_bounds = array<i64: 256, 16>}, {transform_indices = @transform_6, window_bounds = array<i64: 1024, 16>}]} {
    %get3A = arith.constant 0 : index
    %get3A_0 = arith.constant 0 : index
    %get3A_1 = arith.constant 0 : index
    %get3A_2 = vector.load %arg1[%get3A, %get3A_0, %get3A_1] : memref<2x1024x128xf32, #tpu.memory_space<vmem>>, vector<1x1024x128xf32>
    %get3A_3 = vector.shape_cast %get3A_2 : vector<1x1024x128xf32> to vector<1024x128xf32>
    %get3A_4 = arith.constant 1 : index
    %get3A_5 = arith.constant 0 : index
    %get3A_6 = arith.constant 0 : index
    %get3A_7 = vector.load %arg1[%get3A_4, %get3A_5, %get3A_6] : memref<2x1024x128xf32, #tpu.memory_space<vmem>>, vector<1x1024x128xf32>
    %get3A_8 = vector.shape_cast %get3A_7 : vector<1x1024x128xf32> to vector<1024x128xf32>
    %add3A = arith.addf %get3A_3, %get3A_8 : vector<1024x128xf32>
    %get3A_9 = arith.constant 0 : index
    %get3A_10 = arith.constant 0 : index
    %get3A_11 = vector.load %arg2[%get3A_9, %get3A_10] : memref<1024x1xf32, #tpu.memory_space<vmem>>, vector<1024x1xf32>
    %mul3A = vector.broadcast %get3A_11 : vector<1024x1xf32> to vector<1024x128xf32>
    %mul3A_12 = arith.mulf %add3A, %mul3A : vector<1024x128xf32>
    %get3A_13 = arith.constant 0 : index
    %get3A_14 = arith.constant 0 : index
    %get3A_15 = vector.load %arg4[%get3A_13, %get3A_14] : memref<128x256xf32, #tpu.memory_space<vmem>>, vector<128x256xf32>
    %dot_general3A = arith.constant dense<0.000000e+00> : vector<1024x256xf32>
    %dot_general3A_16 = tpu.matmul %mul3A_12, %get3A_15, %dot_general3A {dimension_numbers = #tpu.dot_dimension_numbers<[1], [0], [0], [1], [0, 0, 1, 1], [], []>, precision = #tpu.contract_precision<fp32>, transpose_lhs_hint = false} : vector<1024x128xf32>, vector<128x256xf32>, vector<1024x256xf32> -> vector<1024x256xf32>
    %get3A_17 = arith.constant 0 : index
    %get3A_18 = arith.constant 0 : index
    %get3A_19 = vector.load %arg5[%get3A_17, %get3A_18] : memref<1x256xf32, #tpu.memory_space<vmem>>, vector<1x256xf32>
    %add3A_20 = vector.broadcast %get3A_19 : vector<1x256xf32> to vector<1024x256xf32>
    %add3A_21 = arith.addf %dot_general3A_16, %add3A_20 : vector<1024x256xf32>
    %max3A = arith.constant 0.000000e+00 : f32
    %max3A_22 = vector.broadcast %max3A : f32 to vector<1024x256xf32>
    %max3A_23 = arith.maximumf %add3A_21, %max3A_22 : vector<1024x256xf32>
    %get3A_24 = arith.constant 0 : index
    %get3A_25 = arith.constant 0 : index
    %get3A_26 = vector.load %arg3[%get3A_24, %get3A_25] : memref<1024x1xf32, #tpu.memory_space<vmem>>, vector<1024x1xf32>
    %mul3A_27 = vector.broadcast %get3A_26 : vector<1024x1xf32> to vector<1024x256xf32>
    %mul3A_28 = arith.mulf %max3A_23, %mul3A_27 : vector<1024x256xf32>
    %get3A_29 = arith.constant 0 : index
    %get3A_30 = arith.constant 0 : index
    %get3A_31 = vector.load %arg6[%get3A_29, %get3A_30] : memref<256x16xf32, #tpu.memory_space<vmem>>, vector<256x16xf32>
    %dot_general3A_32 = arith.constant dense<0.000000e+00> : vector<1024x16xf32>
    %dot_general3A_33 = tpu.matmul %mul3A_28, %get3A_31, %dot_general3A_32 {dimension_numbers = #tpu.dot_dimension_numbers<[1], [0], [0], [1], [0, 0, 1, 1], [], []>, precision = #tpu.contract_precision<fp32>, transpose_lhs_hint = false} : vector<1024x256xf32>, vector<256x16xf32>, vector<1024x16xf32> -> vector<1024x16xf32>
    %swap3A = arith.constant 0 : index
    %swap3A_34 = arith.constant 0 : index
    %swap3A_35 = vector.load %arg7[%swap3A, %swap3A_34] : memref<1024x16xf32, #tpu.memory_space<vmem>>, vector<1024x16xf32>
    tpu.vector_store %arg7[%swap3A, %swap3A_34], %dot_general3A_33 {strides = array<i32>} : memref<1024x16xf32, #tpu.memory_space<vmem>>, vector<1024x16xf32>,
    return
  }
  func.func @transform_0(%arg0: i32) -> (i32, i32, i32) {
    %c0_i32 = arith.constant 0 : i32
    %c0_i32_0 = arith.constant 0 : i32
    %c0_i32_1 = arith.constant 0 : i32
    return %c0_i32, %arg0, %c0_i32_0 : i32, i32, i32
  }
  func.func @transform_1(%arg0: i32) -> (i32, i32) {
    %c0_i32 = arith.constant 0 : i32
    %c0_i32_0 = arith.constant 0 : i32
    return %arg0, %c0_i32 : i32, i32
  }
  func.func @transform_2(%arg0: i32) -> (i32, i32) {
    %c0_i32 = arith.constant 0 : i32
    %c0_i32_0 = arith.constant 0 : i32
    return %arg0, %c0_i32 : i32, i32
  }
  func.func @transform_3(%arg0: i32) -> (i32, i32) {
    %c0_i32 = arith.constant 0 : i32
    %c0_i32_0 = arith.constant 0 : i32
    %c0_i32_1 = arith.constant 0 : i32
    return %c0_i32, %c0_i32_0 : i32, i32
  }
  func.func @transform_4(%arg0: i32) -> (i32, i32) {
    %c0_i32 = arith.constant 0 : i32
    %c0_i32_0 = arith.constant 0 : i32
    %c0_i32_1 = arith.constant 0 : i32
    return %c0_i32, %c0_i32_0 : i32, i32
  }
  func.func @transform_5(%arg0: i32) -> (i32, i32) {
    %c0_i32 = arith.constant 0 : i32
    %c0_i32_0 = arith.constant 0 : i32
    %c0_i32_1 = arith.constant 0 : i32
    return %c0_i32, %c0_i32_0 : i32, i32
  }
  func.func @transform_6(%arg0: i32) -> (i32, i32) {
    %c0_i32 = arith.constant 0 : i32
    %c0_i32_0 = arith.constant 0 : i32
    return %arg0, %c0_i32 : i32, i32
  }
}

module attributes {stable_mosaic.version = 14 : i64} {
  func.func @_final_body(%arg0: i32, %arg1: memref<2x1024x16xf32, #tpu.memory_space<vmem>>, %arg2: memref<1024x1xf32, #tpu.memory_space<vmem>>, %arg3: memref<1x16xf32, #tpu.memory_space<vmem>>, %arg4: memref<1024x16xf32, #tpu.memory_space<vmem>>) attributes {dimension_semantics = [#tpu.dimension_semantics<arbitrary>], iteration_bounds = array<i64: 10>, scalar_prefetch = 0 : i64, scratch_operands = 0 : i64, tpu.core_type = #tpu.core_type<tc>, window_params = [{transform_indices = @transform_0, window_bounds = array<i64: 2, 1024, 16>}, {transform_indices = @transform_1, window_bounds = array<i64: 1024, 1>}, {pipeline_mode = #tpu.pipeline_mode<synchronous>, transform_indices = @transform_2, window_bounds = array<i64: 1, 16>}, {transform_indices = @transform_3, window_bounds = array<i64: 1024, 16>}]} {
    %get3A = arith.constant 0 : index
    %get3A_0 = arith.constant 0 : index
    %get3A_1 = arith.constant 0 : index
    %get3A_2 = vector.load %arg1[%get3A, %get3A_0, %get3A_1] : memref<2x1024x16xf32, #tpu.memory_space<vmem>>, vector<1x1024x16xf32>
    %get3A_3 = vector.shape_cast %get3A_2 : vector<1x1024x16xf32> to vector<1024x16xf32>
    %get3A_4 = arith.constant 1 : index
    %get3A_5 = arith.constant 0 : index
    %get3A_6 = arith.constant 0 : index
    %get3A_7 = vector.load %arg1[%get3A_4, %get3A_5, %get3A_6] : memref<2x1024x16xf32, #tpu.memory_space<vmem>>, vector<1x1024x16xf32>
    %get3A_8 = vector.shape_cast %get3A_7 : vector<1x1024x16xf32> to vector<1024x16xf32>
    %add3A = arith.addf %get3A_3, %get3A_8 : vector<1024x16xf32>
    %get3A_9 = arith.constant 0 : index
    %get3A_10 = arith.constant 0 : index
    %get3A_11 = vector.load %arg2[%get3A_9, %get3A_10] : memref<1024x1xf32, #tpu.memory_space<vmem>>, vector<1024x1xf32>
    %mul3A = vector.broadcast %get3A_11 : vector<1024x1xf32> to vector<1024x16xf32>
    %mul3A_12 = arith.mulf %add3A, %mul3A : vector<1024x16xf32>
    %get3A_13 = arith.constant 0 : index
    %get3A_14 = arith.constant 0 : index
    %get3A_15 = vector.load %arg3[%get3A_13, %get3A_14] : memref<1x16xf32, #tpu.memory_space<vmem>>, vector<1x16xf32>
    %add3A_16 = vector.broadcast %get3A_15 : vector<1x16xf32> to vector<1024x16xf32>
    %add3A_17 = arith.addf %mul3A_12, %add3A_16 : vector<1024x16xf32>
    %swap3A = arith.constant 0 : index
    %swap3A_18 = arith.constant 0 : index
    %swap3A_19 = vector.load %arg4[%swap3A, %swap3A_18] : memref<1024x16xf32, #tpu.memory_space<vmem>>, vector<1024x16xf32>
    tpu.vector_store %arg4[%swap3A, %swap3A_18], %add3A_17 {strides = array<i32>} : memref<1024x16xf32, #tpu.memory_space<vmem>>, vector<1024x16xf32>,
    return
  }
  func.func @transform_0(%arg0: i32) -> (i32, i32, i32) {
    %c0_i32 = arith.constant 0 : i32
    %c0_i32_0 = arith.constant 0 : i32
    %c0_i32_1 = arith.constant 0 : i32
    return %c0_i32, %arg0, %c0_i32_0 : i32, i32, i32
  }
  func.func @transform_1(%arg0: i32) -> (i32, i32) {
    %c0_i32 = arith.constant 0 : i32
    %c0_i32_0 = arith.constant 0 : i32
    return %arg0, %c0_i32 : i32, i32
  }
  func.func @transform_2(%arg0: i32) -> (i32, i32) {
    %c0_i32 = arith.constant 0 : i32
    %c0_i32_0 = arith.constant 0 : i32
    %c0_i32_1 = arith.constant 0 : i32
    return %c0_i32, %c0_i32_0 : i32, i32
  }
  func.func @transform_3(%arg0: i32) -> (i32, i32) {
    %c0_i32 = arith.constant 0 : i32
    %c0_i32_0 = arith.constant 0 : i32
    return %arg0, %c0_i32 : i32, i32
  }
}

</mosaic_0001>

<sc_bundles>
// kernel: kernel.11.cloned.1.call-start
scs
__scs_entry_jumppad:
0x0: {  	(pc) =	sbr.rel $0x88, $3  }
0x1: {  	(tag) =	ssettag $0x0;
	lr =	simm.s32 $0x1  }
0x2: {  	[smem:$0x3F9B] =	sst lr;
	_ =	strace $0xD0000000  }
0x3: {  	_ = 	snop  }
0x4: {  	_ = 	snop  }
0x5: {  	_ = 	snop  }
0x6: {  	_ = 	snop  }
0x7: {  	_ = 	snop  }
__scs_overlays_trampoline_lowered:
0x8: {  	[smem:$0x3FAA] =	sst s0  }
0x9: {  	[smem:$0x3FAB] =	sst s1  }
0xa: {  	[smem:$0x3FAC] =	sst s2  }
0xb: {  	[smem:$0x3FAD] =	sst s3  }
0xc: {  	[smem:$0x3FAE] =	sst s4  }
0xd: {  	[smem:$0x3FAF] =	sst s5  }
0xe: {  	[smem:$0x3FB0] =	sst s6  }
0xf: {  	[smem:$0x3FB1] =	sst s7  }
0x10: {  	[smem:$0x3FB2] =	sst s8  }
0x11: {  	[smem:$0x3FB3] =	sst s9;
	s0 =	simm.s32 @!p0 $0x0  }
0x12: {  	s1 =	sld [smem:$0x3F99];
	s0 =	simm.s32 @p0 $0x1  }
0x13: {  	[smem:$0x3FB4] =	sst s0;
	s0 =	simm.s32 @!p1 $0x0  }
0x14: {  	s2 =	sld [smem:$0x3F98];
	s0 =	simm.s32 @p1 $0x1  }
0x15: {  	[smem:$0x3FB5] =	sst s0;
	s0 =	simm.s32 @!p2 $0x0  }
0x16: {  	s3 =	sld [smem:$0x3FDB];
	s0 =	simm.s32 @p2 $0x1  }
0x17: {  	s4 =	simm.s32 $0x1BF5;
	[smem:$0x3FB7] =	sst s0  }
0x18: {  	s0 =	sld [smem:$0x3F9A];
	_ =	swait.ge [sflag:s4], $0x0  }
0x19: {  	s7 =	sld [smem:$0x3F9B]  }
0x1a: {  	s8 =	sadd.s32 $0xFFFFE003, lr  }
0x1b: {  	s9 =	sadd.s32 $0xFFFFFEF7, lr;
	s5 =	simm.s32 $0xFFFFFFFF;
	p2 =	slt.u32 s8, $0xFFFFF086  }
0x1c: {  	p1 =	slt.u32 s9, $0xF7A;
	s5 =	simm.s32 @!p2 $0x0  }
0x1d: {  	s5 =	simm.s32 @p1 $0x1;
	p0 =	seq.s32 s7, s2  }
0x1e: {  	s7 =	smul.u32 @!p0 $0xF7A, s2;
	p2 =	seq.s32 @!p0 s5, $0x0  }
0x1f: {  	s9 =	smul.u32 $0xF7A, s1;
	s8 =	simm.s32 @!p0 $0x1BF5;
	p2 =	por !p2, p0  }
0x20: {  	[sflag:s8] =	ssyncset.s32 @!p0 $0xFFFFF086;
	s6 =	sadd.s32 @!p0 s3, s7;
	s7 =	simm.s32 @!p0 $0x108  }
0x21: {  	s3 =	sadd.s32 s3, s9;
	s6 =	sadd.s32 @!p0 $0x88, s6;
	s7 =	simm.s32 @p2 $0x1082  }
0x22: {  	[simem:s7], [sflag:s8] =	dma.local @!p0 [hbm:s6], $0xF7A  }
0x23: {  	s9 =	sor.u32 $0xD0000000, s2;
	s6 =	simm.s32 $0x108;
	_ =	swait.ge @!p0 [sflag:s8], $0x0  }
0x24: {  	s3 =	sadd.s32 $0x88, s3;
	s6 =	simm.s32 @!p1 $0x1082;
	[sflag:s4] =	ssyncset.s32 $0xFFFFF086  }
0x25: {  	[simem:s6], [sflag:s4] =	dma.local [hbm:s3], $0xF7A  }
0x26: {  	[smem:$0x3F9B] =	sst s1;
	(tag) =	ssettag s2;
	_ =	strace s9  }
0x27: {  	s1 =	sld [smem:$0x3FAB]  }
0x28: {  	s2 =	sld [smem:$0x3FAC]  }
0x29: {  	s4 =	sld [smem:$0x3FAE]  }
0x2a: {  	p0 =	seq.s32 s5, $0x0;
	s5 =	sld [smem:$0x3FAF]  }
0x2b: {  	s6 =	sld [smem:$0x3FB0]  }
0x2c: {  	s7 =	sld [smem:$0x3FB1]  }
0x2d: {  	s3 =	simm.s32 $0x108;
	s8 =	sld [smem:$0x3FB2]  }
0x2e: {  	s3 =	simm.s32 @!p0 $0x1082;
	s9 =	sld [smem:$0x3FB3]  }
0x2f: {  	lr =	sadd.s32 s0, s3;
	s0 =	sld [smem:$0x3FAA]  }
0x30: {  	s3 =	sld [smem:$0x3FAD]  }
0x31: {  	[smem:$0x3FB6] =	sst s10  }
0x32: {  	s10 =	sld [smem:$0x3FB4];
	_ =	sdelay $0x3  }
0x33: {  	p0 =	seq.s32 s10, $0x1;
	s10 =	sld [smem:$0x3FB6];
	_ =	sdelay $0x3  }
0x34: {  	[smem:$0x3FB6] =	sst s10  }
0x35: {  	s10 =	sld [smem:$0x3FB5];
	_ =	sdelay $0x3  }
0x36: {  	p1 =	seq.s32 s10, $0x1;
	s10 =	sld [smem:$0x3FB6];
	_ =	sdelay $0x3  }
0x37: {  	[smem:$0x3FB6] =	sst s10  }
0x38: {  	s10 =	sld [smem:$0x3FB7]  }
0x39: {  	_ = 	snop;
	(pc) =	sbr.ind lr, $3  }
0x3a: {  	_ = 	snop  }
0x3b: {  	_ = 	snop  }
0x3c: {  	p2 =	seq.s32 s10, $0x1;
	s10 =	sld [smem:$0x3FB6]  }
0x3d: {  	_ =	shalt  }
0x3e: {  	_ =	shalt  }
0x3f: {  	_ =	shalt  }
0x40: {  	_ =	shalt  }
0x41: {  	_ =	shalt  }
0x42: {  	_ =	shalt  }
0x43: {  	_ =	shalt  }
0x44: {  	_ =	shalt  }
0x45: {  	_ =	shalt  }
0x46: {  	_ =	shalt  }
0x47: {  	_ =	shalt  }
0x48: {  	_ =	shalt  }
0x49: {  	_ =	shalt  }
0x4a: {  	_ =	shalt  }
0x4b: {  	_ =	shalt  }
0x4c: {  	_ =	shalt  }
0x4d: {  	_ =	shalt  }
0x4e: {  	_ =	shalt  }
0x4f: {  	_ =	shalt  }
0x50: {  	_ =	shalt  }
0x51: {  	_ =	shalt  }
0x52: {  	_ =	shalt  }
0x53: {  	_ =	shalt  }
0x54: {  	_ =	shalt  }
0x55: {  	_ =	shalt  }
0x56: {  	_ =	shalt  }
0x57: {  	_ =	shalt  }
0x58: {  	_ =	shalt  }
0x59: {  	_ =	shalt  }
0x5a: {  	_ =	shalt  }
0x5b: {  	_ =	shalt  }
0x5c: {  	_ =	shalt  }
0x5d: {  	_ =	shalt  }
0x5e: {  	_ =	shalt  }
0x5f: {  	_ =	shalt  }
0x60: {  	_ =	shalt  }
0x61: {  	_ =	shalt  }
0x62: {  	_ =	shalt  }
0x63: {  	_ =	shalt  }
0x64: {  	_ =	shalt  }
0x65: {  	_ =	shalt  }
0x66: {  	_ =	shalt  }
0x67: {  	_ =	shalt  }
0x68: {  	_ =	shalt  }
0x69: {  	_ =	shalt  }
0x6a: {  	_ =	shalt  }
0x6b: {  	_ =	shalt  }
0x6c: {  	_ =	shalt  }
0x6d: {  	_ =	shalt  }
0x6e: {  	_ =	shalt  }
0x6f: {  	_ =	shalt  }
0x70: {  	_ =	shalt  }
0x71: {  	_ =	shalt  }
0x72: {  	_ =	shalt  }
0x73: {  	_ =	shalt  }
0x74: {  	_ =	shalt  }
0x75: {  	_ =	shalt  }
0x76: {  	_ =	shalt  }
0x77: {  	_ =	shalt  }
0x78: {  	_ =	shalt  }
0x79: {  	_ =	shalt  }
0x7a: {  	_ =	shalt  }
0x7b: {  	_ =	shalt  }
0x7c: {  	_ =	shalt  }
0x7d: {  	_ =	shalt  }
0x7e: {  	_ =	shalt  }
0x7f: {  	_ =	shalt  }
0x80: {  	_ =	shalt  }
0x81: {  	_ =	shalt  }
0x82: {  	_ =	shalt  }
0x83: {  	_ =	shalt  }
0x84: {  	_ =	shalt  }
0x85: {  	_ =	shalt  }
0x86: {  	_ =	shalt  }
0x87: {  	_ =	shalt  }
.Lfunc_end0:
.L_simem_size_0:
called_computation.1_lowered:
.L_overlay_start_0:
0x88: {  	s2 =	sld [smem:$0x3FD9]  }
0x89: {  	s3 =	sld [smem:$0x3FFE];
	_ =	sdelay $0x1  }
0x8a: {  	s1 =	srdreg.scid  }
0x8b: {  	s0 =	sand.u32 $0x1, s1  }
0x8c: {  	s16 =	sshll.u32 s0, $0xA;
	s2 =	sadd.s32 s3, s2  }
0x8d: {  	s2 =	sadd.s32 s2, s16  }
0x8e: {  	[smem:$0x3FC2] =	sst s2  }
0x8f: {  	_ = 	snop  }
0x90: {  	(tm) =	ssettm $0x1  }
0x91: {  	s17 =	sld [smem:$0x3FFB];
	_ =	sdelay $0x3  }
0x92: {  	_ =	strace s17  }
0x93: {  	s2 =	sld [smem:$0x3FFC];
	_ =	sdelay $0x3  }
0x94: {  	_ =	strace s2  }
0x95: {  	s2 =	sld [smem:$0x3FFD];
	_ =	sdelay $0x3  }
0x96: {  	_ =	strace s2  }
0x97: {  	_ =	strace $0x8FFFFFFF  }
0x98: {  	s18 =	sld [smem:$0x3FDB];
	_ =	sdelay $0x1  }
0x99: {  	s19 =	simm.s32 $_scs_section_size  }
0x9a: {  	s4 =	simm.s32 $_size__tile_overlayer_lowered;
	s5 =	simm.s32 $_tile_overlayer_lowered  }
0x9b: {  	s22 =	simm.s32 $0x1BFF;
	s21 =	sshll.u32 s5, $0x1;
	s2 =	sadd.s32 s19, s18  }
0x9c: {  	s6 =	simm.s32 $0x0;
	s20 =	sshll.u32 s4, $0x1;
	s4 =	sadd.s32 s21, s2  }
0x9d: {  	[timem:s6], [sflag:s22] =	dma.local [hbm:s4], s20  }
0x9e: {  	_ =	swait.ge [sflag:s22], s20  }
0x9f: {  	s3 =	ssub.s32 $0x0, s20;
	[sflag:s22] =	ssyncset.done $0x0  }
0xa0: {  	[sflag:s22] =	ssyncadd.s32 s3;
	_ =	sdelay $0x1  }
0xa1: {  	s23 =	simm.s32 $0x1B8B  }
0xa2: {  	_ =	swait.ge [sflag:s23], $0x1  }
0xa3: {  	[sflag:s23] =	ssyncset.done $0x0  }
0xa4: {  	s25 =	simm.s32 $0x1B8E;
	s24 =	sld [smem:$0x3FFE];
	[sflag:s23] =	ssyncadd.s32 $0xFFFFFFFF  }
0xa5: {  	s26 =	simm.s32 $execute0_lowered;
	[smem:$0x3FD2] =	sst s25  }
0xa6: {  	s4 =	sshll.u32 s26, $0x1;
	_ =	strace $0x80000049;
	[dreg:$0x1] =	wrdreg $0xFFFFFFFF  }
0xa7: {  	s28 =	simm.s32 $_size_execute0_lowered;
	s2 =	sadd.s32 s2, s4;
	[dreg:$0x0] =	wrdreg $0x0  }
0xa8: {  	s4 =	sshll.u32 s28, $0x1;
	[dreg:$0x2] =	wrdreg s2  }
0xa9: {  	[dreg:$0x3] =	wrdreg s4  }
0xaa: {  	[dreg:$0x4] =	wrdreg $0xC0  }
0xab: {  	_ =	task [dreg:s6], $0x5FFFF  }
0xac: {  	[dreg:$0x1] =	wrdreg $0xFFFFFFFF  }
0xad: {  	[dreg:$0x0] =	wrdreg $0x60  }
0xae: {  	[dreg:$0x2] =	wrdreg s24  }
0xaf: {  	[dreg:$0x3] =	wrdreg $0xB7800  }
0xb0: {  	[dreg:$0x4] =	wrdreg $0x9  }
0xb1: {  	_ =	task.clear_ibuf [dreg:s6], $0x5FFFF;
	_ =	strace $0x90000049  }
0xb2: {  	s29 =	simm.s32 $0x9;
	_ =	strace $0x8000004B  }
0xb3: {  	_ =	swait.ge [sflag:s29], $0x1  }
0xb4: {  	[sflag:s29] =	ssyncadd.s32 $0xFFFFFFFF  }
0xb5: {  	_ =	strace $0x9000004B  }
0xb6: {  	_ =	sfence  }
0xb7: {  	s30 =	sld [smem:$0x0];
	_ =	sdelay $0x2  }
0xb8: {  	s31 =	sshll.u32 s1, $0xD;
	s1 =	sshrl.u32 s1, $0x2  }
0xb9: {  	s3 =	sand.u32 $0x4000, s31;
	s1 =	sadd.s32 s1, s30  }
0xba: {  	s0 =	sor.u32 s3, s0;
	s1 =	sshll.u32 s1, $0x11  }
0xbb: {  	s0 =	sor.u32 s1, s0  }
0xbc: {  	s0 =	sadd.s32 $0x8F2B, s0  }
0xbd: {  	[sflag:s0] =	ssyncadd.remote.s32 $0x1  }
0xbe: {  	_ =	sfence.sel $0xFFFF  }
0xbf: {  	[dreg:$0x0] =	wrdreg $0xFFFFFFFF;
	(pc) =	sbr.abs _section_cstart, $3  }
0xc0: {  	[dreg:$0x1] =	wrdreg $0xFFFFFFFF  }
0xc1: {  	_ =	task.clear_ibuf [dreg:s6], $0x2FFFF;
	_ =	strace $0x9FFFFFFF  }
0xc2: {  	(tm) =	ssettm $0x7FFFFFFF  }
0xc3: {  	_ =	shalt  }
tec
execute0_lowered:
.L_overlay_start_1:
0x0: {  	(tag) =	ssettag $0x1  }
0x1: {  	s0 =	srdreg.scid  }
0x2: {  	s9 =	stileid.u32;
	s1 =	rddreg [dreg:$0x0]  }
0x3: {  	s2 =	rddreg [dreg:$0x1];
	s17 =	simm.s32 $0x5;
	s19 =	simm.s32 $0x6780  }
0x4: {  	s20 =	simm.s32 $0x50;
	s22 =	simm.s32 $0x6580;
	s23 =	simm.s32 $0x8F80  }
0x5: {  	s24 =	simm.s32 $0x1;
	s28 =	simm.s32 $0x4;
	s29 =	simm.s32 $0x6480  }
0x6: {  	s30 =	simm.s32 $0x6500;
	s0 =	sand.u32 $0x1, s0;
	s8 =	smul.u32 $0x14000, s9  }
0x7: {  	s3 =	sshll.u32 s9, $0x1;
	s4 =	sadd.s32 $0x35800, s1;
	s9 =	smul.u32 $0x50000, s9  }
0x8: {  	s5 =	sor.u32 s0, s3;
	s3 =	simm.s32 $0x0;
	s7 =	smul.u32 $0x140000, s0  }
0x9: {  	s0 =	ssub.s32 $0x2, s0;
	s6 =	smul.u32 $0x4E2, s5;
	[smem:$0x7FF] =	sst s3  }
0xa: {  	s5 =	sshll.u32 s5, $0xB;
	s26 =	sshrl.u32 s0, $0x1;
	s31 =	sshrl.u32 s9, $0x2  }
0xb: {  	_ =	strace $0x8000004A;
	s10 =	sadd.s32 s5, s1;
	s25 =	sadd.s32 s8, s7  }
0xc: {  	s0 =	ssub.s32 s0, s26;
	s26 =	simm.s32 $0x3;
	s6 =	sadd.s32 s6, s1  }
0xd: {  	s5 =	sshrl.u32 s25, $0x3;
	s7 =	sadd.s32 $0x25800, s10;
	s16 =	smax.u32 s0, $0x1  }
0xe: {  	s25 =	simm.s32 $0x2;
	s1 =	sadd.s32 s5, s1;
	s5 =	sadd.s32 s31, s2  }
0xf: {  	s6 =	sadd.s32 $0x1C00, s6;
	s8 =	sadd.s32 $0x2800, s5;
	s9 =	sadd.s32 $0x5000, s5  }
0x10: {  	s10 =	sadd.s32 $0x7800, s5;
	s11 =	sadd.s32 $0xA000, s5;
	s12 =	sadd.s32 $0xC800, s5  }
0x11: {  	v0 =	vimm.f32 $0.0e+00;
	s13 =	sadd.s32 $0xF000, s5;
	s14 =	sadd.s32 $0x11800, s5;
	s15 =	sadd.s32 $0x5D800, s1  }
.LBB2_1:
0x12: {  	s0 =	simm.s32 $0x70;
	s1 =	simm.s32 $0x3C0  }
.LBB2_2:
0x13: {  	p0 =	sne.s32 s1, $0x9FC0;
	[tilespmem:s0+$0x6780] =	vst v0  }
0x14: {  	[tilespmem:s0+$0x6710] =	vst v0  }
0x15: {  	[tilespmem:s0+$0x6720] =	vst v0  }
.Ltmp0:
0x16: {  	[tilespmem:s0+$0x6730] =	vst v0;
	(pc) =	sbr.rel @p0 .LBB2_2-.Ltmp0, $4  }
0x17: {  	[tilespmem:s0+$0x6740] =	vst v0  }
0x18: {  	[tilespmem:s0+$0x6750] =	vst v0  }
0x19: {  	[tilespmem:s0+$0x6760] =	vst v0  }
0x1a: {  	[tilespmem:s0+$0x6770] =	vst v0;
	s0 =	sshra.s32 s1, $0x2;
	s1 =	sadd.s32 $0x200, s1  }
0x1b: {  	[tilespmem:s0+$0x6780] =	vst v0  }
0x1c: {  	[tilespmem:s0+$0x6710] =	vst v0  }
0x1d: {  	[tilespmem:s0+$0x6720] =	vst v0  }
0x1e: {  	[tilespmem:s0+$0x6730] =	vst v0  }
0x1f: {  	[tilespmem:s0+$0x6740] =	vst v0  }
0x20: {  	[tilespmem:s0+$0x6750] =	vst v0  }
0x21: {  	[tilespmem:s0+$0x6760] =	vst v0  }
0x22: {  	[tilespmem:s0+$0x6770] =	vst v0;
	s18 =	simm.s32 $0x0  }
0x23: {  	[tilespmem:s18], [sflag:$0x5] =	stream.linear.gather [hbm4b:s6+s18], $0x2710, $0x38;
	[tilespmem:$0x1F780] =	vst v63  }
0x24: {  	_ =	swait.ge [sflag:s17], $0x2710  }
0x25: {  	[sflag:s17] =	ssyncset.done $0x0  }
0x26: {  	s1 =	simm.s32 $0x2780;
	[sflag:s17] =	ssyncadd.s32 $0xFFFFD8F0  }
0x27: {  	[tilespmem:s1], [sflag:$0x5] =	stream.linear.gather [hbm4b:s7+s18], $0x3E80, $0x38;
	[tilespmem:$0x1F780] =	vst v63  }
0x28: {  	_ =	swait.ge [sflag:s17], $0x3E80  }
0x29: {  	[sflag:s17] =	ssyncset.done $0x0  }
0x2a: {  	[sflag:s17] =	ssyncadd.s32 $0xFFFFC180  }
0x2b: {  	[spmem:s5] =	stream.linear.scatter [tilespmem:s19], [sflag:$0x5], $0x2800, $0x38;
	[tilespmem:$0x1F780] =	vst v63  }
0x2c: {  	_ =	swait.ge [sflag:s17], $0x2800  }
0x2d: {  	[sflag:s17] =	ssyncset.done $0x0  }
0x2e: {  	[sflag:s17] =	ssyncadd.s32 $0xFFFFD800  }
0x2f: {  	[spmem:s8] =	stream.linear.scatter [tilespmem:s19], [sflag:$0x5], $0x2800, $0x38;
	[tilespmem:$0x1F780] =	vst v63  }
0x30: {  	_ =	swait.ge [sflag:s17], $0x2800  }
0x31: {  	[sflag:s17] =	ssyncset.done $0x0  }
0x32: {  	[sflag:s17] =	ssyncadd.s32 $0xFFFFD800  }
0x33: {  	[spmem:s9] =	stream.linear.scatter [tilespmem:s19], [sflag:$0x5], $0x2800, $0x38;
	[tilespmem:$0x1F780] =	vst v63  }
0x34: {  	_ =	swait.ge [sflag:s17], $0x2800  }
0x35: {  	[sflag:s17] =	ssyncset.done $0x0  }
0x36: {  	[sflag:s17] =	ssyncadd.s32 $0xFFFFD800  }
0x37: {  	[spmem:s10] =	stream.linear.scatter [tilespmem:s19], [sflag:$0x5], $0x2800, $0x38;
	[tilespmem:$0x1F780] =	vst v63  }
0x38: {  	_ =	swait.ge [sflag:s17], $0x2800  }
0x39: {  	[sflag:s17] =	ssyncset.done $0x0  }
0x3a: {  	[sflag:s17] =	ssyncadd.s32 $0xFFFFD800  }
0x3b: {  	[spmem:s11] =	stream.linear.scatter [tilespmem:s19], [sflag:$0x5], $0x2800, $0x38;
	[tilespmem:$0x1F780] =	vst v63  }
0x3c: {  	_ =	swait.ge [sflag:s17], $0x2800  }
0x3d: {  	[sflag:s17] =	ssyncset.done $0x0  }
0x3e: {  	[sflag:s17] =	ssyncadd.s32 $0xFFFFD800  }
0x3f: {  	[spmem:s12] =	stream.linear.scatter [tilespmem:s19], [sflag:$0x5], $0x2800, $0x38;
	[tilespmem:$0x1F780] =	vst v63  }
0x40: {  	_ =	swait.ge [sflag:s17], $0x2800  }
0x41: {  	[sflag:s17] =	ssyncset.done $0x0  }
0x42: {  	[sflag:s17] =	ssyncadd.s32 $0xFFFFD800  }
0x43: {  	[spmem:s13] =	stream.linear.scatter [tilespmem:s19], [sflag:$0x5], $0x2800, $0x38;
	[tilespmem:$0x1F780] =	vst v63  }
0x44: {  	_ =	swait.ge [sflag:s17], $0x2800  }
0x45: {  	[sflag:s17] =	ssyncset.done $0x0  }
0x46: {  	[sflag:s17] =	ssyncadd.s32 $0xFFFFD800  }
0x47: {  	[spmem:s14] =	stream.linear.scatter [tilespmem:s19], [sflag:$0x5], $0x2800, $0x38;
	[tilespmem:$0x1F780] =	vst v63  }
0x48: {  	_ =	swait.ge [sflag:s17], $0x2800  }
0x49: {  	[sflag:s17] =	ssyncset.done $0x0  }
0x4a: {  	[sflag:s17] =	ssyncadd.s32 $0xFFFFD800  }
0x4b: {  	s21 =	simm.s32 $0x26C0;
	[bflag:$0x0] =	sbarrier.arrive $0xFFFF  }
0x4c: {  	[tilespmem:s19], [sflag:$0x5] =	stream.indirect.gather [hbm4b:s4+s20], $0x80, s21, s20, $0xb8;
	[tilespmem:$0x1F780] =	vst v63  }
0x4d: {  	_ =	swait.ge [sflag:s17], $0x2800  }
0x4e: {  	[sflag:s17] =	ssyncset.done $0x0  }
0x4f: {  	[sflag:s17] =	ssyncadd.s32 $0xFFFFD800  }
0x50: {  	[spmem:s2] =	stream.indirect.scatter.add.f32 [tilespmem:s19], [sflag:$0x5], $0x80, s22, s20, $0xb8;
	[tilespmem:$0x1F780] =	vst v63  }
0x51: {  	_ =	swait.ge [sflag:s17], $0x2800  }
0x52: {  	[sflag:s17] =	ssyncset.done $0x0  }
0x53: {  	[sflag:s17] =	ssyncadd.s32 $0xFFFFD800  }
0x54: {  	[tilespmem:s19], [sflag:$0x1] =	stream.indirect.gather [hbm4b:s4+s20], $0x80, s18, s20, $0xb8;
	[tilespmem:$0x1F780] =	vst v63  }
0x55: {  	_ = 	snop  }
0x56: {  	[tilespmem:s23], [sflag:$0x2] =	stream.indirect.gather [hbm4b:s4+s20], $0x80, s20, s20, $0xb8;
	[tilespmem:$0x1F780] =	vst v63  }
0x57: {  	_ =	swait.ge [sflag:s24], $0x2800  }
0x58: {  	[sflag:s24] =	ssyncset.done $0x0  }
0x59: {  	s1 =	simm.s32 $0x2780;
	[sflag:s24] =	ssyncadd.s32 $0xFFFFD800  }
0x5a: {  	[spmem:s2] =	stream.indirect.scatter.add.f32 [tilespmem:s19], [sflag:$0x3], $0x80, s1, s20, $0xb8;
	[tilespmem:$0x1F780] =	vst v63  }
0x5b: {  	_ =	swait.ge [sflag:s25], $0x2800  }
0x5c: {  	[sflag:s25] =	ssyncset.done $0x0  }
0x5d: {  	s18 =	simm.s32 $0x2800;
	[sflag:s25] =	ssyncadd.s32 $0xFFFFD800  }
0x5e: {  	[spmem:s2] =	stream.indirect.scatter.add.f32 [tilespmem:s23], [sflag:$0x4], $0x80, s18, s20, $0xb8;
	[tilespmem:$0x1F780] =	vst v63  }
0x5f: {  	_ =	swait.ge [sflag:s26], $0x2800  }
0x60: {  	[sflag:s26] =	ssyncset.done $0x0  }
0x61: {  	s21 =	simm.s32 $0xA0;
	[sflag:s26] =	ssyncadd.s32 $0xFFFFD800  }
0x62: {  	[tilespmem:s19], [sflag:$0x1] =	stream.indirect.gather [hbm4b:s4+s20], $0x80, s21, s20, $0xb8;
	[tilespmem:$0x1F780] =	vst v63  }
0x63: {  	_ =	swait.ge [sflag:s28], $0x2800  }
0x64: {  	s31 =	simm.s32 $0xF0;
	[sflag:s28] =	ssyncset.done $0x0  }
0x65: {  	s0 =	simm.s32 $0x190;
	s1 =	simm.s32 $0x400;
	[sflag:s28] =	ssyncadd.s32 $0xFFFFD800  }
.LBB2_4:
0x66: {  	[tilespmem:s23], [sflag:$0x2] =	stream.indirect.gather [hbm4b:s4+s20], $0x80, s31, s20, $0xb8;
	[tilespmem:$0x1F780] =	vst v63  }
0x67: {  	s18 =	smov.u32 s1;
	s31 =	smov.u32 s0  }
0x68: {  	p0 =	sne.s32 s1, $0xF000;
	s1 =	sadd.s32 $0x400, s1;
	_ =	swait.ge [sflag:s24], $0x2800  }
0x69: {  	s18 =	sshra.s32 s18, $0x2;
	[sflag:s24] =	ssyncset.done $0x0  }
0x6a: {  	s21 =	sadd.s32 $0x2780, s18;
	[sflag:s24] =	ssyncadd.s32 $0xFFFFD800  }
0x6b: {  	[spmem:s2] =	stream.indirect.scatter.add.f32 [tilespmem:s19], [sflag:$0x3], $0x80, s21, s20, $0xb8;
	[tilespmem:$0x1F780] =	vst v63  }
0x6c: {  	_ =	swait.ge [sflag:s25], $0x2800  }
0x6d: {  	[sflag:s25] =	ssyncset.done $0x0  }
0x6e: {  	s18 =	sadd.s32 $0x2800, s18;
	[sflag:s25] =	ssyncadd.s32 $0xFFFFD800  }
0x6f: {  	[spmem:s2] =	stream.indirect.scatter.add.f32 [tilespmem:s23], [sflag:$0x4], $0x80, s18, s20, $0xb8;
	[tilespmem:$0x1F780] =	vst v63  }
0x70: {  	_ =	swait.ge [sflag:s26], $0x2800  }
0x71: {  	[sflag:s26] =	ssyncset.done $0x0  }
.Ltmp1:
0x72: {  	s18 =	sadd.s32 $0xFFFFFFB0, s0;
	[sflag:s26] =	ssyncadd.s32 $0xFFFFD800;
	(pc) =	sbr.rel @p0 .LBB2_4-.Ltmp1, $4  }
0x73: {  	[tilespmem:s19], [sflag:$0x1] =	stream.indirect.gather [hbm4b:s4+s20], $0x80, s18, s20, $0xb8;
	[tilespmem:$0x1F780] =	vst v63  }
0x74: {  	_ =	swait.ge [sflag:s28], $0x2800  }
0x75: {  	[sflag:s28] =	ssyncset.done $0x0  }
0x76: {  	s0 =	sadd.s32 $0xA0, s0;
	[sflag:s28] =	ssyncadd.s32 $0xFFFFD800  }
0x77: {  	[tilespmem:s23], [sflag:$0x2] =	stream.indirect.gather [hbm4b:s4+s20], $0x80, s31, s20, $0xb8;
	[tilespmem:$0x1F780] =	vst v63  }
0x78: {  	_ =	swait.ge [sflag:s24], $0x2800  }
0x79: {  	[sflag:s24] =	ssyncset.done $0x0  }
0x7a: {  	[sflag:s24] =	ssyncadd.s32 $0xFFFFD800  }
0x7b: {  	[spmem:s2] =	stream.indirect.scatter.add.f32 [tilespmem:s19], [sflag:$0x3], $0x80, s29, s20, $0xb8;
	[tilespmem:$0x1F780] =	vst v63  }
0x7c: {  	_ =	swait.ge [sflag:s25], $0x2800  }
0x7d: {  	[sflag:s25] =	ssyncset.done $0x0  }
0x7e: {  	[sflag:s25] =	ssyncadd.s32 $0xFFFFD800  }
0x7f: {  	[spmem:s2] =	stream.indirect.scatter.add.f32 [tilespmem:s23], [sflag:$0x4], $0x80, s30, s20, $0xb8;
	[tilespmem:$0x1F780] =	vst v63  }
0x80: {  	_ =	swait.ge [sflag:s26], $0x2800  }
0x81: {  	[sflag:s26] =	ssyncset.done $0x0  }
0x82: {  	[sflag:s26] =	ssyncadd.s32 $0xFFFFD800  }
0x83: {  	s0 =	stileid.u32;
	_ =	swait.ge [sflag:s28], $0x2800  }
0x84: {  	s1 =	sshrl.u32 s5, $0x3;
	s3 =	sadd.s32 $0x1, s3;
	[sflag:s28] =	ssyncset.done $0x0  }
0x85: {  	s0 =	sshll.u32 s0, $0x6;
	p0 =	sne.s32 s3, s16;
	[sflag:s28] =	ssyncadd.s32 $0xFFFFD800  }
.Ltmp2:
0x86: {  	s0 =	sor.u32 $0x1C05, s0;
	[bflag:$0x0] =	sbarrier.arrive $0xFFFF;
	(pc) =	sbr.rel @p0 .LBB2_1-.Ltmp2, $4  }
0x87: {  	[hbm:s15], [sflag:s0] =	dma.local [spmem:s1], $0x2800  }
0x88: {  	_ =	swait.ge [sflag:s17], $0x2800  }
0x89: {  	[sflag:s17] =	ssyncset.done $0x0  }
0x8a: {  	[sflag:s17] =	ssyncadd.s32 $0xFFFFD800  }
0x8b: {  	_ =	sfence.sel $0x180000  }
0x8c: {  	[bflag:$0x0] =	sbarrier.arrive $0xFFFF  }
0x8d: {  	_ =	strace $0x9000004A  }
0x8e: {  	s0 =	stileid.u32;
	[bflag:$0x2] =	sbarrier.arrive $0xFFFF  }
0x8f: {  	p0 =	sne.s32 s0, $0x0;
	s0 =	rddreg [dreg:$0x2]  }
0x90: {  	s0 =	sadd.s32 @!p0 $0x100000, s0  }
0x91: {  	[sflag:s0] =	ssyncadd.tile.s32 @!p0 $0x1;
	_ =	shalt  }
.Lfunc_end2:
_tile_overlayer_lowered:
.L_overlay_start_2:
0x92: {  	(tag) =	ssettag $0x2  }
0x93: {  	s0 =	rddreg [dreg:$0x0];
	s2 =	stileid.u32  }
0x94: {  	s1 =	rddreg [dreg:$0x1];
	p0 =	sne.s32 s2, $0x0  }
0x95: {  	s3 =	rddreg [dreg:$0x2];
	[bflag:$0x3] =	sbarrier.arrive $0xFFFF;
	s2 =	simm.s32 @!p0 $0x1C05  }
0x96: {  	[timem:s3], [sflag:s2] =	dma.local @!p0 [hbm:s0], s1  }
0x97: {  	s0 =	simm.s32 @!p0 $0x5  }
0x98: {  	_ =	swait.ge @!p0 [sflag:s0], s1  }
0x99: {  	s1 =	ssub.s32 @!p0 $0x0, s1;
	[sflag:s0] =	ssyncset.done @!p0 $0x0  }
0x9a: {  	[sflag:s0] =	ssyncadd.s32 @!p0 s1  }
0x9b: {  	[bflag:$0x3] =	sbarrier.arrive $0xFFFF  }
0x9c: {  	_ =	shalt  }

// kernel: kernel.14.cloned.1.call-start
scs
__scs_entry_jumppad:
0x0: {  	(pc) =	sbr.rel $0x88, $3  }
0x1: {  	(tag) =	ssettag $0x0;
	lr =	simm.s32 $0x1  }
0x2: {  	[smem:$0x3F9B] =	sst lr;
	_ =	strace $0xD0000000  }
0x3: {  	_ = 	snop  }
0x4: {  	_ = 	snop  }
0x5: {  	_ = 	snop  }
0x6: {  	_ = 	snop  }
0x7: {  	_ = 	snop  }
__scs_overlays_trampoline_lowered:
0x8: {  	[smem:$0x3FAA] =	sst s0  }
0x9: {  	[smem:$0x3FAB] =	sst s1  }
0xa: {  	[smem:$0x3FAC] =	sst s2  }
0xb: {  	[smem:$0x3FAD] =	sst s3  }
0xc: {  	[smem:$0x3FAE] =	sst s4  }
0xd: {  	[smem:$0x3FAF] =	sst s5  }
0xe: {  	[smem:$0x3FB0] =	sst s6  }
0xf: {  	[smem:$0x3FB1] =	sst s7  }
0x10: {  	[smem:$0x3FB2] =	sst s8  }
0x11: {  	[smem:$0x3FB3] =	sst s9;
	s0 =	simm.s32 @!p0 $0x0  }
0x12: {  	s1 =	sld [smem:$0x3F99];
	s0 =	simm.s32 @p0 $0x1  }
0x13: {  	[smem:$0x3FB4] =	sst s0;
	s0 =	simm.s32 @!p1 $0x0  }
0x14: {  	s2 =	sld [smem:$0x3F98];
	s0 =	simm.s32 @p1 $0x1  }
0x15: {  	[smem:$0x3FB5] =	sst s0;
	s0 =	simm.s32 @!p2 $0x0  }
0x16: {  	s3 =	sld [smem:$0x3FDB];
	s0 =	simm.s32 @p2 $0x1  }
0x17: {  	s4 =	simm.s32 $0x1BF5;
	[smem:$0x3FB7] =	sst s0  }
0x18: {  	s0 =	sld [smem:$0x3F9A];
	_ =	swait.ge [sflag:s4], $0x0  }
0x19: {  	s7 =	sld [smem:$0x3F9B]  }
0x1a: {  	s8 =	sadd.s32 $0xFFFFE003, lr  }
0x1b: {  	s9 =	sadd.s32 $0xFFFFFEF7, lr;
	s5 =	simm.s32 $0xFFFFFFFF;
	p2 =	slt.u32 s8, $0xFFFFF086  }
0x1c: {  	p1 =	slt.u32 s9, $0xF7A;
	s5 =	simm.s32 @!p2 $0x0  }
0x1d: {  	s5 =	simm.s32 @p1 $0x1;
	p0 =	seq.s32 s7, s2  }
0x1e: {  	s7 =	smul.u32 @!p0 $0xF7A, s2;
	p2 =	seq.s32 @!p0 s5, $0x0  }
0x1f: {  	s9 =	smul.u32 $0xF7A, s1;
	s8 =	simm.s32 @!p0 $0x1BF5;
	p2 =	por !p2, p0  }
0x20: {  	[sflag:s8] =	ssyncset.s32 @!p0 $0xFFFFF086;
	s6 =	sadd.s32 @!p0 s3, s7;
	s7 =	simm.s32 @!p0 $0x108  }
0x21: {  	s3 =	sadd.s32 s3, s9;
	s6 =	sadd.s32 @!p0 $0x88, s6;
	s7 =	simm.s32 @p2 $0x1082  }
0x22: {  	[simem:s7], [sflag:s8] =	dma.local @!p0 [hbm:s6], $0xF7A  }
0x23: {  	s9 =	sor.u32 $0xD0000000, s2;
	s6 =	simm.s32 $0x108;
	_ =	swait.ge @!p0 [sflag:s8], $0x0  }
0x24: {  	s3 =	sadd.s32 $0x88, s3;
	s6 =	simm.s32 @!p1 $0x1082;
	[sflag:s4] =	ssyncset.s32 $0xFFFFF086  }
0x25: {  	[simem:s6], [sflag:s4] =	dma.local [hbm:s3], $0xF7A  }
0x26: {  	[smem:$0x3F9B] =	sst s1;
	(tag) =	ssettag s2;
	_ =	strace s9  }
0x27: {  	s1 =	sld [smem:$0x3FAB]  }
0x28: {  	s2 =	sld [smem:$0x3FAC]  }
0x29: {  	s4 =	sld [smem:$0x3FAE]  }
0x2a: {  	p0 =	seq.s32 s5, $0x0;
	s5 =	sld [smem:$0x3FAF]  }
0x2b: {  	s6 =	sld [smem:$0x3FB0]  }
0x2c: {  	s7 =	sld [smem:$0x3FB1]  }
0x2d: {  	s3 =	simm.s32 $0x108;
	s8 =	sld [smem:$0x3FB2]  }
0x2e: {  	s3 =	simm.s32 @!p0 $0x1082;
	s9 =	sld [smem:$0x3FB3]  }
0x2f: {  	lr =	sadd.s32 s0, s3;
	s0 =	sld [smem:$0x3FAA]  }
0x30: {  	s3 =	sld [smem:$0x3FAD]  }
0x31: {  	[smem:$0x3FB6] =	sst s10  }
0x32: {  	s10 =	sld [smem:$0x3FB4];
	_ =	sdelay $0x3  }
0x33: {  	p0 =	seq.s32 s10, $0x1;
	s10 =	sld [smem:$0x3FB6];
	_ =	sdelay $0x3  }
0x34: {  	[smem:$0x3FB6] =	sst s10  }
0x35: {  	s10 =	sld [smem:$0x3FB5];
	_ =	sdelay $0x3  }
0x36: {  	p1 =	seq.s32 s10, $0x1;
	s10 =	sld [smem:$0x3FB6];
	_ =	sdelay $0x3  }
0x37: {  	[smem:$0x3FB6] =	sst s10  }
0x38: {  	s10 =	sld [smem:$0x3FB7]  }
0x39: {  	_ = 	snop;
	(pc) =	sbr.ind lr, $3  }
0x3a: {  	_ = 	snop  }
0x3b: {  	_ = 	snop  }
0x3c: {  	p2 =	seq.s32 s10, $0x1;
	s10 =	sld [smem:$0x3FB6]  }
0x3d: {  	_ =	shalt  }
0x3e: {  	_ =	shalt  }
0x3f: {  	_ =	shalt  }
0x40: {  	_ =	shalt  }
0x41: {  	_ =	shalt  }
0x42: {  	_ =	shalt  }
0x43: {  	_ =	shalt  }
0x44: {  	_ =	shalt  }
0x45: {  	_ =	shalt  }
0x46: {  	_ =	shalt  }
0x47: {  	_ =	shalt  }
0x48: {  	_ =	shalt  }
0x49: {  	_ =	shalt  }
0x4a: {  	_ =	shalt  }
0x4b: {  	_ =	shalt  }
0x4c: {  	_ =	shalt  }
0x4d: {  	_ =	shalt  }
0x4e: {  	_ =	shalt  }
0x4f: {  	_ =	shalt  }
0x50: {  	_ =	shalt  }
0x51: {  	_ =	shalt  }
0x52: {  	_ =	shalt  }
0x53: {  	_ =	shalt  }
0x54: {  	_ =	shalt  }
0x55: {  	_ =	shalt  }
0x56: {  	_ =	shalt  }
0x57: {  	_ =	shalt  }
0x58: {  	_ =	shalt  }
0x59: {  	_ =	shalt  }
0x5a: {  	_ =	shalt  }
0x5b: {  	_ =	shalt  }
0x5c: {  	_ =	shalt  }
0x5d: {  	_ =	shalt  }
0x5e: {  	_ =	shalt  }
0x5f: {  	_ =	shalt  }
0x60: {  	_ =	shalt  }
0x61: {  	_ =	shalt  }
0x62: {  	_ =	shalt  }
0x63: {  	_ =	shalt  }
0x64: {  	_ =	shalt  }
0x65: {  	_ =	shalt  }
0x66: {  	_ =	shalt  }
0x67: {  	_ =	shalt  }
0x68: {  	_ =	shalt  }
0x69: {  	_ =	shalt  }
0x6a: {  	_ =	shalt  }
0x6b: {  	_ =	shalt  }
0x6c: {  	_ =	shalt  }
0x6d: {  	_ =	shalt  }
0x6e: {  	_ =	shalt  }
0x6f: {  	_ =	shalt  }
0x70: {  	_ =	shalt  }
0x71: {  	_ =	shalt  }
0x72: {  	_ =	shalt  }
0x73: {  	_ =	shalt  }
0x74: {  	_ =	shalt  }
0x75: {  	_ =	shalt  }
0x76: {  	_ =	shalt  }
0x77: {  	_ =	shalt  }
0x78: {  	_ =	shalt  }
0x79: {  	_ =	shalt  }
0x7a: {  	_ =	shalt  }
0x7b: {  	_ =	shalt  }
0x7c: {  	_ =	shalt  }
0x7d: {  	_ =	shalt  }
0x7e: {  	_ =	shalt  }
0x7f: {  	_ =	shalt  }
0x80: {  	_ =	shalt  }
0x81: {  	_ =	shalt  }
0x82: {  	_ =	shalt  }
0x83: {  	_ =	shalt  }
0x84: {  	_ =	shalt  }
0x85: {  	_ =	shalt  }
0x86: {  	_ =	shalt  }
0x87: {  	_ =	shalt  }
.Lfunc_end0:
.L_simem_size_0:
called_computation.2_lowered:
.L_overlay_start_0:
0x88: {  	s2 =	sld [smem:$0x3FD9]  }
0x89: {  	s3 =	sld [smem:$0x3FFE];
	_ =	sdelay $0x1  }
0x8a: {  	s1 =	srdreg.scid  }
0x8b: {  	s0 =	sand.u32 $0x1, s1  }
0x8c: {  	s16 =	sshll.u32 s0, $0xA;
	s2 =	sadd.s32 s3, s2  }
0x8d: {  	s2 =	sadd.s32 s2, s16  }
0x8e: {  	[smem:$0x3FC2] =	sst s2  }
0x8f: {  	_ = 	snop  }
0x90: {  	(tm) =	ssettm $0x1  }
0x91: {  	s17 =	sld [smem:$0x3FFB];
	_ =	sdelay $0x3  }
0x92: {  	_ =	strace s17  }
0x93: {  	s2 =	sld [smem:$0x3FFC];
	_ =	sdelay $0x3  }
0x94: {  	_ =	strace s2  }
0x95: {  	s2 =	sld [smem:$0x3FFD];
	_ =	sdelay $0x3  }
0x96: {  	_ =	strace s2  }
0x97: {  	_ =	strace $0x8FFFFFFF  }
0x98: {  	s18 =	sld [smem:$0x3FDB];
	_ =	sdelay $0x1  }
0x99: {  	s19 =	simm.s32 $_scs_section_size  }
0x9a: {  	s4 =	simm.s32 $_size__tile_overlayer_lowered;
	s5 =	simm.s32 $_tile_overlayer_lowered  }
0x9b: {  	s22 =	simm.s32 $0x1BFF;
	s21 =	sshll.u32 s5, $0x1;
	s2 =	sadd.s32 s19, s18  }
0x9c: {  	s6 =	simm.s32 $0x0;
	s20 =	sshll.u32 s4, $0x1;
	s4 =	sadd.s32 s21, s2  }
0x9d: {  	[timem:s6], [sflag:s22] =	dma.local [hbm:s4], s20  }
0x9e: {  	_ =	swait.ge [sflag:s22], s20  }
0x9f: {  	s3 =	ssub.s32 $0x0, s20;
	[sflag:s22] =	ssyncset.done $0x0  }
0xa0: {  	[sflag:s22] =	ssyncadd.s32 s3;
	_ =	sdelay $0x1  }
0xa1: {  	s23 =	simm.s32 $0x1B8B  }
0xa2: {  	_ =	swait.ge [sflag:s23], $0x1  }
0xa3: {  	[sflag:s23] =	ssyncset.done $0x0  }
0xa4: {  	s25 =	simm.s32 $0x1B8E;
	s24 =	sld [smem:$0x3FFE];
	[sflag:s23] =	ssyncadd.s32 $0xFFFFFFFF  }
0xa5: {  	s26 =	simm.s32 $execute0_lowered;
	[smem:$0x3FD2] =	sst s25  }
0xa6: {  	s4 =	sshll.u32 s26, $0x1;
	_ =	strace $0x8000004C;
	[dreg:$0x1] =	wrdreg $0xFFFFFFFF  }
0xa7: {  	s28 =	simm.s32 $_size_execute0_lowered;
	s2 =	sadd.s32 s2, s4;
	[dreg:$0x0] =	wrdreg $0x0  }
0xa8: {  	s4 =	sshll.u32 s28, $0x1;
	[dreg:$0x2] =	wrdreg s2  }
0xa9: {  	[dreg:$0x3] =	wrdreg s4  }
0xaa: {  	[dreg:$0x4] =	wrdreg $0xC0  }
0xab: {  	_ =	task [dreg:s6], $0x5FFFF  }
0xac: {  	[dreg:$0x1] =	wrdreg $0xFFFFFFFF  }
0xad: {  	[dreg:$0x0] =	wrdreg $0x60  }
0xae: {  	[dreg:$0x2] =	wrdreg s24  }
0xaf: {  	[dreg:$0x3] =	wrdreg $0x62200  }
0xb0: {  	[dreg:$0x4] =	wrdreg $0x9  }
0xb1: {  	_ =	task.clear_ibuf [dreg:s6], $0x5FFFF;
	_ =	strace $0x9000004C  }
0xb2: {  	s29 =	simm.s32 $0x9;
	_ =	strace $0x8000004E  }
0xb3: {  	_ =	swait.ge [sflag:s29], $0x1  }
0xb4: {  	[sflag:s29] =	ssyncadd.s32 $0xFFFFFFFF  }
0xb5: {  	_ =	strace $0x9000004E  }
0xb6: {  	_ =	sfence  }
0xb7: {  	s30 =	sld [smem:$0x0];
	_ =	sdelay $0x2  }
0xb8: {  	s31 =	sshll.u32 s1, $0xD;
	s1 =	sshrl.u32 s1, $0x2  }
0xb9: {  	s3 =	sand.u32 $0x4000, s31;
	s1 =	sadd.s32 s1, s30  }
0xba: {  	s0 =	sor.u32 s3, s0;
	s1 =	sshll.u32 s1, $0x11  }
0xbb: {  	s0 =	sor.u32 s1, s0  }
0xbc: {  	s0 =	sadd.s32 $0x8F2B, s0  }
0xbd: {  	[sflag:s0] =	ssyncadd.remote.s32 $0x1  }
0xbe: {  	_ =	sfence.sel $0xFFFF  }
0xbf: {  	[dreg:$0x0] =	wrdreg $0xFFFFFFFF;
	(pc) =	sbr.abs _section_cstart, $3  }
0xc0: {  	[dreg:$0x1] =	wrdreg $0xFFFFFFFF  }
0xc1: {  	_ =	task.clear_ibuf [dreg:s6], $0x2FFFF;
	_ =	strace $0x9FFFFFFF  }
0xc2: {  	(tm) =	ssettm $0x7FFFFFFF  }
0xc3: {  	_ =	shalt  }
tec
execute0_lowered:
.L_overlay_start_1:
0x0: {  	(tag) =	ssettag $0x1  }
0x1: {  	s0 =	rddreg [dreg:$0x0]  }
0x2: {  	s2 =	rddreg [dreg:$0x1];
	s3 =	simm.s32 $0x0  }
0x3: {  	s1 =	srdreg.scid;
	s8 =	stileid.u32;
	s17 =	simm.s32 $0x9  }
0x4: {  	s19 =	simm.s32 $0x4E20;
	s20 =	simm.s32 $0x50;
	s23 =	simm.s32 $0x5320  }
0x5: {  	s28 =	simm.s32 $0x5D20;
	s29 =	simm.s32 $0x1;
	s30 =	simm.s32 $0x2  }
0x6: {  	s31 =	simm.s32 $0x3;
	s18 =	simm.s32 $0x6;
	s21 =	simm.s32 $0x7  }
0x7: {  	s22 =	simm.s32 $0x8;
	s1 =	sand.u32 $0x1, s1;
	s7 =	smul.u32 $0x2800, s8  }
0x8: {  	s4 =	sshll.u32 s8, $0x1;
	[smem:$0x7FF] =	sst s3;
	s8 =	smul.u32 $0xA000, s8  }
0x9: {  	s5 =	sor.u32 s1, s4;
	s6 =	smul.u32 $0x28000, s1;
	_ =	strace $0x8000004D  }
0xa: {  	s4 =	sadd.s32 $0x15800, s0;
	s1 =	ssub.s32 $0x2, s1;
	s5 =	smul.u32 $0x4E2, s5  }
0xb: {  	s25 =	sshrl.u32 s1, $0x1;
	s8 =	sshrl.u32 s8, $0x2;
	s6 =	sadd.s32 s7, s6  }
0xc: {  	s1 =	ssub.s32 s1, s25;
	s14 =	sadd.s32 s8, s2;
	s7 =	sadd.s32 s7, s2  }
0xd: {  	s25 =	simm.s32 $0x5820;
	s9 =	sadd.s32 s5, s0;
	s24 =	sshrl.u32 s6, $0x3  }
0xe: {  	s8 =	sadd.s32 $0x500, s14;
	s10 =	sadd.s32 $0xF00, s14;
	s11 =	sadd.s32 $0x1400, s14  }
0xf: {  	s12 =	sadd.s32 $0x1900, s14;
	s13 =	sadd.s32 $0x1E00, s14;
	s16 =	smax.u32 s1, $0x1  }
0x10: {  	s1 =	simm.s32 $0x5;
	s0 =	sadd.s32 s24, s0;
	s26 =	sadd.s32 $0x1C00, s9  }
0x11: {  	s6 =	sadd.s32 $0xBA00, s9;
	s9 =	sadd.s32 $0xA00, s14;
	s14 =	sadd.s32 $0x2300, s14  }
0x12: {  	v0 =	vimm.f32 $0.0e+00;
	[dreg:$0x3] =	wrdreg s26;
	s15 =	sadd.s32 $0x1A800, s0;
	s0 =	simm.s32 $0x4  }
.LBB2_1:
0x13: {  	s24 =	simm.s32 $0x40;
	s26 =	simm.s32 $0x0  }
.LBB2_2:
0x14: {  	p0 =	sne.s32 s24, $0x13C0;
	[tilespmem:s26+$0x4E20] =	vst v0;
	s26 =	smov.u32 s24;
	s24 =	sadd.s32 $0x40, s24  }
.Ltmp0:
0x15: {  	(pc) =	sbr.rel @p0 .LBB2_2-.Ltmp0, $2  }
0x16: {  	_ =	sdelay $0x2  }
0x17: {  	s26 =	sshra.s32 s26, $0x2  }
0x18: {  	[tilespmem:s26+$0x4E20] =	vst v0;
	s24 =	simm.s32 $0x0;
	s5 =	rddreg [dreg:$0x3]  }
0x19: {  	[tilespmem:s24], [sflag:$0x9] =	stream.linear.gather [hbm4b:s5+s24], $0x2710, $0x38;
	[tilespmem:$0x8A20] =	vst v63  }
0x1a: {  	_ =	swait.ge [sflag:s17], $0x2710  }
0x1b: {  	[sflag:s17] =	ssyncset.done $0x0  }
0x1c: {  	s26 =	simm.s32 $0x2710;
	[sflag:s17] =	ssyncadd.s32 $0xFFFFD8F0  }
0x1d: {  	[tilespmem:s26], [sflag:$0x9] =	stream.linear.gather [hbm4b:s6+s24], $0x2710, $0x38;
	[tilespmem:$0x8A20] =	vst v63  }
0x1e: {  	_ =	swait.ge [sflag:s17], $0x2710  }
0x1f: {  	[sflag:s17] =	ssyncset.done $0x0  }
0x20: {  	[sflag:s17] =	ssyncadd.s32 $0xFFFFD8F0  }
0x21: {  	[spmem:s7] =	stream.linear.scatter [tilespmem:s19], [sflag:$0x9], $0x500, $0x38;
	[tilespmem:$0x8A20] =	vst v63  }
0x22: {  	_ =	swait.ge [sflag:s17], $0x500  }
0x23: {  	[sflag:s17] =	ssyncset.done $0x0  }
0x24: {  	[sflag:s17] =	ssyncadd.s32 $0xFFFFFB00  }
0x25: {  	[spmem:s8] =	stream.linear.scatter [tilespmem:s19], [sflag:$0x9], $0x500, $0x38;
	[tilespmem:$0x8A20] =	vst v63  }
0x26: {  	_ =	swait.ge [sflag:s17], $0x500  }
0x27: {  	[sflag:s17] =	ssyncset.done $0x0  }
0x28: {  	[sflag:s17] =	ssyncadd.s32 $0xFFFFFB00  }
0x29: {  	[spmem:s9] =	stream.linear.scatter [tilespmem:s19], [sflag:$0x9], $0x500, $0x38;
	[tilespmem:$0x8A20] =	vst v63  }
0x2a: {  	_ =	swait.ge [sflag:s17], $0x500  }
0x2b: {  	[sflag:s17] =	ssyncset.done $0x0  }
0x2c: {  	[sflag:s17] =	ssyncadd.s32 $0xFFFFFB00  }
0x2d: {  	[spmem:s10] =	stream.linear.scatter [tilespmem:s19], [sflag:$0x9], $0x500, $0x38;
	[tilespmem:$0x8A20] =	vst v63  }
0x2e: {  	_ =	swait.ge [sflag:s17], $0x500  }
0x2f: {  	[sflag:s17] =	ssyncset.done $0x0  }
0x30: {  	[sflag:s17] =	ssyncadd.s32 $0xFFFFFB00  }
0x31: {  	[spmem:s11] =	stream.linear.scatter [tilespmem:s19], [sflag:$0x9], $0x500, $0x38;
	[tilespmem:$0x8A20] =	vst v63  }
0x32: {  	_ =	swait.ge [sflag:s17], $0x500  }
0x33: {  	[sflag:s17] =	ssyncset.done $0x0  }
0x34: {  	[sflag:s17] =	ssyncadd.s32 $0xFFFFFB00  }
0x35: {  	[spmem:s12] =	stream.linear.scatter [tilespmem:s19], [sflag:$0x9], $0x500, $0x38;
	[tilespmem:$0x8A20] =	vst v63  }
0x36: {  	_ =	swait.ge [sflag:s17], $0x500  }
0x37: {  	[sflag:s17] =	ssyncset.done $0x0  }
0x38: {  	[sflag:s17] =	ssyncadd.s32 $0xFFFFFB00  }
0x39: {  	[spmem:s13] =	stream.linear.scatter [tilespmem:s19], [sflag:$0x9], $0x500, $0x38;
	[tilespmem:$0x8A20] =	vst v63  }
0x3a: {  	_ =	swait.ge [sflag:s17], $0x500  }
0x3b: {  	[sflag:s17] =	ssyncset.done $0x0  }
0x3c: {  	[sflag:s17] =	ssyncadd.s32 $0xFFFFFB00  }
0x3d: {  	[spmem:s14] =	stream.linear.scatter [tilespmem:s19], [sflag:$0x9], $0x500, $0x38;
	[tilespmem:$0x8A20] =	vst v63  }
0x3e: {  	_ =	swait.ge [sflag:s17], $0x500  }
0x3f: {  	[sflag:s17] =	ssyncset.done $0x0  }
0x40: {  	[sflag:s17] =	ssyncadd.s32 $0xFFFFFB00  }
0x41: {  	s26 =	simm.s32 $0x26C0;
	[bflag:$0x0] =	sbarrier.arrive $0xFFFF  }
0x42: {  	[tilespmem:s19], [sflag:$0x9] =	stream.indirect.gather [hbm4b:s4+s20], $0x10, s26, s20, $0xb8;
	[tilespmem:$0x8A20] =	vst v63  }
0x43: {  	_ =	swait.ge [sflag:s17], $0x500  }
0x44: {  	[sflag:s17] =	ssyncset.done $0x0  }
0x45: {  	s26 =	simm.s32 $0x4DD0;
	[sflag:s17] =	ssyncadd.s32 $0xFFFFFB00  }
0x46: {  	[spmem:s2] =	stream.indirect.scatter.add.f32 [tilespmem:s19], [sflag:$0x9], $0x10, s26, s20, $0xb8;
	[tilespmem:$0x8A20] =	vst v63  }
0x47: {  	_ =	swait.ge [sflag:s17], $0x500  }
0x48: {  	[sflag:s17] =	ssyncset.done $0x0  }
0x49: {  	[sflag:s17] =	ssyncadd.s32 $0xFFFFFB00  }
0x4a: {  	[tilespmem:s19], [sflag:$0x1] =	stream.indirect.gather [hbm4b:s4+s20], $0x10, s24, s20, $0xb8;
	[tilespmem:$0x8A20] =	vst v63  }
0x4b: {  	_ = 	snop  }
0x4c: {  	[tilespmem:s23], [sflag:$0x2] =	stream.indirect.gather [hbm4b:s4+s20], $0x10, s20, s20, $0xb8;
	[tilespmem:$0x8A20] =	vst v63  }
0x4d: {  	s26 =	simm.s32 $0xA0  }
0x4e: {  	[tilespmem:s25], [sflag:$0x3] =	stream.indirect.gather [hbm4b:s4+s20], $0x10, s26, s20, $0xb8;
	[tilespmem:$0x8A20] =	vst v63  }
0x4f: {  	s24 =	simm.s32 $0xF0  }
0x50: {  	[tilespmem:s28], [sflag:$0x4] =	stream.indirect.gather [hbm4b:s4+s20], $0x10, s24, s20, $0xb8;
	[tilespmem:$0x8A20] =	vst v63  }
0x51: {  	_ =	swait.ge [sflag:s29], $0x500  }
0x52: {  	[sflag:s29] =	ssyncset.done $0x0  }
0x53: {  	s26 =	simm.s32 $0x2710;
	[sflag:s29] =	ssyncadd.s32 $0xFFFFFB00  }
0x54: {  	[spmem:s2] =	stream.indirect.scatter.add.f32 [tilespmem:s19], [sflag:$0x5], $0x10, s26, s20, $0xb8;
	[tilespmem:$0x8A20] =	vst v63  }
0x55: {  	_ =	swait.ge [sflag:s30], $0x500  }
0x56: {  	[sflag:s30] =	ssyncset.done $0x0  }
0x57: {  	s5 =	simm.s32 $0x2760;
	[sflag:s30] =	ssyncadd.s32 $0xFFFFFB00  }
0x58: {  	[spmem:s2] =	stream.indirect.scatter.add.f32 [tilespmem:s23], [sflag:$0x6], $0x10, s5, s20, $0xb8;
	[tilespmem:$0x8A20] =	vst v63  }
0x59: {  	_ =	swait.ge [sflag:s31], $0x500  }
0x5a: {  	[sflag:s31] =	ssyncset.done $0x0  }
0x5b: {  	s26 =	simm.s32 $0x27B0;
	[sflag:s31] =	ssyncadd.s32 $0xFFFFFB00  }
0x5c: {  	[spmem:s2] =	stream.indirect.scatter.add.f32 [tilespmem:s25], [sflag:$0x7], $0x10, s26, s20, $0xb8;
	[tilespmem:$0x8A20] =	vst v63  }
0x5d: {  	_ =	swait.ge [sflag:s0], $0x500  }
0x5e: {  	[sflag:s0] =	ssyncset.done $0x0  }
0x5f: {  	s5 =	simm.s32 $0x2800;
	[sflag:s0] =	ssyncadd.s32 $0xFFFFFB00  }
0x60: {  	[spmem:s2] =	stream.indirect.scatter.add.f32 [tilespmem:s28], [sflag:$0x8], $0x10, s5, s20, $0xb8;
	[tilespmem:$0x8A20] =	vst v63  }
0x61: {  	_ =	swait.ge [sflag:s1], $0x500  }
0x62: {  	[sflag:s1] =	ssyncset.done $0x0  }
0x63: {  	s26 =	simm.s32 $0x140;
	[sflag:s1] =	ssyncadd.s32 $0xFFFFFB00  }
0x64: {  	[tilespmem:s19], [sflag:$0x1] =	stream.indirect.gather [hbm4b:s4+s20], $0x10, s26, s20, $0xb8;
	[tilespmem:$0x8A20] =	vst v63  }
0x65: {  	_ =	swait.ge [sflag:s18], $0x500  }
0x66: {  	[sflag:s18] =	ssyncset.done $0x0  }
0x67: {  	s5 =	simm.s32 $0x190;
	[sflag:s18] =	ssyncadd.s32 $0xFFFFFB00  }
0x68: {  	[tilespmem:s23], [sflag:$0x2] =	stream.indirect.gather [hbm4b:s4+s20], $0x10, s5, s20, $0xb8;
	[tilespmem:$0x8A20] =	vst v63  }
0x69: {  	_ =	swait.ge [sflag:s21], $0x500  }
0x6a: {  	[sflag:s21] =	ssyncset.done $0x0  }
0x6b: {  	s26 =	simm.s32 $0x1E0;
	[sflag:s21] =	ssyncadd.s32 $0xFFFFFB00  }
0x6c: {  	[tilespmem:s25], [sflag:$0x3] =	stream.indirect.gather [hbm4b:s4+s20], $0x10, s26, s20, $0xb8;
	[tilespmem:$0x8A20] =	vst v63  }
0x6d: {  	_ =	swait.ge [sflag:s22], $0x500  }
0x6e: {  	[sflag:s22] =	ssyncset.done $0x0  }
0x6f: {  	s24 =	simm.s32 $0x500;
	s26 =	simm.s32 $0x230;
	[sflag:s22] =	ssyncadd.s32 $0xFFFFFB00  }
.LBB2_4:
0x70: {  	[tilespmem:s28], [sflag:$0x4] =	stream.indirect.gather [hbm4b:s4+s20], $0x10, s26, s20, $0xb8;
	[tilespmem:$0x8A20] =	vst v63  }
0x71: {  	s26 =	smov.u32 s24  }
0x72: {  	p0 =	sne.s32 s24, $0x9100;
	s24 =	sadd.s32 $0x500, s24;
	_ =	swait.ge [sflag:s29], $0x500  }
0x73: {  	s26 =	sshra.s32 s26, $0x2;
	[sflag:s29] =	ssyncset.done $0x0  }
0x74: {  	s5 =	sadd.s32 $0x2710, s26;
	[sflag:s29] =	ssyncadd.s32 $0xFFFFFB00  }
0x75: {  	[spmem:s2] =	stream.indirect.scatter.add.f32 [tilespmem:s19], [sflag:$0x5], $0x10, s5, s20, $0xb8;
	[tilespmem:$0x8A20] =	vst v63  }
0x76: {  	_ =	swait.ge [sflag:s30], $0x500  }
0x77: {  	[sflag:s30] =	ssyncset.done $0x0  }
0x78: {  	s5 =	sadd.s32 $0x2760, s26;
	[sflag:s30] =	ssyncadd.s32 $0xFFFFFB00  }
0x79: {  	[spmem:s2] =	stream.indirect.scatter.add.f32 [tilespmem:s23], [sflag:$0x6], $0x10, s5, s20, $0xb8;
	[tilespmem:$0x8A20] =	vst v63  }
0x7a: {  	_ =	swait.ge [sflag:s31], $0x500  }
0x7b: {  	[sflag:s31] =	ssyncset.done $0x0  }
0x7c: {  	s5 =	sadd.s32 $0x27B0, s26;
	[sflag:s31] =	ssyncadd.s32 $0xFFFFFB00  }
0x7d: {  	[spmem:s2] =	stream.indirect.scatter.add.f32 [tilespmem:s25], [sflag:$0x7], $0x10, s5, s20, $0xb8;
	[tilespmem:$0x8A20] =	vst v63  }
0x7e: {  	_ =	swait.ge [sflag:s0], $0x500  }
0x7f: {  	[sflag:s0] =	ssyncset.done $0x0  }
0x80: {  	s5 =	sadd.s32 $0x2800, s26;
	[sflag:s0] =	ssyncadd.s32 $0xFFFFFB00  }
0x81: {  	[spmem:s2] =	stream.indirect.scatter.add.f32 [tilespmem:s28], [sflag:$0x8], $0x10, s5, s20, $0xb8;
	[tilespmem:$0x8A20] =	vst v63  }
0x82: {  	_ =	swait.ge [sflag:s1], $0x500  }
0x83: {  	[sflag:s1] =	ssyncset.done $0x0  }
0x84: {  	s5 =	sadd.s32 $0x140, s26;
	[sflag:s1] =	ssyncadd.s32 $0xFFFFFB00  }
0x85: {  	[tilespmem:s19], [sflag:$0x1] =	stream.indirect.gather [hbm4b:s4+s20], $0x10, s5, s20, $0xb8;
	[tilespmem:$0x8A20] =	vst v63  }
0x86: {  	_ =	swait.ge [sflag:s18], $0x500  }
0x87: {  	[sflag:s18] =	ssyncset.done $0x0  }
0x88: {  	s5 =	sadd.s32 $0x190, s26;
	[sflag:s18] =	ssyncadd.s32 $0xFFFFFB00  }
0x89: {  	[tilespmem:s23], [sflag:$0x2] =	stream.indirect.gather [hbm4b:s4+s20], $0x10, s5, s20, $0xb8;
	[tilespmem:$0x8A20] =	vst v63  }
0x8a: {  	_ =	swait.ge [sflag:s21], $0x500  }
0x8b: {  	[sflag:s21] =	ssyncset.done $0x0  }
.Ltmp1:
0x8c: {  	s5 =	sadd.s32 $0x1E0, s26;
	[sflag:s21] =	ssyncadd.s32 $0xFFFFFB00;
	(pc) =	sbr.rel @p0 .LBB2_4-.Ltmp1, $4  }
0x8d: {  	[tilespmem:s25], [sflag:$0x3] =	stream.indirect.gather [hbm4b:s4+s20], $0x10, s5, s20, $0xb8;
	[tilespmem:$0x8A20] =	vst v63  }
0x8e: {  	_ =	swait.ge [sflag:s22], $0x500  }
0x8f: {  	[sflag:s22] =	ssyncset.done $0x0  }
0x90: {  	s26 =	sadd.s32 $0x230, s26;
	[sflag:s22] =	ssyncadd.s32 $0xFFFFFB00  }
0x91: {  	[tilespmem:s28], [sflag:$0x4] =	stream.indirect.gather [hbm4b:s4+s20], $0x10, s26, s20, $0xb8;
	[tilespmem:$0x8A20] =	vst v63  }
0x92: {  	_ =	swait.ge [sflag:s29], $0x500  }
0x93: {  	[sflag:s29] =	ssyncset.done $0x0  }
0x94: {  	s5 =	simm.s32 $0x4C90;
	[sflag:s29] =	ssyncadd.s32 $0xFFFFFB00  }
0x95: {  	[spmem:s2] =	stream.indirect.scatter.add.f32 [tilespmem:s19], [sflag:$0x5], $0x10, s5, s20, $0xb8;
	[tilespmem:$0x8A20] =	vst v63  }
0x96: {  	_ =	swait.ge [sflag:s30], $0x500  }
0x97: {  	[sflag:s30] =	ssyncset.done $0x0  }
0x98: {  	s24 =	simm.s32 $0x4CE0;
	[sflag:s30] =	ssyncadd.s32 $0xFFFFFB00  }
0x99: {  	[spmem:s2] =	stream.indirect.scatter.add.f32 [tilespmem:s23], [sflag:$0x6], $0x10, s24, s20, $0xb8;
	[tilespmem:$0x8A20] =	vst v63  }
0x9a: {  	_ =	swait.ge [sflag:s31], $0x500  }
0x9b: {  	[sflag:s31] =	ssyncset.done $0x0  }
0x9c: {  	s26 =	simm.s32 $0x4D30;
	[sflag:s31] =	ssyncadd.s32 $0xFFFFFB00  }
0x9d: {  	[spmem:s2] =	stream.indirect.scatter.add.f32 [tilespmem:s25], [sflag:$0x7], $0x10, s26, s20, $0xb8;
	[tilespmem:$0x8A20] =	vst v63  }
0x9e: {  	_ =	swait.ge [sflag:s0], $0x500  }
0x9f: {  	[sflag:s0] =	ssyncset.done $0x0  }
0xa0: {  	s24 =	simm.s32 $0x4D80;
	[sflag:s0] =	ssyncadd.s32 $0xFFFFFB00  }
0xa1: {  	[spmem:s2] =	stream.indirect.scatter.add.f32 [tilespmem:s28], [sflag:$0x8], $0x10, s24, s20, $0xb8;
	[tilespmem:$0x8A20] =	vst v63  }
0xa2: {  	_ =	swait.ge [sflag:s1], $0x500  }
0xa3: {  	[sflag:s1] =	ssyncset.done $0x0  }
0xa4: {  	[sflag:s1] =	ssyncadd.s32 $0xFFFFFB00  }
0xa5: {  	_ =	swait.ge [sflag:s18], $0x500  }
0xa6: {  	[sflag:s18] =	ssyncset.done $0x0  }
0xa7: {  	[sflag:s18] =	ssyncadd.s32 $0xFFFFFB00  }
0xa8: {  	_ =	swait.ge [sflag:s21], $0x500  }
0xa9: {  	[sflag:s21] =	ssyncset.done $0x0  }
0xaa: {  	[sflag:s21] =	ssyncadd.s32 $0xFFFFFB00  }
0xab: {  	s26 =	stileid.u32;
	_ =	swait.ge [sflag:s22], $0x500  }
0xac: {  	s3 =	sadd.s32 $0x1, s3;
	s5 =	sshll.u32 s26, $0x6;
	[sflag:s22] =	ssyncset.done $0x0  }
0xad: {  	p0 =	sne.s32 s3, s16;
	s5 =	sor.u32 $0x1C09, s5;
	[sflag:s22] =	ssyncadd.s32 $0xFFFFFB00  }
.Ltmp2:
0xae: {  	s24 =	sshrl.u32 s7, $0x3;
	[bflag:$0x0] =	sbarrier.arrive $0xFFFF;
	(pc) =	sbr.rel @p0 .LBB2_1-.Ltmp2, $4  }
0xaf: {  	[hbm:s15], [sflag:s5] =	dma.local [spmem:s24], $0x500  }
0xb0: {  	_ =	swait.ge [sflag:s17], $0x500  }
0xb1: {  	[sflag:s17] =	ssyncset.done $0x0  }
0xb2: {  	[sflag:s17] =	ssyncadd.s32 $0xFFFFFB00  }
0xb3: {  	_ =	sfence.sel $0x180000  }
0xb4: {  	[bflag:$0x0] =	sbarrier.arrive $0xFFFF  }
0xb5: {  	_ =	strace $0x9000004D  }
0xb6: {  	s0 =	stileid.u32;
	[bflag:$0x2] =	sbarrier.arrive $0xFFFF  }
0xb7: {  	p0 =	sne.s32 s0, $0x0;
	s0 =	rddreg [dreg:$0x2]  }
0xb8: {  	s0 =	sadd.s32 @!p0 $0x100000, s0  }
0xb9: {  	[sflag:s0] =	ssyncadd.tile.s32 @!p0 $0x1;
	_ =	shalt  }
.Lfunc_end2:
_tile_overlayer_lowered:
.L_overlay_start_2:
0xba: {  	(tag) =	ssettag $0x2  }
0xbb: {  	s0 =	rddreg [dreg:$0x0];
	s2 =	stileid.u32  }
0xbc: {  	s1 =	rddreg [dreg:$0x1];
	p0 =	sne.s32 s2, $0x0  }
0xbd: {  	s3 =	rddreg [dreg:$0x2];
	[bflag:$0x3] =	sbarrier.arrive $0xFFFF;
	s2 =	simm.s32 @!p0 $0x1C09  }
0xbe: {  	[timem:s3], [sflag:s2] =	dma.local @!p0 [hbm:s0], s1  }
0xbf: {  	s0 =	simm.s32 @!p0 $0x9  }
0xc0: {  	_ =	swait.ge @!p0 [sflag:s0], s1  }
0xc1: {  	s1 =	ssub.s32 @!p0 $0x0, s1;
	[sflag:s0] =	ssyncset.done @!p0 $0x0  }
0xc2: {  	[sflag:s0] =	ssyncadd.s32 @!p0 s1  }
0xc3: {  	[bflag:$0x3] =	sbarrier.arrive $0xFFFF  }
0xc4: {  	_ =	shalt  }

// kernel: kernel.8.cloned.1.call-start
scs
__scs_entry_jumppad:
0x0: {  	(pc) =	sbr.rel $0x88, $3  }
0x1: {  	(tag) =	ssettag $0x0;
	lr =	simm.s32 $0x1  }
0x2: {  	[smem:$0x3F9B] =	sst lr;
	_ =	strace $0xD0000000  }
0x3: {  	_ = 	snop  }
0x4: {  	_ = 	snop  }
0x5: {  	_ = 	snop  }
0x6: {  	_ = 	snop  }
0x7: {  	_ = 	snop  }
__scs_overlays_trampoline_lowered:
0x8: {  	[smem:$0x3FAA] =	sst s0  }
0x9: {  	[smem:$0x3FAB] =	sst s1  }
0xa: {  	[smem:$0x3FAC] =	sst s2  }
0xb: {  	[smem:$0x3FAD] =	sst s3  }
0xc: {  	[smem:$0x3FAE] =	sst s4  }
0xd: {  	[smem:$0x3FAF] =	sst s5  }
0xe: {  	[smem:$0x3FB0] =	sst s6  }
0xf: {  	[smem:$0x3FB1] =	sst s7  }
0x10: {  	[smem:$0x3FB2] =	sst s8  }
0x11: {  	[smem:$0x3FB3] =	sst s9;
	s0 =	simm.s32 @!p0 $0x0  }
0x12: {  	s1 =	sld [smem:$0x3F99];
	s0 =	simm.s32 @p0 $0x1  }
0x13: {  	[smem:$0x3FB4] =	sst s0;
	s0 =	simm.s32 @!p1 $0x0  }
0x14: {  	s2 =	sld [smem:$0x3F98];
	s0 =	simm.s32 @p1 $0x1  }
0x15: {  	[smem:$0x3FB5] =	sst s0;
	s0 =	simm.s32 @!p2 $0x0  }
0x16: {  	s3 =	sld [smem:$0x3FDB];
	s0 =	simm.s32 @p2 $0x1  }
0x17: {  	s4 =	simm.s32 $0x1BF5;
	[smem:$0x3FB7] =	sst s0  }
0x18: {  	s0 =	sld [smem:$0x3F9A];
	_ =	swait.ge [sflag:s4], $0x0  }
0x19: {  	s7 =	sld [smem:$0x3F9B]  }
0x1a: {  	s8 =	sadd.s32 $0xFFFFE003, lr  }
0x1b: {  	s9 =	sadd.s32 $0xFFFFFEF7, lr;
	s5 =	simm.s32 $0xFFFFFFFF;
	p2 =	slt.u32 s8, $0xFFFFF086  }
0x1c: {  	p1 =	slt.u32 s9, $0xF7A;
	s5 =	simm.s32 @!p2 $0x0  }
0x1d: {  	s5 =	simm.s32 @p1 $0x1;
	p0 =	seq.s32 s7, s2  }
0x1e: {  	s7 =	smul.u32 @!p0 $0xF7A, s2;
	p2 =	seq.s32 @!p0 s5, $0x0  }
0x1f: {  	s9 =	smul.u32 $0xF7A, s1;
	s8 =	simm.s32 @!p0 $0x1BF5;
	p2 =	por !p2, p0  }
0x20: {  	[sflag:s8] =	ssyncset.s32 @!p0 $0xFFFFF086;
	s6 =	sadd.s32 @!p0 s3, s7;
	s7 =	simm.s32 @!p0 $0x108  }
0x21: {  	s3 =	sadd.s32 s3, s9;
	s6 =	sadd.s32 @!p0 $0x88, s6;
	s7 =	simm.s32 @p2 $0x1082  }
0x22: {  	[simem:s7], [sflag:s8] =	dma.local @!p0 [hbm:s6], $0xF7A  }
0x23: {  	s9 =	sor.u32 $0xD0000000, s2;
	s6 =	simm.s32 $0x108;
	_ =	swait.ge @!p0 [sflag:s8], $0x0  }
0x24: {  	s3 =	sadd.s32 $0x88, s3;
	s6 =	simm.s32 @!p1 $0x1082;
	[sflag:s4] =	ssyncset.s32 $0xFFFFF086  }
0x25: {  	[simem:s6], [sflag:s4] =	dma.local [hbm:s3], $0xF7A  }
0x26: {  	[smem:$0x3F9B] =	sst s1;
	(tag) =	ssettag s2;
	_ =	strace s9  }
0x27: {  	s1 =	sld [smem:$0x3FAB]  }
0x28: {  	s2 =	sld [smem:$0x3FAC]  }
0x29: {  	s4 =	sld [smem:$0x3FAE]  }
0x2a: {  	p0 =	seq.s32 s5, $0x0;
	s5 =	sld [smem:$0x3FAF]  }
0x2b: {  	s6 =	sld [smem:$0x3FB0]  }
0x2c: {  	s7 =	sld [smem:$0x3FB1]  }
0x2d: {  	s3 =	simm.s32 $0x108;
	s8 =	sld [smem:$0x3FB2]  }
0x2e: {  	s3 =	simm.s32 @!p0 $0x1082;
	s9 =	sld [smem:$0x3FB3]  }
0x2f: {  	lr =	sadd.s32 s0, s3;
	s0 =	sld [smem:$0x3FAA]  }
0x30: {  	s3 =	sld [smem:$0x3FAD]  }
0x31: {  	[smem:$0x3FB6] =	sst s10  }
0x32: {  	s10 =	sld [smem:$0x3FB4];
	_ =	sdelay $0x3  }
0x33: {  	p0 =	seq.s32 s10, $0x1;
	s10 =	sld [smem:$0x3FB6];
	_ =	sdelay $0x3  }
0x34: {  	[smem:$0x3FB6] =	sst s10  }
0x35: {  	s10 =	sld [smem:$0x3FB5];
	_ =	sdelay $0x3  }
0x36: {  	p1 =	seq.s32 s10, $0x1;
	s10 =	sld [smem:$0x3FB6];
	_ =	sdelay $0x3  }
0x37: {  	[smem:$0x3FB6] =	sst s10  }
0x38: {  	s10 =	sld [smem:$0x3FB7]  }
0x39: {  	_ = 	snop;
	(pc) =	sbr.ind lr, $3  }
0x3a: {  	_ = 	snop  }
0x3b: {  	_ = 	snop  }
0x3c: {  	p2 =	seq.s32 s10, $0x1;
	s10 =	sld [smem:$0x3FB6]  }
0x3d: {  	_ =	shalt  }
0x3e: {  	_ =	shalt  }
0x3f: {  	_ =	shalt  }
0x40: {  	_ =	shalt  }
0x41: {  	_ =	shalt  }
0x42: {  	_ =	shalt  }
0x43: {  	_ =	shalt  }
0x44: {  	_ =	shalt  }
0x45: {  	_ =	shalt  }
0x46: {  	_ =	shalt  }
0x47: {  	_ =	shalt  }
0x48: {  	_ =	shalt  }
0x49: {  	_ =	shalt  }
0x4a: {  	_ =	shalt  }
0x4b: {  	_ =	shalt  }
0x4c: {  	_ =	shalt  }
0x4d: {  	_ =	shalt  }
0x4e: {  	_ =	shalt  }
0x4f: {  	_ =	shalt  }
0x50: {  	_ =	shalt  }
0x51: {  	_ =	shalt  }
0x52: {  	_ =	shalt  }
0x53: {  	_ =	shalt  }
0x54: {  	_ =	shalt  }
0x55: {  	_ =	shalt  }
0x56: {  	_ =	shalt  }
0x57: {  	_ =	shalt  }
0x58: {  	_ =	shalt  }
0x59: {  	_ =	shalt  }
0x5a: {  	_ =	shalt  }
0x5b: {  	_ =	shalt  }
0x5c: {  	_ =	shalt  }
0x5d: {  	_ =	shalt  }
0x5e: {  	_ =	shalt  }
0x5f: {  	_ =	shalt  }
0x60: {  	_ =	shalt  }
0x61: {  	_ =	shalt  }
0x62: {  	_ =	shalt  }
0x63: {  	_ =	shalt  }
0x64: {  	_ =	shalt  }
0x65: {  	_ =	shalt  }
0x66: {  	_ =	shalt  }
0x67: {  	_ =	shalt  }
0x68: {  	_ =	shalt  }
0x69: {  	_ =	shalt  }
0x6a: {  	_ =	shalt  }
0x6b: {  	_ =	shalt  }
0x6c: {  	_ =	shalt  }
0x6d: {  	_ =	shalt  }
0x6e: {  	_ =	shalt  }
0x6f: {  	_ =	shalt  }
0x70: {  	_ =	shalt  }
0x71: {  	_ =	shalt  }
0x72: {  	_ =	shalt  }
0x73: {  	_ =	shalt  }
0x74: {  	_ =	shalt  }
0x75: {  	_ =	shalt  }
0x76: {  	_ =	shalt  }
0x77: {  	_ =	shalt  }
0x78: {  	_ =	shalt  }
0x79: {  	_ =	shalt  }
0x7a: {  	_ =	shalt  }
0x7b: {  	_ =	shalt  }
0x7c: {  	_ =	shalt  }
0x7d: {  	_ =	shalt  }
0x7e: {  	_ =	shalt  }
0x7f: {  	_ =	shalt  }
0x80: {  	_ =	shalt  }
0x81: {  	_ =	shalt  }
0x82: {  	_ =	shalt  }
0x83: {  	_ =	shalt  }
0x84: {  	_ =	shalt  }
0x85: {  	_ =	shalt  }
0x86: {  	_ =	shalt  }
0x87: {  	_ =	shalt  }
.Lfunc_end0:
.L_simem_size_0:
called_computation_lowered:
.L_overlay_start_0:
0x88: {  	s2 =	sld [smem:$0x3FD9]  }
0x89: {  	s3 =	sld [smem:$0x3FFE];
	_ =	sdelay $0x1  }
0x8a: {  	s1 =	srdreg.scid  }
0x8b: {  	s0 =	sand.u32 $0x1, s1  }
0x8c: {  	s17 =	sshll.u32 s0, $0xA;
	s2 =	sadd.s32 s3, s2  }
0x8d: {  	s2 =	sadd.s32 s2, s17  }
0x8e: {  	[smem:$0x3FC2] =	sst s2  }
0x8f: {  	_ = 	snop  }
0x90: {  	s2 =	sld [smem:$0x3FD0];
	(tm) =	ssettm $0x1  }
0x91: {  	s18 =	sld [smem:$0x3FFB];
	_ =	sdelay $0x3  }
0x92: {  	_ =	strace s18  }
0x93: {  	s3 =	sld [smem:$0x3FFC];
	_ =	sdelay $0x3  }
0x94: {  	_ =	strace s3  }
0x95: {  	s3 =	sld [smem:$0x3FFD];
	_ =	sdelay $0x3  }
0x96: {  	_ =	strace s3  }
0x97: {  	_ =	strace $0x8FFFFFFF  }
0x98: {  	s19 =	sld [smem:$0x3FDB];
	_ =	sdelay $0x1  }
0x99: {  	s4 =	simm.s32 $_scs_section_size  }
0x9a: {  	s5 =	simm.s32 $_size__tile_overlayer_lowered;
	s6 =	simm.s32 $_tile_overlayer_lowered  }
0x9b: {  	s22 =	simm.s32 $0x1BFF;
	s21 =	sshll.u32 s6, $0x1;
	s3 =	sadd.s32 s4, s19  }
0x9c: {  	s7 =	simm.s32 $0x0;
	s20 =	sshll.u32 s5, $0x1;
	s5 =	sadd.s32 s21, s3  }
0x9d: {  	[timem:s7], [sflag:s22] =	dma.local [hbm:s5], s20  }
0x9e: {  	_ =	swait.ge [sflag:s22], s20  }
0x9f: {  	s4 =	ssub.s32 $0x0, s20;
	[sflag:s22] =	ssyncset.done $0x0  }
0xa0: {  	[sflag:s22] =	ssyncadd.s32 s4;
	_ =	sdelay $0x1  }
0xa1: {  	s23 =	simm.s32 $0x1B8B  }
0xa2: {  	_ =	swait.ge [sflag:s23], $0x1  }
0xa3: {  	[sflag:s23] =	ssyncset.done $0x0  }
0xa4: {  	s25 =	simm.s32 $0x1B8E;
	s24 =	sld [smem:$0x3FFE];
	[sflag:s23] =	ssyncadd.s32 $0xFFFFFFFF  }
0xa5: {  	s26 =	simm.s32 $execute0_lowered;
	[smem:$0x3FD2] =	sst s25  }
0xa6: {  	s5 =	sshll.u32 s26, $0x1;
	_ =	strace $0x80000046;
	[dreg:$0x1] =	wrdreg $0xFFFFFFFF  }
0xa7: {  	s28 =	simm.s32 $_size_execute0_lowered;
	s3 =	sadd.s32 s3, s5;
	[dreg:$0x0] =	wrdreg $0x0  }
0xa8: {  	s5 =	sshll.u32 s28, $0x1;
	[dreg:$0x2] =	wrdreg s3  }
0xa9: {  	[dreg:$0x3] =	wrdreg s5  }
0xaa: {  	[dreg:$0x4] =	wrdreg $0xC0  }
0xab: {  	_ =	task [dreg:s7], $0x5FFFF  }
0xac: {  	[dreg:$0x1] =	wrdreg $0xFFFFFFFF  }
0xad: {  	[dreg:$0x0] =	wrdreg $0x60  }
0xae: {  	[dreg:$0x2] =	wrdreg s24  }
0xaf: {  	[dreg:$0x3] =	wrdreg s2  }
0xb0: {  	[dreg:$0x4] =	wrdreg $0x83000  }
0xb1: {  	[dreg:$0x5] =	wrdreg $0x85800  }
0xb2: {  	[dreg:$0x6] =	wrdreg $0x9  }
0xb3: {  	_ =	task.clear_ibuf [dreg:s7], $0x7FFFF;
	_ =	strace $0x90000046  }
0xb4: {  	s29 =	simm.s32 $0x9;
	_ =	strace $0x80000048  }
0xb5: {  	_ =	swait.ge [sflag:s29], $0x1  }
0xb6: {  	[sflag:s29] =	ssyncadd.s32 $0xFFFFFFFF  }
0xb7: {  	_ =	strace $0x90000048  }
0xb8: {  	_ =	sfence  }
0xb9: {  	s30 =	sld [smem:$0x0];
	_ =	sdelay $0x2  }
0xba: {  	s31 =	sshll.u32 s1, $0xD;
	s1 =	sshrl.u32 s1, $0x2  }
0xbb: {  	s3 =	sand.u32 $0x4000, s31;
	s1 =	sadd.s32 s1, s30  }
0xbc: {  	s0 =	sor.u32 s3, s0;
	s1 =	sshll.u32 s1, $0x11  }
0xbd: {  	s0 =	sor.u32 s1, s0  }
0xbe: {  	s0 =	sadd.s32 $0x8F2B, s0  }
0xbf: {  	[sflag:s0] =	ssyncadd.remote.s32 $0x1  }
0xc0: {  	_ =	sfence.sel $0xFFFF  }
0xc1: {  	[dreg:$0x0] =	wrdreg $0xFFFFFFFF;
	(pc) =	sbr.abs _section_cstart, $3  }
0xc2: {  	[dreg:$0x1] =	wrdreg $0xFFFFFFFF  }
0xc3: {  	_ =	task.clear_ibuf [dreg:s7], $0x2FFFF;
	_ =	strace $0x9FFFFFFF  }
0xc4: {  	(tm) =	ssettm $0x7FFFFFFF  }
0xc5: {  	_ =	shalt  }
tec
execute0_lowered:
.L_overlay_start_1:
0x0: {  	(tag) =	ssettag $0x1  }
0x1: {  	s5 =	rddreg [dreg:$0x0]  }
0x2: {  	s8 =	rddreg [dreg:$0x1]  }
0x3: {  	s1 =	rddreg [dreg:$0x2]  }
0x4: {  	s3 =	rddreg [dreg:$0x3]  }
0x5: {  	s0 =	rddreg [dreg:$0x4];
	s6 =	srdreg.scid  }
0x6: {  	s4 =	simm.s32 $0x0;
	s2 =	stileid.u32;
	s13 =	simm.s32 $0x4000  }
0x7: {  	s14 =	simm.s32 $0x8080;
	s15 =	simm.s32 $0x50;
	s16 =	simm.s32 $0x8000  }
0x8: {  	s17 =	simm.s32 $0x1;
	s20 =	simm.s32 $0x20;
	s21 =	simm.s32 $0x10  }
0x9: {  	s22 =	simm.s32 $0x0;
	s6 =	sand.u32 $0x1, s6;
	s30 =	smul.u32 $0x500, s2  }
0xa: {  	s7 =	sshll.u32 s2, $0xC;
	[smem:$0x7FF] =	sst s4;
	s11 =	smul.u32 $0x280, s2  }
0xb: {  	s18 =	sshll.u32 s2, $0x6;
	s9 =	sshll.u32 s6, $0xB;
	s10 =	smul.u32 $0x5000, s6  }
0xc: {  	_ =	strace $0x80000047;
	s31 =	ssub.s32 $0x2, s6;
	s7 =	sor.u32 s9, s7  }
0xd: {  	s18 =	sor.u32 $0x1C02, s18;
	s6 =	sshrl.u32 s31, $0x1;
	s7 =	sadd.s32 s7, s5  }
0xe: {  	s9 =	sadd.s32 s30, s10;
	s12 =	ssub.s32 s31, s6;
	s5 =	sadd.s32 $0x15800, s7  }
0xf: {  	s9 =	sshrl.u32 s9, $0x3;
	s6 =	sadd.s32 $0x25800, s7;
	s7 =	sadd.s32 s11, s1  }
0x10: {  	s8 =	sadd.s32 s8, s9;
	s9 =	sadd.s32 s11, s3;
	s11 =	smax.u32 s12, $0x1  }
0x11: {  	v0 =	vimm.f32 $1.000000000e+00;
	v1 =	vimm.f32 $0.0e+00;
	s12 =	simm.s32 $0x2;
	s19 =	sshrl.u32 s7, $0x3;
	s10 =	sadd.s32 $0x10, s8  }
.LBB2_1:
0x12: {  	[tilespmem:$0x8000] =	vst v0  }
0x13: {  	[tilespmem:$0x8010] =	vst v0  }
0x14: {  	[tilespmem:$0x8020] =	vst v0  }
0x15: {  	[tilespmem:$0x8030] =	vst v0  }
0x16: {  	[tilespmem:$0x8040] =	vst v0  }
0x17: {  	[tilespmem:$0x8080] =	vst v1  }
0x18: {  	[tilespmem:$0x8090] =	vst v1  }
0x19: {  	[tilespmem:$0x80A0] =	vst v1  }
0x1a: {  	[tilespmem:$0x80B0] =	vst v1  }
0x1b: {  	[tilespmem:$0x80C0] =	vst v1  }
0x1c: {  	[tilespmem:$0x80D0] =	vst v1  }
0x1d: {  	[tilespmem:$0x80E0] =	vst v1  }
0x1e: {  	[tilespmem:$0x80F0] =	vst v1  }
0x1f: {  	[tilespmem:$0x8100] =	vst v1  }
0x20: {  	[tilespmem:$0x8110] =	vst v1  }
0x21: {  	[tilespmem:$0x8120] =	vst v1  }
0x22: {  	[tilespmem:$0x8130] =	vst v1  }
0x23: {  	[tilespmem:$0x8140] =	vst v1  }
0x24: {  	[tilespmem:$0x8150] =	vst v1  }
0x25: {  	[tilespmem:$0x8160] =	vst v1  }
0x26: {  	[tilespmem:$0x8170] =	vst v1  }
0x27: {  	[tilespmem:$0x8180] =	vst v1  }
0x28: {  	[tilespmem:$0x8190] =	vst v1  }
0x29: {  	[tilespmem:$0x81A0] =	vst v1  }
0x2a: {  	[tilespmem:$0x81B0] =	vst v1  }
0x2b: {  	[tilespmem:$0x81C0] =	vst v1  }
0x2c: {  	[tilespmem:$0x81D0] =	vst v1  }
0x2d: {  	[tilespmem:$0x81E0] =	vst v1  }
0x2e: {  	[tilespmem:$0x81F0] =	vst v1  }
0x2f: {  	[tilespmem:$0x8200] =	vst v1  }
0x30: {  	[tilespmem:$0x8210] =	vst v1  }
0x31: {  	[tilespmem:$0x8220] =	vst v1  }
0x32: {  	[tilespmem:$0x8230] =	vst v1  }
0x33: {  	[tilespmem:$0x8240] =	vst v1  }
0x34: {  	[tilespmem:$0x8250] =	vst v1  }
0x35: {  	[tilespmem:$0x8260] =	vst v1  }
0x36: {  	[tilespmem:$0x8270] =	vst v1  }
0x37: {  	[tilespmem:$0x8280] =	vst v1  }
0x38: {  	[tilespmem:$0x8290] =	vst v1  }
0x39: {  	[tilespmem:$0x82A0] =	vst v1  }
0x3a: {  	[tilespmem:$0x82B0] =	vst v1  }
0x3b: {  	[tilespmem:$0x82C0] =	vst v1  }
0x3c: {  	[tilespmem:$0x82D0] =	vst v1  }
0x3d: {  	[tilespmem:$0x82E0] =	vst v1  }
0x3e: {  	[tilespmem:$0x82F0] =	vst v1  }
0x3f: {  	[tilespmem:s4], [sflag:$0x2] =	stream.linear.gather [hbm4b:s5+s4], $0x3E80, $0x38;
	[tilespmem:$0x8800] =	vst v63  }
0x40: {  	_ =	swait.ge [sflag:s12], $0x3E80  }
0x41: {  	[sflag:s12] =	ssyncset.done $0x0  }
0x42: {  	[sflag:s12] =	ssyncadd.s32 $0xFFFFC180  }
0x43: {  	[tilespmem:s13], [sflag:$0x2] =	stream.linear.gather [hbm4b:s6+s4], $0x3E80, $0x38;
	[tilespmem:$0x8800] =	vst v63  }
0x44: {  	_ =	swait.ge [sflag:s12], $0x3E80  }
0x45: {  	[sflag:s12] =	ssyncset.done $0x0  }
0x46: {  	[sflag:s12] =	ssyncadd.s32 $0xFFFFC180  }
0x47: {  	[spmem:s7] =	stream.linear.scatter [tilespmem:s14], [sflag:$0x2], $0x280, $0x38;
	[tilespmem:$0x8800] =	vst v63  }
0x48: {  	_ =	swait.ge [sflag:s12], $0x280  }
0x49: {  	[sflag:s12] =	ssyncset.done $0x0  }
0x4a: {  	[sflag:s12] =	ssyncadd.s32 $0xFFFFFD80  }
0x4b: {  	[spmem:s9] =	stream.linear.scatter [tilespmem:s14], [sflag:$0x2], $0x280, $0x38;
	[tilespmem:$0x8800] =	vst v63  }
0x4c: {  	_ =	swait.ge [sflag:s12], $0x280  }
0x4d: {  	[sflag:s12] =	ssyncset.done $0x0  }
0x4e: {  	[sflag:s12] =	ssyncadd.s32 $0xFFFFFD80  }
0x4f: {  	s23 =	simm.s32 $0x0;
	[bflag:$0x0] =	sbarrier.arrive $0xFFFF  }
0x50: {  	[spmem:s1] =	stream.indirect.scatter.add.f32 [tilespmem:s16], [sflag:$0x1], $0x1, s23, s15, $0xb8;
	[tilespmem:$0x8800] =	vst v63  }
0x51: {  	s24 =	simm.s32 $0x4000;
	s23 =	simm.s32 $0x200  }
.LBB2_2:
0x52: {  	[spmem:s3] =	stream.indirect.scatter.add.f32 [tilespmem:s16], [sflag:$0x1], $0x1, s24, s15, $0xb8;
	[tilespmem:$0x8800] =	vst v63  }
0x53: {  	s24 =	smov.u32 s23;
	p0 =	sne.s32 s23, $0xF800  }
.Ltmp0:
0x54: {  	s23 =	sadd.s32 $0x200, s23;
	(pc) =	sbr.rel @p0 .LBB2_2-.Ltmp0, $4  }
0x55: {  	_ = 	snop  }
0x56: {  	s24 =	sshra.s32 s24, $0x2  }
0x57: {  	[spmem:s1] =	stream.indirect.scatter.add.f32 [tilespmem:s16], [sflag:$0x1], $0x1, s24, s15, $0xb8;
	[tilespmem:$0x8800] =	vst v63  }
0x58: {  	s24 =	sadd.s32 $0x4000, s24  }
0x59: {  	[spmem:s3] =	stream.indirect.scatter.add.f32 [tilespmem:s16], [sflag:$0x1], $0x1, s24, s15, $0xb8;
	[tilespmem:$0x8800] =	vst v63  }
0x5a: {  	_ =	swait.ge [sflag:s17], $0x50  }
0x5b: {  	[sflag:s17] =	ssyncset.done $0x0  }
0x5c: {  	[sflag:s17] =	ssyncadd.s32 $0xFFFFFFB0  }
0x5d: {  	_ =	swait.ge [sflag:s17], $0x50  }
0x5e: {  	s23 =	simm.s32 $0x7C;
	[sflag:s17] =	ssyncset.done $0x0  }
.LBB2_4:
0x5f: {  	p0 =	sne.s32 s23, $0x1;
	s23 =	sadd.s32 $0xFFFFFFFF, s23;
	[sflag:s17] =	ssyncadd.s32 $0xFFFFFFB0  }
.Ltmp1:
0x60: {  	_ =	swait.ge [sflag:s17], $0x50;
	(pc) =	sbr.rel @p0 .LBB2_4-.Ltmp1, $4  }
0x61: {  	[sflag:s17] =	ssyncset.done $0x0  }
0x62: {  	[sflag:s17] =	ssyncadd.s32 $0xFFFFFFB0  }
0x63: {  	_ =	swait.ge [sflag:s17], $0x50  }
0x64: {  	[sflag:s17] =	ssyncset.done $0x0  }
0x65: {  	[sflag:s17] =	ssyncadd.s32 $0xFFFFFFB0  }
0x66: {  	[bflag:$0x0] =	sbarrier.arrive $0xFFFF  }
0x67: {  	[hbm:s8@s20], [sflag:s18] =	dma.strided [spmem:s19@s21], $0x50, s17, $0x10   }
0x68: {  	s22 =	sadd.s32 $0x1, s22;
	_ =	swait.ge [sflag:s12], $0x50  }
0x69: {  	p0 =	sne.s32 s22, s11;
	[sflag:s12] =	ssyncset.done $0x0  }
.Ltmp2:
0x6a: {  	s23 =	sshrl.u32 s9, $0x3;
	[sflag:s12] =	ssyncadd.s32 $0xFFFFFFB0;
	(pc) =	sbr.rel @p0 .LBB2_1-.Ltmp2, $4  }
0x6b: {  	[hbm:s10@s20], [sflag:s18] =	dma.strided [spmem:s23@s21], $0x50, s17, $0x10   }
0x6c: {  	_ =	swait.ge [sflag:s12], $0x50  }
0x6d: {  	[sflag:s12] =	ssyncset.done $0x0  }
0x6e: {  	[sflag:s12] =	ssyncadd.s32 $0xFFFFFFB0  }
0x6f: {  	_ =	sfence.sel $0x180000  }
0x70: {  	[bflag:$0x0] =	sbarrier.arrive $0xFFFF  }
0x71: {  	p0 =	sne.s32 s2, $0x0;
	_ =	strace $0x90000047  }
0x72: {  	s0 =	sadd.s32 @!p0 $0x100000, s0;
	[bflag:$0x2] =	sbarrier.arrive $0xFFFF  }
0x73: {  	[sflag:s0] =	ssyncadd.tile.s32 @!p0 $0x1;
	_ =	shalt  }
.Lfunc_end2:
_tile_overlayer_lowered:
.L_overlay_start_2:
0x74: {  	(tag) =	ssettag $0x2  }
0x75: {  	s0 =	rddreg [dreg:$0x0];
	s2 =	stileid.u32  }
0x76: {  	s1 =	rddreg [dreg:$0x1];
	p0 =	sne.s32 s2, $0x0  }
0x77: {  	s3 =	rddreg [dreg:$0x2];
	[bflag:$0x3] =	sbarrier.arrive $0xFFFF;
	s2 =	simm.s32 @!p0 $0x1C02  }
0x78: {  	[timem:s3], [sflag:s2] =	dma.local @!p0 [hbm:s0], s1  }
0x79: {  	s0 =	simm.s32 @!p0 $0x2  }
0x7a: {  	_ =	swait.ge @!p0 [sflag:s0], s1  }
0x7b: {  	s1 =	ssub.s32 @!p0 $0x0, s1;
	[sflag:s0] =	ssyncset.done @!p0 $0x0  }
0x7c: {  	[sflag:s0] =	ssyncadd.s32 @!p0 s1  }
0x7d: {  	[bflag:$0x3] =	sbarrier.arrive $0xFFFF  }
0x7e: {  	_ =	shalt  }

</sc_bundles>
